<compile_context>
chip_gen: v7x
topology: tpu7x:2x2x1
jax: 0.10.2.dev20260603
libtpu: 0.0.44.dev20260713+nightly
codegen_flags: <defaults>
</compile_context>

<pallas_src>
import functools

import jax
import jax.numpy as jnp
from jax import lax
from jax.experimental import pallas as pl
from jax.experimental.pallas import tpu as pltpu
from jax.experimental.pallas import tpu_sc as plsc

N_NODES = 10000
N_PAD = 10240
N_EDGES = 160000
NC, NS = 2, 16
NW = NC * NS
EPW = N_EDGES // NW
CH = 128
NCHUNK = -(-EPW // CH)
EPWP = NCHUNK * CH
ZROWS = N_PAD // NS
TRASH = N_NODES + 8
EPS = 1e-5
BR = 1000
GRID = N_NODES // BR


def _sc_mesh():
    return plsc.VectorSubcoreMesh(
        core_axis_name="c", subcore_axis_name="s", num_cores=NC, num_subcores=NS
    )



@functools.partial(
    pl.kernel,
    out_type=jax.ShapeDtypeStruct((NC, N_PAD), jnp.float32),
    mesh=_sc_mesh(),
    scratch_types=[
        pltpu.VMEM((NCHUNK, CH), jnp.int32),
        pltpu.VMEM((CH,), jnp.float32),
        pltpu.VMEM_SHARED((N_PAD,), jnp.float32),
    ],
)
def _deg_kernel(dst_hbm, zeros_hbm, out_hbm, dstv, onesv, acc):
    c = lax.axis_index("c")
    s = lax.axis_index("s")
    wid = c * NS + s
    pltpu.sync_copy(zeros_hbm, acc.at[pl.ds(s * ZROWS, ZROWS)])
    pltpu.sync_copy(dst_hbm.at[wid], dstv)
    for i in range(CH // 16):
        onesv[pl.ds(i * 16, 16)] = jnp.ones((16,), jnp.float32)
    plsc.subcore_barrier()

    def body(j, carry):
        pltpu.sync_copy(onesv, acc.at[dstv.at[j]], add=True)
        return carry

    lax.fori_loop(0, NCHUNK, body, 0)
    plsc.subcore_barrier()
    pltpu.sync_copy(
        acc.at[pl.ds(s * ZROWS, ZROWS)], out_hbm.at[c, pl.ds(s * ZROWS, ZROWS)]
    )


def _make_scatter(d_feat, dtype=jnp.float32, nbuf=4):
    @functools.partial(
        pl.kernel,
        out_type=jax.ShapeDtypeStruct((NC, N_PAD, d_feat), dtype),
        mesh=_sc_mesh(),
        compiler_params=pltpu.CompilerParams(use_tc_tiling_on_sc=False),
        scratch_types=[
            pltpu.VMEM((NCHUNK, CH), jnp.int32),
            pltpu.VMEM((NCHUNK, CH), jnp.int32),
        ]
        + [pltpu.VMEM((CH, d_feat), dtype) for _ in range(nbuf)]
        + [pltpu.VMEM_SHARED((N_PAD, d_feat), dtype)]
        + [pltpu.SemaphoreType.DMA for _ in range(nbuf)],
    )
    def _scat(y_hbm, src_hbm, dst_hbm, zeros_hbm, out_hbm, srcv, dstv, *rest):
        rows = rest[:nbuf]
        acc = rest[nbuf]
        gsem = rest[nbuf + 1:]
        c = lax.axis_index("c")
        s = lax.axis_index("s")
        wid = c * NS + s
        pltpu.sync_copy(zeros_hbm, acc.at[pl.ds(s * ZROWS, ZROWS)])
        pltpu.sync_copy(src_hbm.at[wid], srcv)
        pltpu.sync_copy(dst_hbm.at[wid], dstv)
        plsc.subcore_barrier()
        for b in range(nbuf):
            pltpu.async_copy(y_hbm.at[srcv.at[b]], rows[b], gsem[b])

        def body(q, carry):
            for b in range(nbuf):
                j = nbuf * q + b
                pltpu.make_async_copy(y_hbm.at[srcv.at[j]], rows[b], gsem[b]).wait()
                pltpu.sync_copy(rows[b], acc.at[dstv.at[j]], add=True)

                @pl.when(j + nbuf < NCHUNK)
                def _():
                    pltpu.async_copy(y_hbm.at[srcv.at[j + nbuf]], rows[b], gsem[b])

            return carry

        lax.fori_loop(0, NCHUNK // nbuf, body, 0)
        for j in range(NCHUNK - NCHUNK % nbuf, NCHUNK):
            b = j % nbuf
            pltpu.make_async_copy(y_hbm.at[srcv.at[j]], rows[b], gsem[b]).wait()
            pltpu.sync_copy(rows[b], acc.at[dstv.at[j]], add=True)
        plsc.subcore_barrier()
        pltpu.sync_copy(
            acc.at[pl.ds(s * ZROWS, ZROWS)], out_hbm.at[c, pl.ds(s * ZROWS, ZROWS)]
        )

    return _scat


_scatter128 = _make_scatter(128, jnp.bfloat16, nbuf=5)
_scatter64 = _make_scatter(64, jnp.bfloat16, nbuf=8)



def _tc1_body(x_ref, w_ref, da_ref, db_ref, y16_ref, dinv_ref):
    deg = da_ref[...] + db_ref[...] + 1.0
    dinv = 1.0 / jnp.sqrt(deg)
    y = jnp.dot(x_ref[...], w_ref[...], preferred_element_type=jnp.float32) * dinv
    y16_ref[...] = y.astype(jnp.bfloat16)
    dinv_ref[...] = dinv


def _tc1(x, w1, da, db):
    return pl.pallas_call(
        _tc1_body,
        grid=(GRID,),
        in_specs=[
            pl.BlockSpec((BR, 256), lambda i: (i, 0)),
            pl.BlockSpec((256, 128), lambda i: (0, 0)),
            pl.BlockSpec((BR, 1), lambda i: (i, 0)),
            pl.BlockSpec((BR, 1), lambda i: (i, 0)),
        ],
        out_specs=[
            pl.BlockSpec((BR, 128), lambda i: (i, 0)),
            pl.BlockSpec((BR, 1), lambda i: (i, 0)),
        ],
        out_shape=[
            jax.ShapeDtypeStruct((N_NODES, 128), jnp.bfloat16),
            jax.ShapeDtypeStruct((N_NODES, 1), jnp.float32),
        ],
    )(x, w1, da, db)


def _bn_scale_shift(st_ref, g_ref, bt_ref):
    mean = st_ref[0:1, :] * (1.0 / N_NODES)
    var = st_ref[1:2, :] * (1.0 / N_NODES) - mean * mean
    scale = g_ref[...] / jnp.sqrt(var + EPS)
    shift = bt_ref[...] - mean * scale
    return scale, shift


def _pre_phase(acc_ref, yb_ref, dinv_ref, b_ref, pre_scr, st_scr):
    i = pl.program_id(1)
    a = acc_ref[0].astype(jnp.float32) + acc_ref[1].astype(jnp.float32)
    pre = (a + yb_ref[...].astype(jnp.float32)) * dinv_ref[...] + b_ref[...]
    pre_scr[pl.ds(i * BR, BR), :] = pre
    st = jnp.concatenate(
        [
            jnp.sum(pre, axis=0, keepdims=True),
            jnp.sum(pre * pre, axis=0, keepdims=True),
        ],
        axis=0,
    )

    @pl.when(i == 0)
    def _():
        st_scr[...] = st

    @pl.when(i > 0)
    def _():
        st_scr[...] += st



def _l1_body(acc_ref, yb_ref, dinv_ref, b_ref, g_ref, bt_ref, w_ref,
             h_ref, y2b_ref, pre_scr, st_scr):
    ph = pl.program_id(0)
    i = pl.program_id(1)

    @pl.when(ph == 0)
    def _():
        _pre_phase(acc_ref, yb_ref, dinv_ref, b_ref, pre_scr, st_scr)

    @pl.when(ph == 1)
    def _():
        scale, shift = _bn_scale_shift(st_scr, g_ref, bt_ref)
        h = jnp.maximum(pre_scr[pl.ds(i * BR, BR), :] * scale + shift, 0.0)
        h_ref[...] = h
        y2 = (
            jnp.dot(h, w_ref[...], preferred_element_type=jnp.float32)
            * dinv_ref[...]
        )
        y2b_ref[...] = y2.astype(jnp.bfloat16)


def _l1(acc, y1b, dinv, b, g, bt, w2):
    return pl.pallas_call(
        _l1_body,
        grid=(2, GRID),
        in_specs=[
            pl.BlockSpec((NC, BR, 128), lambda p, i: (0, i, 0)),
            pl.BlockSpec((BR, 128), lambda p, i: (i, 0)),
            pl.BlockSpec((BR, 1), lambda p, i: (i, 0)),
            pl.BlockSpec((1, 128), lambda p, i: (0, 0)),
            pl.BlockSpec((1, 128), lambda p, i: (0, 0)),
            pl.BlockSpec((1, 128), lambda p, i: (0, 0)),
            pl.BlockSpec((128, 64), lambda p, i: (0, 0)),
        ],
        out_specs=[
            pl.BlockSpec((BR, 128), lambda p, i: (i, 0)),
            pl.BlockSpec((BR, 64), lambda p, i: (i, 0)),
        ],
        out_shape=[
            jax.ShapeDtypeStruct((N_NODES, 128), jnp.float32),
            jax.ShapeDtypeStruct((N_NODES, 64), jnp.bfloat16),
        ],
        scratch_shapes=[
            pltpu.VMEM((N_NODES, 128), jnp.float32),
            pltpu.VMEM((2, 128), jnp.float32),
        ],
    )(acc, y1b, dinv, b, g, bt, w2)



def _l2_body(acc_ref, yb_ref, dinv_ref, b_ref, g_ref, bt_ref, x_ref, h1_ref,
             wf_ref, bf_ref, out_ref, pre_scr, st_scr):
    ph = pl.program_id(0)
    i = pl.program_id(1)

    @pl.when(ph == 0)
    def _():
        _pre_phase(acc_ref, yb_ref, dinv_ref, b_ref, pre_scr, st_scr)

    @pl.when(ph == 1)
    def _():
        scale, shift = _bn_scale_shift(st_scr, g_ref, bt_ref)
        h2 = jnp.maximum(pre_scr[pl.ds(i * BR, BR), :] * scale + shift, 0.0)
        o = (
            jnp.dot(x_ref[...], wf_ref[0:256, :], preferred_element_type=jnp.float32)
            + jnp.dot(h1_ref[...], wf_ref[256:384, :], preferred_element_type=jnp.float32)
            + jnp.dot(h2, wf_ref[384:448, :], preferred_element_type=jnp.float32)
            + bf_ref[...]
        )
        out_ref[...] = jnp.maximum(o, 0.0)


def _l2(acc, y2b, dinv, b, g, bt, x, h1, wf, bf):
    return pl.pallas_call(
        _l2_body,
        grid=(2, GRID),
        in_specs=[
            pl.BlockSpec((NC, BR, 64), lambda p, i: (0, i, 0)),
            pl.BlockSpec((BR, 64), lambda p, i: (i, 0)),
            pl.BlockSpec((BR, 1), lambda p, i: (i, 0)),
            pl.BlockSpec((1, 64), lambda p, i: (0, 0)),
            pl.BlockSpec((1, 64), lambda p, i: (0, 0)),
            pl.BlockSpec((1, 64), lambda p, i: (0, 0)),
            pl.BlockSpec((BR, 256), lambda p, i: (i, 0)),
            pl.BlockSpec((BR, 128), lambda p, i: (i, 0)),
            pl.BlockSpec((448, 256), lambda p, i: (0, 0)),
            pl.BlockSpec((1, 256), lambda p, i: (0, 0)),
        ],
        out_specs=pl.BlockSpec((BR, 256), lambda p, i: (i, 0)),
        out_shape=jax.ShapeDtypeStruct((N_NODES, 256), jnp.float32),
        scratch_shapes=[
            pltpu.VMEM((N_NODES, 64), jnp.float32),
            pltpu.VMEM((2, 64), jnp.float32),
        ],
    )(acc, y2b, dinv, b, g, bt, x, h1, wf, bf)



def kernel(node_features, edge_index, W1, b1, g1, bt1, W2, b2, g2, bt2, Wf, bf):
    x = node_features
    ei = edge_index.astype(jnp.int32)
    src3 = jnp.pad(ei[0].reshape(NW, EPW), ((0, 0), (0, EPWP - EPW))).reshape(
        NW, NCHUNK, CH
    )
    dst3 = jnp.pad(
        ei[1].reshape(NW, EPW), ((0, 0), (0, EPWP - EPW)), constant_values=TRASH
    ).reshape(NW, NCHUNK, CH)
    zd = jnp.zeros((ZROWS,), jnp.float32)
    z1 = jnp.zeros((ZROWS, 128), jnp.bfloat16)
    z2 = jnp.zeros((ZROWS, 64), jnp.bfloat16)

    degp = _deg_kernel(dst3, zd)
    da = degp[0, :N_NODES].reshape(N_NODES, 1)
    db = degp[1, :N_NODES].reshape(N_NODES, 1)
    y1b, dinv = _tc1(x, W1, da, db)
    acc1 = _scatter128(y1b, src3, dst3, z1)
    h1, y2b = _l1(
        acc1, y1b, dinv, b1.reshape(1, 128), g1.reshape(1, 128),
        bt1.reshape(1, 128), W2,
    )
    acc2 = _scatter64(y2b, src3, dst3, z2)
    return _l2(
        acc2, y2b, dinv, b2.reshape(1, 64), g2.reshape(1, 64),
        bt2.reshape(1, 64), x, h1, Wf, bf.reshape(1, 256),
    )

# --- scband reference (transcript-rebuilt; emitter-appended) ---
"""Pipeline reference for scband-wireframe-gnnclassifier-10943576671013 (READ-ONLY COPY).

The authoritative reference and input builder live on the scoring server;
editing this copy changes nothing except your own understanding.
"""

import jax, jax.numpy as jnp
import numpy as np

N_NODES = 10000
D_FEAT = 256
N_EDGES = 160000
EPS = 1e-5


def setup_inputs(seed: int = 0) -> dict:
    key = jax.random.key(seed)
    ks = jax.random.split(key, 12)
    node_features = jax.random.normal(ks[0], (N_NODES, D_FEAT), dtype=jnp.float32)
    edge_index = jax.random.randint(ks[1], (2, N_EDGES), 0, N_NODES, dtype=jnp.int64)
    # GNN layer 1: 256 -> 128
    W1 = jax.random.normal(ks[2], (D_FEAT, D_FEAT // 2), dtype=jnp.float32) * (1.0 / np.sqrt(D_FEAT))
    b1 = jnp.zeros((D_FEAT // 2,), dtype=jnp.float32)
    g1 = jnp.ones((D_FEAT // 2,), dtype=jnp.float32)
    bt1 = jnp.zeros((D_FEAT // 2,), dtype=jnp.float32)
    # GNN layer 2: 128 -> 64
    W2 = jax.random.normal(ks[3], (D_FEAT // 2, D_FEAT // 4), dtype=jnp.float32) * (1.0 / np.sqrt(D_FEAT // 2))
    b2 = jnp.zeros((D_FEAT // 4,), dtype=jnp.float32)
    g2 = jnp.ones((D_FEAT // 4,), dtype=jnp.float32)
    bt2 = jnp.zeros((D_FEAT // 4,), dtype=jnp.float32)
    # fc: Linear(256+128+64=448 -> 256) + ReLU
    out_channels = D_FEAT + D_FEAT // 2 + D_FEAT // 4
    Wf = jax.random.normal(ks[4], (out_channels, D_FEAT), dtype=jnp.float32) * (1.0 / np.sqrt(out_channels))
    bf = jnp.zeros((D_FEAT,), dtype=jnp.float32)
    return {
        "node_features": node_features,
        "edge_index": edge_index,
        "W1": W1, "b1": b1, "g1": g1, "bt1": bt1,
        "W2": W2, "b2": b2, "g2": g2, "bt2": bt2,
        "Wf": Wf, "bf": bf,
    }


def _gcn_conv(x, edge_index, W, b, n):
    # GCNConv with added self loops and symmetric normalization
    src = jnp.concatenate([edge_index[0], jnp.arange(n, dtype=edge_index.dtype)])
    dst = jnp.concatenate([edge_index[1], jnp.arange(n, dtype=edge_index.dtype)])
    deg = jax.ops.segment_sum(jnp.ones_like(src, dtype=x.dtype), dst, num_segments=n)
    dinv = 1.0 / jnp.sqrt(jnp.clip(deg, 1.0))
    norm = dinv[src] * dinv[dst]
    xw = x @ W
    msg = jnp.take(xw, src, axis=0) * norm[:, None]
    out = jax.ops.segment_sum(msg, dst, num_segments=n)
    return out + b


def _batch_norm(x, g, bt):
    # BatchNorm in training mode: per-feature batch statistics over nodes
    m = jnp.mean(x, axis=0)
    v = jnp.var(x, axis=0)
    return (x - m) / jnp.sqrt(v + EPS) * g + bt


def reference(node_features, edge_index, W1, b1, g1, bt1, W2, b2, g2, bt2, Wf, bf):
    n = node_features.shape[0]
    feats = [node_features]
    h = node_features
    # layer 1
    h = _gcn_conv(h, edge_index, W1, b1, n)
    h = _batch_norm(h, g1, bt1)
    h = jax.nn.relu(h)
    feats.append(h)
    # layer 2
    h = _gcn_conv(h, edge_index, W2, b2, n)
    h = _batch_norm(h, g2, bt2)
    h = jax.nn.relu(h)
    feats.append(h)
    cat = jnp.concatenate(feats, axis=1)
    out = jax.nn.relu(cat @ Wf + bf)
    return out

if __name__ == "__main__":
    import jax
    _d = setup_inputs()
    print(jax.jit(kernel)(*tuple(_d.values())))

</pallas_src>

<mosaic_0001>
#map = affine_map<(d0, d1) -> (0, 0)>
#map1 = affine_map<(d0, d1) -> (0, 0, 0)>
module attributes {stable_mosaic.version = 14 : i64} {
  func.func @_scat(%arg0: i32, %arg1: i32, %arg2: memref<10000x128xbf16, #tpu.memory_space<hbm>>, %arg3: memref<32x40x128xi32, #tpu.memory_space<hbm>>, %arg4: memref<32x40x128xi32, #tpu.memory_space<hbm>>, %arg5: memref<640x128xbf16, #tpu.memory_space<hbm>>, %arg6: memref<2x10240x128xbf16, #tpu.memory_space<hbm>>, %arg7: memref<40x128xi32, #tpu.memory_space<vmem>>, %arg8: memref<40x128xi32, #tpu.memory_space<vmem>>, %arg9: memref<128x128xbf16, #tpu.memory_space<vmem>>, %arg10: memref<128x128xbf16, #tpu.memory_space<vmem>>, %arg11: memref<128x128xbf16, #tpu.memory_space<vmem>>, %arg12: memref<128x128xbf16, #tpu.memory_space<vmem>>, %arg13: memref<128x128xbf16, #tpu.memory_space<vmem>>, %arg14: memref<10240x128xbf16, #tpu.memory_space<vmem_shared>>, %arg15: memref<!tpu.dma_semaphore, #tpu.memory_space<semaphore_mem>>, %arg16: memref<!tpu.dma_semaphore, #tpu.memory_space<semaphore_mem>>, %arg17: memref<!tpu.dma_semaphore, #tpu.memory_space<semaphore_mem>>, %arg18: memref<!tpu.dma_semaphore, #tpu.memory_space<semaphore_mem>>, %arg19: memref<!tpu.dma_semaphore, #tpu.memory_space<semaphore_mem>>) attributes {dimension_semantics = [#tpu.dimension_semantics<core_parallel>, #tpu.dimension_semantics<subcore_parallel>], iteration_bounds = array<i64: 2, 16>, scalar_prefetch = 0 : i64, scratch_operands = 13 : i64, tpu.core_type = #tpu.core_type<sc_vector_subcore>, window_params = [{transform_indices = #map}, {transform_indices = #map1}, {transform_indices = #map1}, {transform_indices = #map}, {transform_indices = #map1}]} {
    %mul3A = arith.constant 16 : i32
    %mul3A_0 = arith.muli %arg0, %mul3A : i32
    %add3A = arith.addi %mul3A_0, %arg1 : i32
    %mul3A_1 = arith.constant 640 : i32
    %mul3A_2 = arith.muli %arg1, %mul3A_1 : i32
    "tpu.region"() ({
      %run_scoped3A = tpu.sem_alloc : memref<!tpu.dma_semaphore, #tpu.memory_space<semaphore_mem>>
      %dma_start3A_47 = arith.constant 0 : i32
      %dma_start3A_48 = tpu.memref_slice %arg14[%mul3A_2, %dma_start3A_47] : memref<10240x128xbf16, #tpu.memory_space<vmem_shared>> -> memref<640x128xbf16, #tpu.memory_space<vmem_shared>>
      tpu.enqueue_dma source(%arg5 : memref<640x128xbf16, #tpu.memory_space<hbm>>) target(%dma_start3A_48 : memref<640x128xbf16, #tpu.memory_space<vmem_shared>>) target_semaphore(%run_scoped3A : memref<!tpu.dma_semaphore, #tpu.memory_space<semaphore_mem>>)
      %dma_wait3A = arith.constant 0 : i32
      %dma_wait3A_49 = tpu.memref_slice %arg14[%mul3A_2, %dma_wait3A] : memref<10240x128xbf16, #tpu.memory_space<vmem_shared>> -> memref<640x128xbf16, #tpu.memory_space<vmem_shared>>
      tpu.wait_dma2 semaphore(%run_scoped3A : memref<!tpu.dma_semaphore, #tpu.memory_space<semaphore_mem>>) src(%arg5 : memref<640x128xbf16, #tpu.memory_space<hbm>>) dst(%dma_wait3A_49 : memref<640x128xbf16, #tpu.memory_space<vmem_shared>>)
      tpu.yield
    }) : () -> ()
    "tpu.region"() ({
      %run_scoped3A = tpu.sem_alloc : memref<!tpu.dma_semaphore, #tpu.memory_space<semaphore_mem>>
      %dma_start3A_47 = arith.constant 0 : i32
      %dma_start3A_48 = arith.constant 0 : i32
      %dma_start3A_49 = tpu.memref_slice %arg3[%add3A, %dma_start3A_47, %dma_start3A_48] : memref<32x40x128xi32, #tpu.memory_space<hbm>> -> memref<1x40x128xi32, #tpu.memory_space<hbm>>
      %dma_start3A_50 = tpu.memref_squeeze %dma_start3A_49 : memref<1x40x128xi32, #tpu.memory_space<hbm>> -> memref<40x128xi32, #tpu.memory_space<hbm>>
      %dma_start3A_51 = arith.constant 0 : i32
      %dma_start3A_52 = arith.constant 0 : i32
      %dma_start3A_53 = tpu.memref_slice %arg3[%add3A, %dma_start3A_51, %dma_start3A_52] : memref<32x40x128xi32, #tpu.memory_space<hbm>> -> memref<1x40x128xi32, #tpu.memory_space<hbm>>
      %dma_start3A_54 = tpu.memref_squeeze %dma_start3A_53 : memref<1x40x128xi32, #tpu.memory_space<hbm>> -> memref<40x128xi32, #tpu.memory_space<hbm>>
      tpu.enqueue_dma source(%dma_start3A_54 : memref<40x128xi32, #tpu.memory_space<hbm>>) target(%arg7 : memref<40x128xi32, #tpu.memory_space<vmem>>) target_semaphore(%run_scoped3A : memref<!tpu.dma_semaphore, #tpu.memory_space<semaphore_mem>>)
      %dma_wait3A = arith.constant 0 : i32
      %dma_wait3A_55 = arith.constant 0 : i32
      %dma_wait3A_56 = tpu.memref_slice %arg3[%add3A, %dma_wait3A, %dma_wait3A_55] : memref<32x40x128xi32, #tpu.memory_space<hbm>> -> memref<1x40x128xi32, #tpu.memory_space<hbm>>
      %dma_wait3A_57 = tpu.memref_squeeze %dma_wait3A_56 : memref<1x40x128xi32, #tpu.memory_space<hbm>> -> memref<40x128xi32, #tpu.memory_space<hbm>>
      %dma_wait3A_58 = arith.constant 0 : i32
      %dma_wait3A_59 = arith.constant 0 : i32
      %dma_wait3A_60 = tpu.memref_slice %arg3[%add3A, %dma_wait3A_58, %dma_wait3A_59] : memref<32x40x128xi32, #tpu.memory_space<hbm>> -> memref<1x40x128xi32, #tpu.memory_space<hbm>>
      %dma_wait3A_61 = tpu.memref_squeeze %dma_wait3A_60 : memref<1x40x128xi32, #tpu.memory_space<hbm>> -> memref<40x128xi32, #tpu.memory_space<hbm>>
      tpu.wait_dma2 semaphore(%run_scoped3A : memref<!tpu.dma_semaphore, #tpu.memory_space<semaphore_mem>>) src(%dma_wait3A_61 : memref<40x128xi32, #tpu.memory_space<hbm>>) dst(%arg7 : memref<40x128xi32, #tpu.memory_space<vmem>>)
      tpu.yield
    }) : () -> ()
    "tpu.region"() ({
      %run_scoped3A = tpu.sem_alloc : memref<!tpu.dma_semaphore, #tpu.memory_space<semaphore_mem>>
      %dma_start3A_47 = arith.constant 0 : i32
      %dma_start3A_48 = arith.constant 0 : i32
      %dma_start3A_49 = tpu.memref_slice %arg4[%add3A, %dma_start3A_47, %dma_start3A_48] : memref<32x40x128xi32, #tpu.memory_space<hbm>> -> memref<1x40x128xi32, #tpu.memory_space<hbm>>
      %dma_start3A_50 = tpu.memref_squeeze %dma_start3A_49 : memref<1x40x128xi32, #tpu.memory_space<hbm>> -> memref<40x128xi32, #tpu.memory_space<hbm>>
      %dma_start3A_51 = arith.constant 0 : i32
      %dma_start3A_52 = arith.constant 0 : i32
      %dma_start3A_53 = tpu.memref_slice %arg4[%add3A, %dma_start3A_51, %dma_start3A_52] : memref<32x40x128xi32, #tpu.memory_space<hbm>> -> memref<1x40x128xi32, #tpu.memory_space<hbm>>
      %dma_start3A_54 = tpu.memref_squeeze %dma_start3A_53 : memref<1x40x128xi32, #tpu.memory_space<hbm>> -> memref<40x128xi32, #tpu.memory_space<hbm>>
      tpu.enqueue_dma source(%dma_start3A_54 : memref<40x128xi32, #tpu.memory_space<hbm>>) target(%arg8 : memref<40x128xi32, #tpu.memory_space<vmem>>) target_semaphore(%run_scoped3A : memref<!tpu.dma_semaphore, #tpu.memory_space<semaphore_mem>>)
      %dma_wait3A = arith.constant 0 : i32
      %dma_wait3A_55 = arith.constant 0 : i32
      %dma_wait3A_56 = tpu.memref_slice %arg4[%add3A, %dma_wait3A, %dma_wait3A_55] : memref<32x40x128xi32, #tpu.memory_space<hbm>> -> memref<1x40x128xi32, #tpu.memory_space<hbm>>
      %dma_wait3A_57 = tpu.memref_squeeze %dma_wait3A_56 : memref<1x40x128xi32, #tpu.memory_space<hbm>> -> memref<40x128xi32, #tpu.memory_space<hbm>>
      %dma_wait3A_58 = arith.constant 0 : i32
      %dma_wait3A_59 = arith.constant 0 : i32
      %dma_wait3A_60 = tpu.memref_slice %arg4[%add3A, %dma_wait3A_58, %dma_wait3A_59] : memref<32x40x128xi32, #tpu.memory_space<hbm>> -> memref<1x40x128xi32, #tpu.memory_space<hbm>>
      %dma_wait3A_61 = tpu.memref_squeeze %dma_wait3A_60 : memref<1x40x128xi32, #tpu.memory_space<hbm>> -> memref<40x128xi32, #tpu.memory_space<hbm>>
      tpu.wait_dma2 semaphore(%run_scoped3A : memref<!tpu.dma_semaphore, #tpu.memory_space<semaphore_mem>>) src(%dma_wait3A_61 : memref<40x128xi32, #tpu.memory_space<hbm>>) dst(%arg8 : memref<40x128xi32, #tpu.memory_space<vmem>>)
      tpu.yield
    }) : () -> ()
    %barrier3A = arith.constant 0 : index
    tpu.barrier barrier_id(%barrier3A)
    %dma_start3A = arith.constant 0 : i32
    %dma_start3A_3 = arith.constant 0 : i32
    %dma_start3A_4 = tpu.memref_slice %arg7[%dma_start3A, %dma_start3A_3] : memref<40x128xi32, #tpu.memory_space<vmem>> -> memref<1x128xi32, #tpu.memory_space<vmem>>
    %dma_start3A_5 = tpu.memref_squeeze %dma_start3A_4 : memref<1x128xi32, #tpu.memory_space<vmem>> -> memref<128xi32, #tpu.memory_space<vmem>>
    %dma_start3A_6 = arith.constant 0 : i32
    %dma_start3A_7 = arith.constant 0 : i32
    %dma_start3A_8 = tpu.memref_slice %arg2[%dma_start3A_6, %dma_start3A_7] : memref<10000x128xbf16, #tpu.memory_space<hbm>> -> memref<10000x128xbf16, #tpu.memory_space<hbm>>
    tpu.enqueue_indirect_dma source(%dma_start3A_8 : memref<10000x128xbf16, #tpu.memory_space<hbm>>) target(%arg9 : memref<128x128xbf16, #tpu.memory_space<vmem>>) offsets(%dma_start3A_5 : memref<128xi32, #tpu.memory_space<vmem>>) semaphore(%arg15 : memref<!tpu.dma_semaphore, #tpu.memory_space<semaphore_mem>>)
    %dma_start3A_9 = arith.constant 1 : i32
    %dma_start3A_10 = arith.constant 0 : i32
    %dma_start3A_11 = tpu.memref_slice %arg7[%dma_start3A_9, %dma_start3A_10] : memref<40x128xi32, #tpu.memory_space<vmem>> -> memref<1x128xi32, #tpu.memory_space<vmem>>
    %dma_start3A_12 = tpu.memref_squeeze %dma_start3A_11 : memref<1x128xi32, #tpu.memory_space<vmem>> -> memref<128xi32, #tpu.memory_space<vmem>>
    %dma_start3A_13 = arith.constant 0 : i32
    %dma_start3A_14 = arith.constant 0 : i32
    %dma_start3A_15 = tpu.memref_slice %arg2[%dma_start3A_13, %dma_start3A_14] : memref<10000x128xbf16, #tpu.memory_space<hbm>> -> memref<10000x128xbf16, #tpu.memory_space<hbm>>
    tpu.enqueue_indirect_dma source(%dma_start3A_15 : memref<10000x128xbf16, #tpu.memory_space<hbm>>) target(%arg10 : memref<128x128xbf16, #tpu.memory_space<vmem>>) offsets(%dma_start3A_12 : memref<128xi32, #tpu.memory_space<vmem>>) semaphore(%arg16 : memref<!tpu.dma_semaphore, #tpu.memory_space<semaphore_mem>>)
    %dma_start3A_16 = arith.constant 2 : i32
    %dma_start3A_17 = arith.constant 0 : i32
    %dma_start3A_18 = tpu.memref_slice %arg7[%dma_start3A_16, %dma_start3A_17] : memref<40x128xi32, #tpu.memory_space<vmem>> -> memref<1x128xi32, #tpu.memory_space<vmem>>
    %dma_start3A_19 = tpu.memref_squeeze %dma_start3A_18 : memref<1x128xi32, #tpu.memory_space<vmem>> -> memref<128xi32, #tpu.memory_space<vmem>>
    %dma_start3A_20 = arith.constant 0 : i32
    %dma_start3A_21 = arith.constant 0 : i32
    %dma_start3A_22 = tpu.memref_slice %arg2[%dma_start3A_20, %dma_start3A_21] : memref<10000x128xbf16, #tpu.memory_space<hbm>> -> memref<10000x128xbf16, #tpu.memory_space<hbm>>
    tpu.enqueue_indirect_dma source(%dma_start3A_22 : memref<10000x128xbf16, #tpu.memory_space<hbm>>) target(%arg11 : memref<128x128xbf16, #tpu.memory_space<vmem>>) offsets(%dma_start3A_19 : memref<128xi32, #tpu.memory_space<vmem>>) semaphore(%arg17 : memref<!tpu.dma_semaphore, #tpu.memory_space<semaphore_mem>>)
    %dma_start3A_23 = arith.constant 3 : i32
    %dma_start3A_24 = arith.constant 0 : i32
    %dma_start3A_25 = tpu.memref_slice %arg7[%dma_start3A_23, %dma_start3A_24] : memref<40x128xi32, #tpu.memory_space<vmem>> -> memref<1x128xi32, #tpu.memory_space<vmem>>
    %dma_start3A_26 = tpu.memref_squeeze %dma_start3A_25 : memref<1x128xi32, #tpu.memory_space<vmem>> -> memref<128xi32, #tpu.memory_space<vmem>>
    %dma_start3A_27 = arith.constant 0 : i32
    %dma_start3A_28 = arith.constant 0 : i32
    %dma_start3A_29 = tpu.memref_slice %arg2[%dma_start3A_27, %dma_start3A_28] : memref<10000x128xbf16, #tpu.memory_space<hbm>> -> memref<10000x128xbf16, #tpu.memory_space<hbm>>
    tpu.enqueue_indirect_dma source(%dma_start3A_29 : memref<10000x128xbf16, #tpu.memory_space<hbm>>) target(%arg12 : memref<128x128xbf16, #tpu.memory_space<vmem>>) offsets(%dma_start3A_26 : memref<128xi32, #tpu.memory_space<vmem>>) semaphore(%arg18 : memref<!tpu.dma_semaphore, #tpu.memory_space<semaphore_mem>>)
    %dma_start3A_30 = arith.constant 4 : i32
    %dma_start3A_31 = arith.constant 0 : i32
    %dma_start3A_32 = tpu.memref_slice %arg7[%dma_start3A_30, %dma_start3A_31] : memref<40x128xi32, #tpu.memory_space<vmem>> -> memref<1x128xi32, #tpu.memory_space<vmem>>
    %dma_start3A_33 = tpu.memref_squeeze %dma_start3A_32 : memref<1x128xi32, #tpu.memory_space<vmem>> -> memref<128xi32, #tpu.memory_space<vmem>>
    %dma_start3A_34 = arith.constant 0 : i32
    %dma_start3A_35 = arith.constant 0 : i32
    %dma_start3A_36 = tpu.memref_slice %arg2[%dma_start3A_34, %dma_start3A_35] : memref<10000x128xbf16, #tpu.memory_space<hbm>> -> memref<10000x128xbf16, #tpu.memory_space<hbm>>
    tpu.enqueue_indirect_dma source(%dma_start3A_36 : memref<10000x128xbf16, #tpu.memory_space<hbm>>) target(%arg13 : memref<128x128xbf16, #tpu.memory_space<vmem>>) offsets(%dma_start3A_33 : memref<128xi32, #tpu.memory_space<vmem>>) semaphore(%arg19 : memref<!tpu.dma_semaphore, #tpu.memory_space<semaphore_mem>>)
    %scan3A = arith.constant 0 : i32
    %scan3A_37 = arith.constant 0 : i32
    %scan3A_38 = arith.constant 8 : i32
    %scan3A_39 = arith.addi %scan3A_37, %scan3A_38 : i32
    %scan3A_40 = arith.constant 1 : i32
    scf.for %scan3A_47 = %scan3A_37 to %scan3A_39 step %scan3A_40  : i32 {
      %mul3A_48 = arith.constant 5 : i32
      %mul3A_49 = arith.muli %mul3A_48, %scan3A_47 : i32
      %add3A_50 = arith.constant 0 : i32
      %add3A_51 = arith.addi %mul3A_49, %add3A_50 : i32
      %dma_wait3A = arith.constant 0 : i32
      %dma_wait3A_52 = tpu.memref_slice %arg7[%add3A_51, %dma_wait3A] : memref<40x128xi32, #tpu.memory_space<vmem>> -> memref<1x128xi32, #tpu.memory_space<vmem>>
      %dma_wait3A_53 = tpu.memref_squeeze %dma_wait3A_52 : memref<1x128xi32, #tpu.memory_space<vmem>> -> memref<128xi32, #tpu.memory_space<vmem>>
      %dma_wait3A_54 = arith.constant 0 : i32
      %dma_wait3A_55 = arith.constant 0 : i32
      %dma_wait3A_56 = tpu.memref_slice %arg2[%dma_wait3A_54, %dma_wait3A_55] : memref<10000x128xbf16, #tpu.memory_space<hbm>> -> memref<10000x128xbf16, #tpu.memory_space<hbm>>
      tpu.wait_indirect_dma semaphore(%arg15 : memref<!tpu.dma_semaphore, #tpu.memory_space<semaphore_mem>>) src(%dma_wait3A_56 : memref<10000x128xbf16, #tpu.memory_space<hbm>>) dst(%arg9 : memref<128x128xbf16, #tpu.memory_space<vmem>>)
      "tpu.region"() ({
        %run_scoped3A = tpu.sem_alloc : memref<!tpu.dma_semaphore, #tpu.memory_space<semaphore_mem>>
        %dma_start3A_129 = arith.constant 0 : i32
        %dma_start3A_130 = tpu.memref_slice %arg8[%add3A_51, %dma_start3A_129] : memref<40x128xi32, #tpu.memory_space<vmem>> -> memref<1x128xi32, #tpu.memory_space<vmem>>
        %dma_start3A_131 = tpu.memref_squeeze %dma_start3A_130 : memref<1x128xi32, #tpu.memory_space<vmem>> -> memref<128xi32, #tpu.memory_space<vmem>>
        %dma_start3A_132 = arith.constant 0 : i32
        %dma_start3A_133 = arith.constant 0 : i32
        %dma_start3A_134 = tpu.memref_slice %arg14[%dma_start3A_132, %dma_start3A_133] : memref<10240x128xbf16, #tpu.memory_space<vmem_shared>> -> memref<10240x128xbf16, #tpu.memory_space<vmem_shared>>
        tpu.enqueue_indirect_dma source(%arg9 : memref<128x128xbf16, #tpu.memory_space<vmem>>) target(%dma_start3A_134 : memref<10240x128xbf16, #tpu.memory_space<vmem_shared>>) offsets(%dma_start3A_131 : memref<128xi32, #tpu.memory_space<vmem>>) semaphore(%run_scoped3A : memref<!tpu.dma_semaphore, #tpu.memory_space<semaphore_mem>>) {add = true}
        %dma_wait3A_135 = arith.constant 0 : i32
        %dma_wait3A_136 = tpu.memref_slice %arg8[%add3A_51, %dma_wait3A_135] : memref<40x128xi32, #tpu.memory_space<vmem>> -> memref<1x128xi32, #tpu.memory_space<vmem>>
        %dma_wait3A_137 = tpu.memref_squeeze %dma_wait3A_136 : memref<1x128xi32, #tpu.memory_space<vmem>> -> memref<128xi32, #tpu.memory_space<vmem>>
        %dma_wait3A_138 = arith.constant 0 : i32
        %dma_wait3A_139 = arith.constant 0 : i32
        %dma_wait3A_140 = tpu.memref_slice %arg14[%dma_wait3A_138, %dma_wait3A_139] : memref<10240x128xbf16, #tpu.memory_space<vmem_shared>> -> memref<10240x128xbf16, #tpu.memory_space<vmem_shared>>
        tpu.wait_indirect_dma semaphore(%run_scoped3A : memref<!tpu.dma_semaphore, #tpu.memory_space<semaphore_mem>>) src(%arg9 : memref<128x128xbf16, #tpu.memory_space<vmem>>) dst(%dma_wait3A_140 : memref<10240x128xbf16, #tpu.memory_space<vmem_shared>>)
        tpu.yield
      }) : () -> ()
      %add3A_57 = arith.constant 5 : i32
      %add3A_58 = arith.addi %add3A_51, %add3A_57 : i32
      %lt3A = arith.constant 40 : i32
      %lt3A_59 = arith.cmpi slt, %add3A_58, %lt3A : i32
      %convert_element_type3A = arith.extui %lt3A_59 : i1 to i32
      %cond3A = arith.constant 0 : i32
      %cond3A_60 = arith.cmpi ne, %convert_element_type3A, %cond3A : i32
      scf.if %cond3A_60 {
        %add3A_129 = arith.constant 5 : i32
        %add3A_130 = arith.addi %add3A_51, %add3A_129 : i32
        %dma_start3A_131 = arith.constant 0 : i32
        %dma_start3A_132 = tpu.memref_slice %arg7[%add3A_130, %dma_start3A_131] : memref<40x128xi32, #tpu.memory_space<vmem>> -> memref<1x128xi32, #tpu.memory_space<vmem>>
        %dma_start3A_133 = tpu.memref_squeeze %dma_start3A_132 : memref<1x128xi32, #tpu.memory_space<vmem>> -> memref<128xi32, #tpu.memory_space<vmem>>
        %dma_start3A_134 = arith.constant 0 : i32
        %dma_start3A_135 = arith.constant 0 : i32
        %dma_start3A_136 = tpu.memref_slice %arg2[%dma_start3A_134, %dma_start3A_135] : memref<10000x128xbf16, #tpu.memory_space<hbm>> -> memref<10000x128xbf16, #tpu.memory_space<hbm>>
        tpu.enqueue_indirect_dma source(%dma_start3A_136 : memref<10000x128xbf16, #tpu.memory_space<hbm>>) target(%arg9 : memref<128x128xbf16, #tpu.memory_space<vmem>>) offsets(%dma_start3A_133 : memref<128xi32, #tpu.memory_space<vmem>>) semaphore(%arg15 : memref<!tpu.dma_semaphore, #tpu.memory_space<semaphore_mem>>)
      } else {
      }
      %mul3A_61 = arith.constant 5 : i32
      %mul3A_62 = arith.muli %mul3A_61, %scan3A_47 : i32
      %add3A_63 = arith.constant 1 : i32
      %add3A_64 = arith.addi %mul3A_62, %add3A_63 : i32
      %dma_wait3A_65 = arith.constant 0 : i32
      %dma_wait3A_66 = tpu.memref_slice %arg7[%add3A_64, %dma_wait3A_65] : memref<40x128xi32, #tpu.memory_space<vmem>> -> memref<1x128xi32, #tpu.memory_space<vmem>>
      %dma_wait3A_67 = tpu.memref_squeeze %dma_wait3A_66 : memref<1x128xi32, #tpu.memory_space<vmem>> -> memref<128xi32, #tpu.memory_space<vmem>>
      %dma_wait3A_68 = arith.constant 0 : i32
      %dma_wait3A_69 = arith.constant 0 : i32
      %dma_wait3A_70 = tpu.memref_slice %arg2[%dma_wait3A_68, %dma_wait3A_69] : memref<10000x128xbf16, #tpu.memory_space<hbm>> -> memref<10000x128xbf16, #tpu.memory_space<hbm>>
      tpu.wait_indirect_dma semaphore(%arg16 : memref<!tpu.dma_semaphore, #tpu.memory_space<semaphore_mem>>) src(%dma_wait3A_70 : memref<10000x128xbf16, #tpu.memory_space<hbm>>) dst(%arg10 : memref<128x128xbf16, #tpu.memory_space<vmem>>)
      "tpu.region"() ({
        %run_scoped3A = tpu.sem_alloc : memref<!tpu.dma_semaphore, #tpu.memory_space<semaphore_mem>>
        %dma_start3A_129 = arith.constant 0 : i32
        %dma_start3A_130 = tpu.memref_slice %arg8[%add3A_64, %dma_start3A_129] : memref<40x128xi32, #tpu.memory_space<vmem>> -> memref<1x128xi32, #tpu.memory_space<vmem>>
        %dma_start3A_131 = tpu.memref_squeeze %dma_start3A_130 : memref<1x128xi32, #tpu.memory_space<vmem>> -> memref<128xi32, #tpu.memory_space<vmem>>
        %dma_start3A_132 = arith.constant 0 : i32
        %dma_start3A_133 = arith.constant 0 : i32
        %dma_start3A_134 = tpu.memref_slice %arg14[%dma_start3A_132, %dma_start3A_133] : memref<10240x128xbf16, #tpu.memory_space<vmem_shared>> -> memref<10240x128xbf16, #tpu.memory_space<vmem_shared>>
        tpu.enqueue_indirect_dma source(%arg10 : memref<128x128xbf16, #tpu.memory_space<vmem>>) target(%dma_start3A_134 : memref<10240x128xbf16, #tpu.memory_space<vmem_shared>>) offsets(%dma_start3A_131 : memref<128xi32, #tpu.memory_space<vmem>>) semaphore(%run_scoped3A : memref<!tpu.dma_semaphore, #tpu.memory_space<semaphore_mem>>) {add = true}
        %dma_wait3A_135 = arith.constant 0 : i32
        %dma_wait3A_136 = tpu.memref_slice %arg8[%add3A_64, %dma_wait3A_135] : memref<40x128xi32, #tpu.memory_space<vmem>> -> memref<1x128xi32, #tpu.memory_space<vmem>>
        %dma_wait3A_137 = tpu.memref_squeeze %dma_wait3A_136 : memref<1x128xi32, #tpu.memory_space<vmem>> -> memref<128xi32, #tpu.memory_space<vmem>>
        %dma_wait3A_138 = arith.constant 0 : i32
        %dma_wait3A_139 = arith.constant 0 : i32
        %dma_wait3A_140 = tpu.memref_slice %arg14[%dma_wait3A_138, %dma_wait3A_139] : memref<10240x128xbf16, #tpu.memory_space<vmem_shared>> -> memref<10240x128xbf16, #tpu.memory_space<vmem_shared>>
        tpu.wait_indirect_dma semaphore(%run_scoped3A : memref<!tpu.dma_semaphore, #tpu.memory_space<semaphore_mem>>) src(%arg10 : memref<128x128xbf16, #tpu.memory_space<vmem>>) dst(%dma_wait3A_140 : memref<10240x128xbf16, #tpu.memory_space<vmem_shared>>)
        tpu.yield
      }) : () -> ()
      %add3A_71 = arith.constant 5 : i32
      %add3A_72 = arith.addi %add3A_64, %add3A_71 : i32
      %lt3A_73 = arith.constant 40 : i32
      %lt3A_74 = arith.cmpi slt, %add3A_72, %lt3A_73 : i32
      %convert_element_type3A_75 = arith.extui %lt3A_74 : i1 to i32
      %cond3A_76 = arith.constant 0 : i32
      %cond3A_77 = arith.cmpi ne, %convert_element_type3A_75, %cond3A_76 : i32
      scf.if %cond3A_77 {
        %add3A_129 = arith.constant 5 : i32
        %add3A_130 = arith.addi %add3A_64, %add3A_129 : i32
        %dma_start3A_131 = arith.constant 0 : i32
        %dma_start3A_132 = tpu.memref_slice %arg7[%add3A_130, %dma_start3A_131] : memref<40x128xi32, #tpu.memory_space<vmem>> -> memref<1x128xi32, #tpu.memory_space<vmem>>
        %dma_start3A_133 = tpu.memref_squeeze %dma_start3A_132 : memref<1x128xi32, #tpu.memory_space<vmem>> -> memref<128xi32, #tpu.memory_space<vmem>>
        %dma_start3A_134 = arith.constant 0 : i32
        %dma_start3A_135 = arith.constant 0 : i32
        %dma_start3A_136 = tpu.memref_slice %arg2[%dma_start3A_134, %dma_start3A_135] : memref<10000x128xbf16, #tpu.memory_space<hbm>> -> memref<10000x128xbf16, #tpu.memory_space<hbm>>
        tpu.enqueue_indirect_dma source(%dma_start3A_136 : memref<10000x128xbf16, #tpu.memory_space<hbm>>) target(%arg10 : memref<128x128xbf16, #tpu.memory_space<vmem>>) offsets(%dma_start3A_133 : memref<128xi32, #tpu.memory_space<vmem>>) semaphore(%arg16 : memref<!tpu.dma_semaphore, #tpu.memory_space<semaphore_mem>>)
      } else {
      }
      %mul3A_78 = arith.constant 5 : i32
      %mul3A_79 = arith.muli %mul3A_78, %scan3A_47 : i32
      %add3A_80 = arith.constant 2 : i32
      %add3A_81 = arith.addi %mul3A_79, %add3A_80 : i32
      %dma_wait3A_82 = arith.constant 0 : i32
      %dma_wait3A_83 = tpu.memref_slice %arg7[%add3A_81, %dma_wait3A_82] : memref<40x128xi32, #tpu.memory_space<vmem>> -> memref<1x128xi32, #tpu.memory_space<vmem>>
      %dma_wait3A_84 = tpu.memref_squeeze %dma_wait3A_83 : memref<1x128xi32, #tpu.memory_space<vmem>> -> memref<128xi32, #tpu.memory_space<vmem>>
      %dma_wait3A_85 = arith.constant 0 : i32
      %dma_wait3A_86 = arith.constant 0 : i32
      %dma_wait3A_87 = tpu.memref_slice %arg2[%dma_wait3A_85, %dma_wait3A_86] : memref<10000x128xbf16, #tpu.memory_space<hbm>> -> memref<10000x128xbf16, #tpu.memory_space<hbm>>
      tpu.wait_indirect_dma semaphore(%arg17 : memref<!tpu.dma_semaphore, #tpu.memory_space<semaphore_mem>>) src(%dma_wait3A_87 : memref<10000x128xbf16, #tpu.memory_space<hbm>>) dst(%arg11 : memref<128x128xbf16, #tpu.memory_space<vmem>>)
      "tpu.region"() ({
        %run_scoped3A = tpu.sem_alloc : memref<!tpu.dma_semaphore, #tpu.memory_space<semaphore_mem>>
        %dma_start3A_129 = arith.constant 0 : i32
        %dma_start3A_130 = tpu.memref_slice %arg8[%add3A_81, %dma_start3A_129] : memref<40x128xi32, #tpu.memory_space<vmem>> -> memref<1x128xi32, #tpu.memory_space<vmem>>
        %dma_start3A_131 = tpu.memref_squeeze %dma_start3A_130 : memref<1x128xi32, #tpu.memory_space<vmem>> -> memref<128xi32, #tpu.memory_space<vmem>>
        %dma_start3A_132 = arith.constant 0 : i32
        %dma_start3A_133 = arith.constant 0 : i32
        %dma_start3A_134 = tpu.memref_slice %arg14[%dma_start3A_132, %dma_start3A_133] : memref<10240x128xbf16, #tpu.memory_space<vmem_shared>> -> memref<10240x128xbf16, #tpu.memory_space<vmem_shared>>
        tpu.enqueue_indirect_dma source(%arg11 : memref<128x128xbf16, #tpu.memory_space<vmem>>) target(%dma_start3A_134 : memref<10240x128xbf16, #tpu.memory_space<vmem_shared>>) offsets(%dma_start3A_131 : memref<128xi32, #tpu.memory_space<vmem>>) semaphore(%run_scoped3A : memref<!tpu.dma_semaphore, #tpu.memory_space<semaphore_mem>>) {add = true}
        %dma_wait3A_135 = arith.constant 0 : i32
        %dma_wait3A_136 = tpu.memref_slice %arg8[%add3A_81, %dma_wait3A_135] : memref<40x128xi32, #tpu.memory_space<vmem>> -> memref<1x128xi32, #tpu.memory_space<vmem>>
        %dma_wait3A_137 = tpu.memref_squeeze %dma_wait3A_136 : memref<1x128xi32, #tpu.memory_space<vmem>> -> memref<128xi32, #tpu.memory_space<vmem>>
        %dma_wait3A_138 = arith.constant 0 : i32
        %dma_wait3A_139 = arith.constant 0 : i32
        %dma_wait3A_140 = tpu.memref_slice %arg14[%dma_wait3A_138, %dma_wait3A_139] : memref<10240x128xbf16, #tpu.memory_space<vmem_shared>> -> memref<10240x128xbf16, #tpu.memory_space<vmem_shared>>
        tpu.wait_indirect_dma semaphore(%run_scoped3A : memref<!tpu.dma_semaphore, #tpu.memory_space<semaphore_mem>>) src(%arg11 : memref<128x128xbf16, #tpu.memory_space<vmem>>) dst(%dma_wait3A_140 : memref<10240x128xbf16, #tpu.memory_space<vmem_shared>>)
        tpu.yield
      }) : () -> ()
      %add3A_88 = arith.constant 5 : i32
      %add3A_89 = arith.addi %add3A_81, %add3A_88 : i32
      %lt3A_90 = arith.constant 40 : i32
      %lt3A_91 = arith.cmpi slt, %add3A_89, %lt3A_90 : i32
      %convert_element_type3A_92 = arith.extui %lt3A_91 : i1 to i32
      %cond3A_93 = arith.constant 0 : i32
      %cond3A_94 = arith.cmpi ne, %convert_element_type3A_92, %cond3A_93 : i32
      scf.if %cond3A_94 {
        %add3A_129 = arith.constant 5 : i32
        %add3A_130 = arith.addi %add3A_81, %add3A_129 : i32
        %dma_start3A_131 = arith.constant 0 : i32
        %dma_start3A_132 = tpu.memref_slice %arg7[%add3A_130, %dma_start3A_131] : memref<40x128xi32, #tpu.memory_space<vmem>> -> memref<1x128xi32, #tpu.memory_space<vmem>>
        %dma_start3A_133 = tpu.memref_squeeze %dma_start3A_132 : memref<1x128xi32, #tpu.memory_space<vmem>> -> memref<128xi32, #tpu.memory_space<vmem>>
        %dma_start3A_134 = arith.constant 0 : i32
        %dma_start3A_135 = arith.constant 0 : i32
        %dma_start3A_136 = tpu.memref_slice %arg2[%dma_start3A_134, %dma_start3A_135] : memref<10000x128xbf16, #tpu.memory_space<hbm>> -> memref<10000x128xbf16, #tpu.memory_space<hbm>>
        tpu.enqueue_indirect_dma source(%dma_start3A_136 : memref<10000x128xbf16, #tpu.memory_space<hbm>>) target(%arg11 : memref<128x128xbf16, #tpu.memory_space<vmem>>) offsets(%dma_start3A_133 : memref<128xi32, #tpu.memory_space<vmem>>) semaphore(%arg17 : memref<!tpu.dma_semaphore, #tpu.memory_space<semaphore_mem>>)
      } else {
      }
      %mul3A_95 = arith.constant 5 : i32
      %mul3A_96 = arith.muli %mul3A_95, %scan3A_47 : i32
      %add3A_97 = arith.constant 3 : i32
      %add3A_98 = arith.addi %mul3A_96, %add3A_97 : i32
      %dma_wait3A_99 = arith.constant 0 : i32
      %dma_wait3A_100 = tpu.memref_slice %arg7[%add3A_98, %dma_wait3A_99] : memref<40x128xi32, #tpu.memory_space<vmem>> -> memref<1x128xi32, #tpu.memory_space<vmem>>
      %dma_wait3A_101 = tpu.memref_squeeze %dma_wait3A_100 : memref<1x128xi32, #tpu.memory_space<vmem>> -> memref<128xi32, #tpu.memory_space<vmem>>
      %dma_wait3A_102 = arith.constant 0 : i32
      %dma_wait3A_103 = arith.constant 0 : i32
      %dma_wait3A_104 = tpu.memref_slice %arg2[%dma_wait3A_102, %dma_wait3A_103] : memref<10000x128xbf16, #tpu.memory_space<hbm>> -> memref<10000x128xbf16, #tpu.memory_space<hbm>>
      tpu.wait_indirect_dma semaphore(%arg18 : memref<!tpu.dma_semaphore, #tpu.memory_space<semaphore_mem>>) src(%dma_wait3A_104 : memref<10000x128xbf16, #tpu.memory_space<hbm>>) dst(%arg12 : memref<128x128xbf16, #tpu.memory_space<vmem>>)
      "tpu.region"() ({
        %run_scoped3A = tpu.sem_alloc : memref<!tpu.dma_semaphore, #tpu.memory_space<semaphore_mem>>
        %dma_start3A_129 = arith.constant 0 : i32
        %dma_start3A_130 = tpu.memref_slice %arg8[%add3A_98, %dma_start3A_129] : memref<40x128xi32, #tpu.memory_space<vmem>> -> memref<1x128xi32, #tpu.memory_space<vmem>>
        %dma_start3A_131 = tpu.memref_squeeze %dma_start3A_130 : memref<1x128xi32, #tpu.memory_space<vmem>> -> memref<128xi32, #tpu.memory_space<vmem>>
        %dma_start3A_132 = arith.constant 0 : i32
        %dma_start3A_133 = arith.constant 0 : i32
        %dma_start3A_134 = tpu.memref_slice %arg14[%dma_start3A_132, %dma_start3A_133] : memref<10240x128xbf16, #tpu.memory_space<vmem_shared>> -> memref<10240x128xbf16, #tpu.memory_space<vmem_shared>>
        tpu.enqueue_indirect_dma source(%arg12 : memref<128x128xbf16, #tpu.memory_space<vmem>>) target(%dma_start3A_134 : memref<10240x128xbf16, #tpu.memory_space<vmem_shared>>) offsets(%dma_start3A_131 : memref<128xi32, #tpu.memory_space<vmem>>) semaphore(%run_scoped3A : memref<!tpu.dma_semaphore, #tpu.memory_space<semaphore_mem>>) {add = true}
        %dma_wait3A_135 = arith.constant 0 : i32
        %dma_wait3A_136 = tpu.memref_slice %arg8[%add3A_98, %dma_wait3A_135] : memref<40x128xi32, #tpu.memory_space<vmem>> -> memref<1x128xi32, #tpu.memory_space<vmem>>
        %dma_wait3A_137 = tpu.memref_squeeze %dma_wait3A_136 : memref<1x128xi32, #tpu.memory_space<vmem>> -> memref<128xi32, #tpu.memory_space<vmem>>
        %dma_wait3A_138 = arith.constant 0 : i32
        %dma_wait3A_139 = arith.constant 0 : i32
        %dma_wait3A_140 = tpu.memref_slice %arg14[%dma_wait3A_138, %dma_wait3A_139] : memref<10240x128xbf16, #tpu.memory_space<vmem_shared>> -> memref<10240x128xbf16, #tpu.memory_space<vmem_shared>>
        tpu.wait_indirect_dma semaphore(%run_scoped3A : memref<!tpu.dma_semaphore, #tpu.memory_space<semaphore_mem>>) src(%arg12 : memref<128x128xbf16, #tpu.memory_space<vmem>>) dst(%dma_wait3A_140 : memref<10240x128xbf16, #tpu.memory_space<vmem_shared>>)
        tpu.yield
      }) : () -> ()
      %add3A_105 = arith.constant 5 : i32
      %add3A_106 = arith.addi %add3A_98, %add3A_105 : i32
      %lt3A_107 = arith.constant 40 : i32
      %lt3A_108 = arith.cmpi slt, %add3A_106, %lt3A_107 : i32
      %convert_element_type3A_109 = arith.extui %lt3A_108 : i1 to i32
      %cond3A_110 = arith.constant 0 : i32
      %cond3A_111 = arith.cmpi ne, %convert_element_type3A_109, %cond3A_110 : i32
      scf.if %cond3A_111 {
        %add3A_129 = arith.constant 5 : i32
        %add3A_130 = arith.addi %add3A_98, %add3A_129 : i32
        %dma_start3A_131 = arith.constant 0 : i32
        %dma_start3A_132 = tpu.memref_slice %arg7[%add3A_130, %dma_start3A_131] : memref<40x128xi32, #tpu.memory_space<vmem>> -> memref<1x128xi32, #tpu.memory_space<vmem>>
        %dma_start3A_133 = tpu.memref_squeeze %dma_start3A_132 : memref<1x128xi32, #tpu.memory_space<vmem>> -> memref<128xi32, #tpu.memory_space<vmem>>
        %dma_start3A_134 = arith.constant 0 : i32
        %dma_start3A_135 = arith.constant 0 : i32
        %dma_start3A_136 = tpu.memref_slice %arg2[%dma_start3A_134, %dma_start3A_135] : memref<10000x128xbf16, #tpu.memory_space<hbm>> -> memref<10000x128xbf16, #tpu.memory_space<hbm>>
        tpu.enqueue_indirect_dma source(%dma_start3A_136 : memref<10000x128xbf16, #tpu.memory_space<hbm>>) target(%arg12 : memref<128x128xbf16, #tpu.memory_space<vmem>>) offsets(%dma_start3A_133 : memref<128xi32, #tpu.memory_space<vmem>>) semaphore(%arg18 : memref<!tpu.dma_semaphore, #tpu.memory_space<semaphore_mem>>)
      } else {
      }
      %mul3A_112 = arith.constant 5 : i32
      %mul3A_113 = arith.muli %mul3A_112, %scan3A_47 : i32
      %add3A_114 = arith.constant 4 : i32
      %add3A_115 = arith.addi %mul3A_113, %add3A_114 : i32
      %dma_wait3A_116 = arith.constant 0 : i32
      %dma_wait3A_117 = tpu.memref_slice %arg7[%add3A_115, %dma_wait3A_116] : memref<40x128xi32, #tpu.memory_space<vmem>> -> memref<1x128xi32, #tpu.memory_space<vmem>>
      %dma_wait3A_118 = tpu.memref_squeeze %dma_wait3A_117 : memref<1x128xi32, #tpu.memory_space<vmem>> -> memref<128xi32, #tpu.memory_space<vmem>>
      %dma_wait3A_119 = arith.constant 0 : i32
      %dma_wait3A_120 = arith.constant 0 : i32
      %dma_wait3A_121 = tpu.memref_slice %arg2[%dma_wait3A_119, %dma_wait3A_120] : memref<10000x128xbf16, #tpu.memory_space<hbm>> -> memref<10000x128xbf16, #tpu.memory_space<hbm>>
      tpu.wait_indirect_dma semaphore(%arg19 : memref<!tpu.dma_semaphore, #tpu.memory_space<semaphore_mem>>) src(%dma_wait3A_121 : memref<10000x128xbf16, #tpu.memory_space<hbm>>) dst(%arg13 : memref<128x128xbf16, #tpu.memory_space<vmem>>)
      "tpu.region"() ({
        %run_scoped3A = tpu.sem_alloc : memref<!tpu.dma_semaphore, #tpu.memory_space<semaphore_mem>>
        %dma_start3A_129 = arith.constant 0 : i32
        %dma_start3A_130 = tpu.memref_slice %arg8[%add3A_115, %dma_start3A_129] : memref<40x128xi32, #tpu.memory_space<vmem>> -> memref<1x128xi32, #tpu.memory_space<vmem>>
        %dma_start3A_131 = tpu.memref_squeeze %dma_start3A_130 : memref<1x128xi32, #tpu.memory_space<vmem>> -> memref<128xi32, #tpu.memory_space<vmem>>
        %dma_start3A_132 = arith.constant 0 : i32
        %dma_start3A_133 = arith.constant 0 : i32
        %dma_start3A_134 = tpu.memref_slice %arg14[%dma_start3A_132, %dma_start3A_133] : memref<10240x128xbf16, #tpu.memory_space<vmem_shared>> -> memref<10240x128xbf16, #tpu.memory_space<vmem_shared>>
        tpu.enqueue_indirect_dma source(%arg13 : memref<128x128xbf16, #tpu.memory_space<vmem>>) target(%dma_start3A_134 : memref<10240x128xbf16, #tpu.memory_space<vmem_shared>>) offsets(%dma_start3A_131 : memref<128xi32, #tpu.memory_space<vmem>>) semaphore(%run_scoped3A : memref<!tpu.dma_semaphore, #tpu.memory_space<semaphore_mem>>) {add = true}
        %dma_wait3A_135 = arith.constant 0 : i32
        %dma_wait3A_136 = tpu.memref_slice %arg8[%add3A_115, %dma_wait3A_135] : memref<40x128xi32, #tpu.memory_space<vmem>> -> memref<1x128xi32, #tpu.memory_space<vmem>>
        %dma_wait3A_137 = tpu.memref_squeeze %dma_wait3A_136 : memref<1x128xi32, #tpu.memory_space<vmem>> -> memref<128xi32, #tpu.memory_space<vmem>>
        %dma_wait3A_138 = arith.constant 0 : i32
        %dma_wait3A_139 = arith.constant 0 : i32
        %dma_wait3A_140 = tpu.memref_slice %arg14[%dma_wait3A_138, %dma_wait3A_139] : memref<10240x128xbf16, #tpu.memory_space<vmem_shared>> -> memref<10240x128xbf16, #tpu.memory_space<vmem_shared>>
        tpu.wait_indirect_dma semaphore(%run_scoped3A : memref<!tpu.dma_semaphore, #tpu.memory_space<semaphore_mem>>) src(%arg13 : memref<128x128xbf16, #tpu.memory_space<vmem>>) dst(%dma_wait3A_140 : memref<10240x128xbf16, #tpu.memory_space<vmem_shared>>)
        tpu.yield
      }) : () -> ()
      %add3A_122 = arith.constant 5 : i32
      %add3A_123 = arith.addi %add3A_115, %add3A_122 : i32
      %lt3A_124 = arith.constant 40 : i32
      %lt3A_125 = arith.cmpi slt, %add3A_123, %lt3A_124 : i32
      %convert_element_type3A_126 = arith.extui %lt3A_125 : i1 to i32
      %cond3A_127 = arith.constant 0 : i32
      %cond3A_128 = arith.cmpi ne, %convert_element_type3A_126, %cond3A_127 : i32
      scf.if %cond3A_128 {
        %add3A_129 = arith.constant 5 : i32
        %add3A_130 = arith.addi %add3A_115, %add3A_129 : i32
        %dma_start3A_131 = arith.constant 0 : i32
        %dma_start3A_132 = tpu.memref_slice %arg7[%add3A_130, %dma_start3A_131] : memref<40x128xi32, #tpu.memory_space<vmem>> -> memref<1x128xi32, #tpu.memory_space<vmem>>
        %dma_start3A_133 = tpu.memref_squeeze %dma_start3A_132 : memref<1x128xi32, #tpu.memory_space<vmem>> -> memref<128xi32, #tpu.memory_space<vmem>>
        %dma_start3A_134 = arith.constant 0 : i32
        %dma_start3A_135 = arith.constant 0 : i32
        %dma_start3A_136 = tpu.memref_slice %arg2[%dma_start3A_134, %dma_start3A_135] : memref<10000x128xbf16, #tpu.memory_space<hbm>> -> memref<10000x128xbf16, #tpu.memory_space<hbm>>
        tpu.enqueue_indirect_dma source(%dma_start3A_136 : memref<10000x128xbf16, #tpu.memory_space<hbm>>) target(%arg13 : memref<128x128xbf16, #tpu.memory_space<vmem>>) offsets(%dma_start3A_133 : memref<128xi32, #tpu.memory_space<vmem>>) semaphore(%arg19 : memref<!tpu.dma_semaphore, #tpu.memory_space<semaphore_mem>>)
      } else {
      }
    }
    %scan3A_41 = arith.constant 8 : i32
    %barrier3A_42 = arith.constant 0 : index
    tpu.barrier barrier_id(%barrier3A_42)
    %mul3A_43 = arith.constant 640 : i32
    %mul3A_44 = arith.muli %arg1, %mul3A_43 : i32
    %mul3A_45 = arith.constant 640 : i32
    %mul3A_46 = arith.muli %arg1, %mul3A_45 : i32
    "tpu.region"() ({
      %run_scoped3A = tpu.sem_alloc : memref<!tpu.dma_semaphore, #tpu.memory_space<semaphore_mem>>
      %dma_start3A_47 = arith.constant 0 : i32
      %dma_start3A_48 = tpu.memref_slice %arg6[%arg0, %mul3A_46, %dma_start3A_47] : memref<2x10240x128xbf16, #tpu.memory_space<hbm>> -> memref<1x640x128xbf16, #tpu.memory_space<hbm>>
      %dma_start3A_49 = tpu.memref_squeeze %dma_start3A_48 : memref<1x640x128xbf16, #tpu.memory_space<hbm>> -> memref<640x128xbf16, #tpu.memory_space<hbm>>
      %dma_start3A_50 = arith.constant 0 : i32
      %dma_start3A_51 = tpu.memref_slice %arg14[%mul3A_44, %dma_start3A_50] : memref<10240x128xbf16, #tpu.memory_space<vmem_shared>> -> memref<640x128xbf16, #tpu.memory_space<vmem_shared>>
      tpu.enqueue_dma source(%dma_start3A_51 : memref<640x128xbf16, #tpu.memory_space<vmem_shared>>) target(%dma_start3A_49 : memref<640x128xbf16, #tpu.memory_space<hbm>>) target_semaphore(%run_scoped3A : memref<!tpu.dma_semaphore, #tpu.memory_space<semaphore_mem>>)
      %dma_wait3A = arith.constant 0 : i32
      %dma_wait3A_52 = tpu.memref_slice %arg6[%arg0, %mul3A_46, %dma_wait3A] : memref<2x10240x128xbf16, #tpu.memory_space<hbm>> -> memref<1x640x128xbf16, #tpu.memory_space<hbm>>
      %dma_wait3A_53 = tpu.memref_squeeze %dma_wait3A_52 : memref<1x640x128xbf16, #tpu.memory_space<hbm>> -> memref<640x128xbf16, #tpu.memory_space<hbm>>
      %dma_wait3A_54 = arith.constant 0 : i32
      %dma_wait3A_55 = tpu.memref_slice %arg14[%mul3A_44, %dma_wait3A_54] : memref<10240x128xbf16, #tpu.memory_space<vmem_shared>> -> memref<640x128xbf16, #tpu.memory_space<vmem_shared>>
      tpu.wait_dma2 semaphore(%run_scoped3A : memref<!tpu.dma_semaphore, #tpu.memory_space<semaphore_mem>>) src(%dma_wait3A_55 : memref<640x128xbf16, #tpu.memory_space<vmem_shared>>) dst(%dma_wait3A_53 : memref<640x128xbf16, #tpu.memory_space<hbm>>)
      tpu.yield
    }) : () -> ()
    return
  }
}

#map = affine_map<(d0, d1) -> (0, 0, 0)>
#map1 = affine_map<(d0, d1) -> (0)>
#map2 = affine_map<(d0, d1) -> (0, 0)>
module attributes {stable_mosaic.version = 14 : i64} {
  func.func @_deg_kernel(%arg0: i32, %arg1: i32, %arg2: memref<32x40x128xi32, #tpu.memory_space<hbm>>, %arg3: memref<640xf32, #tpu.memory_space<hbm>>, %arg4: memref<2x10240xf32, #tpu.memory_space<hbm>>, %arg5: memref<40x128xi32, #tpu.memory_space<vmem>>, %arg6: memref<128xf32, #tpu.memory_space<vmem>>, %arg7: memref<10240xf32, #tpu.memory_space<vmem_shared>>) attributes {dimension_semantics = [#tpu.dimension_semantics<core_parallel>, #tpu.dimension_semantics<subcore_parallel>], iteration_bounds = array<i64: 2, 16>, scalar_prefetch = 0 : i64, scratch_operands = 3 : i64, tpu.core_type = #tpu.core_type<sc_vector_subcore>, window_params = [{transform_indices = #map}, {transform_indices = #map1}, {transform_indices = #map2}]} {
    %mul3A = arith.constant 16 : i32
    %mul3A_0 = arith.muli %arg0, %mul3A : i32
    %add3A = arith.addi %mul3A_0, %arg1 : i32
    %mul3A_1 = arith.constant 640 : i32
    %mul3A_2 = arith.muli %arg1, %mul3A_1 : i32
    "tpu.region"() ({
      %run_scoped3A = tpu.sem_alloc : memref<!tpu.dma_semaphore, #tpu.memory_space<semaphore_mem>>
      %dma_start3A = tpu.memref_slice %arg7[%mul3A_2] : memref<10240xf32, #tpu.memory_space<vmem_shared>> -> memref<640xf32, #tpu.memory_space<vmem_shared>>
      tpu.enqueue_dma source(%arg3 : memref<640xf32, #tpu.memory_space<hbm>>) target(%dma_start3A : memref<640xf32, #tpu.memory_space<vmem_shared>>) target_semaphore(%run_scoped3A : memref<!tpu.dma_semaphore, #tpu.memory_space<semaphore_mem>>)
      %dma_wait3A = tpu.memref_slice %arg7[%mul3A_2] : memref<10240xf32, #tpu.memory_space<vmem_shared>> -> memref<640xf32, #tpu.memory_space<vmem_shared>>
      tpu.wait_dma2 semaphore(%run_scoped3A : memref<!tpu.dma_semaphore, #tpu.memory_space<semaphore_mem>>) src(%arg3 : memref<640xf32, #tpu.memory_space<hbm>>) dst(%dma_wait3A : memref<640xf32, #tpu.memory_space<vmem_shared>>)
      tpu.yield
    }) : () -> ()
    "tpu.region"() ({
      %run_scoped3A = tpu.sem_alloc : memref<!tpu.dma_semaphore, #tpu.memory_space<semaphore_mem>>
      %dma_start3A = arith.constant 0 : i32
      %dma_start3A_59 = arith.constant 0 : i32
      %dma_start3A_60 = tpu.memref_slice %arg2[%add3A, %dma_start3A, %dma_start3A_59] : memref<32x40x128xi32, #tpu.memory_space<hbm>> -> memref<1x40x128xi32, #tpu.memory_space<hbm>>
      %dma_start3A_61 = tpu.memref_squeeze %dma_start3A_60 : memref<1x40x128xi32, #tpu.memory_space<hbm>> -> memref<40x128xi32, #tpu.memory_space<hbm>>
      %dma_start3A_62 = arith.constant 0 : i32
      %dma_start3A_63 = arith.constant 0 : i32
      %dma_start3A_64 = tpu.memref_slice %arg2[%add3A, %dma_start3A_62, %dma_start3A_63] : memref<32x40x128xi32, #tpu.memory_space<hbm>> -> memref<1x40x128xi32, #tpu.memory_space<hbm>>
      %dma_start3A_65 = tpu.memref_squeeze %dma_start3A_64 : memref<1x40x128xi32, #tpu.memory_space<hbm>> -> memref<40x128xi32, #tpu.memory_space<hbm>>
      tpu.enqueue_dma source(%dma_start3A_65 : memref<40x128xi32, #tpu.memory_space<hbm>>) target(%arg5 : memref<40x128xi32, #tpu.memory_space<vmem>>) target_semaphore(%run_scoped3A : memref<!tpu.dma_semaphore, #tpu.memory_space<semaphore_mem>>)
      %dma_wait3A = arith.constant 0 : i32
      %dma_wait3A_66 = arith.constant 0 : i32
      %dma_wait3A_67 = tpu.memref_slice %arg2[%add3A, %dma_wait3A, %dma_wait3A_66] : memref<32x40x128xi32, #tpu.memory_space<hbm>> -> memref<1x40x128xi32, #tpu.memory_space<hbm>>
      %dma_wait3A_68 = tpu.memref_squeeze %dma_wait3A_67 : memref<1x40x128xi32, #tpu.memory_space<hbm>> -> memref<40x128xi32, #tpu.memory_space<hbm>>
      %dma_wait3A_69 = arith.constant 0 : i32
      %dma_wait3A_70 = arith.constant 0 : i32
      %dma_wait3A_71 = tpu.memref_slice %arg2[%add3A, %dma_wait3A_69, %dma_wait3A_70] : memref<32x40x128xi32, #tpu.memory_space<hbm>> -> memref<1x40x128xi32, #tpu.memory_space<hbm>>
      %dma_wait3A_72 = tpu.memref_squeeze %dma_wait3A_71 : memref<1x40x128xi32, #tpu.memory_space<hbm>> -> memref<40x128xi32, #tpu.memory_space<hbm>>
      tpu.wait_dma2 semaphore(%run_scoped3A : memref<!tpu.dma_semaphore, #tpu.memory_space<semaphore_mem>>) src(%dma_wait3A_72 : memref<40x128xi32, #tpu.memory_space<hbm>>) dst(%arg5 : memref<40x128xi32, #tpu.memory_space<vmem>>)
      tpu.yield
    }) : () -> ()
    %broadcast_in_dim3A = arith.constant 1.000000e+00 : f32
    %broadcast_in_dim3A_3 = vector.broadcast %broadcast_in_dim3A : f32 to vector<16xf32>
    %swap3A = arith.constant 0 : index
    %swap3A_4 = tpu.vector_load %arg6[%swap3A] {strides = array<i32>} : memref<128xf32, #tpu.memory_space<vmem>>, vector<16xf32>,
    %swap3A_5 = vector.shape_cast %swap3A_4 : vector<16xf32> to vector<16xf32>
    %swap3A_6 = vector.shape_cast %broadcast_in_dim3A_3 : vector<16xf32> to vector<16xf32>
    tpu.vector_store %arg6[%swap3A], %swap3A_6 {strides = array<i32>} : memref<128xf32, #tpu.memory_space<vmem>>, vector<16xf32>,
    %broadcast_in_dim3A_7 = arith.constant 1.000000e+00 : f32
    %broadcast_in_dim3A_8 = vector.broadcast %broadcast_in_dim3A_7 : f32 to vector<16xf32>
    %swap3A_9 = arith.constant 16 : index
    %swap3A_10 = tpu.vector_load %arg6[%swap3A_9] {strides = array<i32>} : memref<128xf32, #tpu.memory_space<vmem>>, vector<16xf32>,
    %swap3A_11 = vector.shape_cast %swap3A_10 : vector<16xf32> to vector<16xf32>
    %swap3A_12 = vector.shape_cast %broadcast_in_dim3A_8 : vector<16xf32> to vector<16xf32>
    tpu.vector_store %arg6[%swap3A_9], %swap3A_12 {strides = array<i32>} : memref<128xf32, #tpu.memory_space<vmem>>, vector<16xf32>,
    %broadcast_in_dim3A_13 = arith.constant 1.000000e+00 : f32
    %broadcast_in_dim3A_14 = vector.broadcast %broadcast_in_dim3A_13 : f32 to vector<16xf32>
    %swap3A_15 = arith.constant 32 : index
    %swap3A_16 = tpu.vector_load %arg6[%swap3A_15] {strides = array<i32>} : memref<128xf32, #tpu.memory_space<vmem>>, vector<16xf32>,
    %swap3A_17 = vector.shape_cast %swap3A_16 : vector<16xf32> to vector<16xf32>
    %swap3A_18 = vector.shape_cast %broadcast_in_dim3A_14 : vector<16xf32> to vector<16xf32>
    tpu.vector_store %arg6[%swap3A_15], %swap3A_18 {strides = array<i32>} : memref<128xf32, #tpu.memory_space<vmem>>, vector<16xf32>,
    %broadcast_in_dim3A_19 = arith.constant 1.000000e+00 : f32
    %broadcast_in_dim3A_20 = vector.broadcast %broadcast_in_dim3A_19 : f32 to vector<16xf32>
    %swap3A_21 = arith.constant 48 : index
    %swap3A_22 = tpu.vector_load %arg6[%swap3A_21] {strides = array<i32>} : memref<128xf32, #tpu.memory_space<vmem>>, vector<16xf32>,
    %swap3A_23 = vector.shape_cast %swap3A_22 : vector<16xf32> to vector<16xf32>
    %swap3A_24 = vector.shape_cast %broadcast_in_dim3A_20 : vector<16xf32> to vector<16xf32>
    tpu.vector_store %arg6[%swap3A_21], %swap3A_24 {strides = array<i32>} : memref<128xf32, #tpu.memory_space<vmem>>, vector<16xf32>,
    %broadcast_in_dim3A_25 = arith.constant 1.000000e+00 : f32
    %broadcast_in_dim3A_26 = vector.broadcast %broadcast_in_dim3A_25 : f32 to vector<16xf32>
    %swap3A_27 = arith.constant 64 : index
    %swap3A_28 = tpu.vector_load %arg6[%swap3A_27] {strides = array<i32>} : memref<128xf32, #tpu.memory_space<vmem>>, vector<16xf32>,
    %swap3A_29 = vector.shape_cast %swap3A_28 : vector<16xf32> to vector<16xf32>
    %swap3A_30 = vector.shape_cast %broadcast_in_dim3A_26 : vector<16xf32> to vector<16xf32>
    tpu.vector_store %arg6[%swap3A_27], %swap3A_30 {strides = array<i32>} : memref<128xf32, #tpu.memory_space<vmem>>, vector<16xf32>,
    %broadcast_in_dim3A_31 = arith.constant 1.000000e+00 : f32
    %broadcast_in_dim3A_32 = vector.broadcast %broadcast_in_dim3A_31 : f32 to vector<16xf32>
    %swap3A_33 = arith.constant 80 : index
    %swap3A_34 = tpu.vector_load %arg6[%swap3A_33] {strides = array<i32>} : memref<128xf32, #tpu.memory_space<vmem>>, vector<16xf32>,
    %swap3A_35 = vector.shape_cast %swap3A_34 : vector<16xf32> to vector<16xf32>
    %swap3A_36 = vector.shape_cast %broadcast_in_dim3A_32 : vector<16xf32> to vector<16xf32>
    tpu.vector_store %arg6[%swap3A_33], %swap3A_36 {strides = array<i32>} : memref<128xf32, #tpu.memory_space<vmem>>, vector<16xf32>,
    %broadcast_in_dim3A_37 = arith.constant 1.000000e+00 : f32
    %broadcast_in_dim3A_38 = vector.broadcast %broadcast_in_dim3A_37 : f32 to vector<16xf32>
    %swap3A_39 = arith.constant 96 : index
    %swap3A_40 = tpu.vector_load %arg6[%swap3A_39] {strides = array<i32>} : memref<128xf32, #tpu.memory_space<vmem>>, vector<16xf32>,
    %swap3A_41 = vector.shape_cast %swap3A_40 : vector<16xf32> to vector<16xf32>
    %swap3A_42 = vector.shape_cast %broadcast_in_dim3A_38 : vector<16xf32> to vector<16xf32>
    tpu.vector_store %arg6[%swap3A_39], %swap3A_42 {strides = array<i32>} : memref<128xf32, #tpu.memory_space<vmem>>, vector<16xf32>,
    %broadcast_in_dim3A_43 = arith.constant 1.000000e+00 : f32
    %broadcast_in_dim3A_44 = vector.broadcast %broadcast_in_dim3A_43 : f32 to vector<16xf32>
    %swap3A_45 = arith.constant 112 : index
    %swap3A_46 = tpu.vector_load %arg6[%swap3A_45] {strides = array<i32>} : memref<128xf32, #tpu.memory_space<vmem>>, vector<16xf32>,
    %swap3A_47 = vector.shape_cast %swap3A_46 : vector<16xf32> to vector<16xf32>
    %swap3A_48 = vector.shape_cast %broadcast_in_dim3A_44 : vector<16xf32> to vector<16xf32>
    tpu.vector_store %arg6[%swap3A_45], %swap3A_48 {strides = array<i32>} : memref<128xf32, #tpu.memory_space<vmem>>, vector<16xf32>,
    %barrier3A = arith.constant 0 : index
    tpu.barrier barrier_id(%barrier3A)
    %scan3A = arith.constant 0 : i32
    %scan3A_49 = arith.constant 0 : i32
    %scan3A_50 = arith.constant 40 : i32
    %scan3A_51 = arith.addi %scan3A_49, %scan3A_50 : i32
    %scan3A_52 = arith.constant 1 : i32
    scf.for %scan3A_59 = %scan3A_49 to %scan3A_51 step %scan3A_52  : i32 {
      "tpu.region"() ({
        %run_scoped3A = tpu.sem_alloc : memref<!tpu.dma_semaphore, #tpu.memory_space<semaphore_mem>>
        %dma_start3A = arith.constant 0 : i32
        %dma_start3A_60 = tpu.memref_slice %arg5[%scan3A_59, %dma_start3A] : memref<40x128xi32, #tpu.memory_space<vmem>> -> memref<1x128xi32, #tpu.memory_space<vmem>>
        %dma_start3A_61 = tpu.memref_squeeze %dma_start3A_60 : memref<1x128xi32, #tpu.memory_space<vmem>> -> memref<128xi32, #tpu.memory_space<vmem>>
        %dma_start3A_62 = arith.constant 0 : i32
        %dma_start3A_63 = tpu.memref_slice %arg7[%dma_start3A_62] : memref<10240xf32, #tpu.memory_space<vmem_shared>> -> memref<10240xf32, #tpu.memory_space<vmem_shared>>
        tpu.enqueue_indirect_dma source(%arg6 : memref<128xf32, #tpu.memory_space<vmem>>) target(%dma_start3A_63 : memref<10240xf32, #tpu.memory_space<vmem_shared>>) offsets(%dma_start3A_61 : memref<128xi32, #tpu.memory_space<vmem>>) semaphore(%run_scoped3A : memref<!tpu.dma_semaphore, #tpu.memory_space<semaphore_mem>>) {add = true}
        %dma_wait3A = arith.constant 0 : i32
        %dma_wait3A_64 = tpu.memref_slice %arg5[%scan3A_59, %dma_wait3A] : memref<40x128xi32, #tpu.memory_space<vmem>> -> memref<1x128xi32, #tpu.memory_space<vmem>>
        %dma_wait3A_65 = tpu.memref_squeeze %dma_wait3A_64 : memref<1x128xi32, #tpu.memory_space<vmem>> -> memref<128xi32, #tpu.memory_space<vmem>>
        %dma_wait3A_66 = arith.constant 0 : i32
        %dma_wait3A_67 = tpu.memref_slice %arg7[%dma_wait3A_66] : memref<10240xf32, #tpu.memory_space<vmem_shared>> -> memref<10240xf32, #tpu.memory_space<vmem_shared>>
        tpu.wait_indirect_dma semaphore(%run_scoped3A : memref<!tpu.dma_semaphore, #tpu.memory_space<semaphore_mem>>) src(%arg6 : memref<128xf32, #tpu.memory_space<vmem>>) dst(%dma_wait3A_67 : memref<10240xf32, #tpu.memory_space<vmem_shared>>)
        tpu.yield
      }) : () -> ()
    }
    %scan3A_53 = arith.constant 40 : i32
    %barrier3A_54 = arith.constant 0 : index
    tpu.barrier barrier_id(%barrier3A_54)
    %mul3A_55 = arith.constant 640 : i32
    %mul3A_56 = arith.muli %arg1, %mul3A_55 : i32
    %mul3A_57 = arith.constant 640 : i32
    %mul3A_58 = arith.muli %arg1, %mul3A_57 : i32
    "tpu.region"() ({
      %run_scoped3A = tpu.sem_alloc : memref<!tpu.dma_semaphore, #tpu.memory_space<semaphore_mem>>
      %dma_start3A = tpu.memref_slice %arg4[%arg0, %mul3A_58] : memref<2x10240xf32, #tpu.memory_space<hbm>> -> memref<1x640xf32, #tpu.memory_space<hbm>>
      %dma_start3A_59 = tpu.memref_squeeze %dma_start3A : memref<1x640xf32, #tpu.memory_space<hbm>> -> memref<640xf32, #tpu.memory_space<hbm>>
      %dma_start3A_60 = tpu.memref_slice %arg7[%mul3A_56] : memref<10240xf32, #tpu.memory_space<vmem_shared>> -> memref<640xf32, #tpu.memory_space<vmem_shared>>
      tpu.enqueue_dma source(%dma_start3A_60 : memref<640xf32, #tpu.memory_space<vmem_shared>>) target(%dma_start3A_59 : memref<640xf32, #tpu.memory_space<hbm>>) target_semaphore(%run_scoped3A : memref<!tpu.dma_semaphore, #tpu.memory_space<semaphore_mem>>)
      %dma_wait3A = tpu.memref_slice %arg4[%arg0, %mul3A_58] : memref<2x10240xf32, #tpu.memory_space<hbm>> -> memref<1x640xf32, #tpu.memory_space<hbm>>
      %dma_wait3A_61 = tpu.memref_squeeze %dma_wait3A : memref<1x640xf32, #tpu.memory_space<hbm>> -> memref<640xf32, #tpu.memory_space<hbm>>
      %dma_wait3A_62 = tpu.memref_slice %arg7[%mul3A_56] : memref<10240xf32, #tpu.memory_space<vmem_shared>> -> memref<640xf32, #tpu.memory_space<vmem_shared>>
      tpu.wait_dma2 semaphore(%run_scoped3A : memref<!tpu.dma_semaphore, #tpu.memory_space<semaphore_mem>>) src(%dma_wait3A_62 : memref<640xf32, #tpu.memory_space<vmem_shared>>) dst(%dma_wait3A_61 : memref<640xf32, #tpu.memory_space<hbm>>)
      tpu.yield
    }) : () -> ()
    return
  }
}

#map = affine_map<(d0, d1) -> (0, 0)>
#map1 = affine_map<(d0, d1) -> (0, 0, 0)>
module attributes {stable_mosaic.version = 14 : i64} {
  func.func @_scat(%arg0: i32, %arg1: i32, %arg2: memref<10000x64xbf16, #tpu.memory_space<hbm>>, %arg3: memref<32x40x128xi32, #tpu.memory_space<hbm>>, %arg4: memref<32x40x128xi32, #tpu.memory_space<hbm>>, %arg5: memref<640x64xbf16, #tpu.memory_space<hbm>>, %arg6: memref<2x10240x64xbf16, #tpu.memory_space<hbm>>, %arg7: memref<40x128xi32, #tpu.memory_space<vmem>>, %arg8: memref<40x128xi32, #tpu.memory_space<vmem>>, %arg9: memref<128x64xbf16, #tpu.memory_space<vmem>>, %arg10: memref<128x64xbf16, #tpu.memory_space<vmem>>, %arg11: memref<128x64xbf16, #tpu.memory_space<vmem>>, %arg12: memref<128x64xbf16, #tpu.memory_space<vmem>>, %arg13: memref<128x64xbf16, #tpu.memory_space<vmem>>, %arg14: memref<128x64xbf16, #tpu.memory_space<vmem>>, %arg15: memref<128x64xbf16, #tpu.memory_space<vmem>>, %arg16: memref<128x64xbf16, #tpu.memory_space<vmem>>, %arg17: memref<10240x64xbf16, #tpu.memory_space<vmem_shared>>, %arg18: memref<!tpu.dma_semaphore, #tpu.memory_space<semaphore_mem>>, %arg19: memref<!tpu.dma_semaphore, #tpu.memory_space<semaphore_mem>>, %arg20: memref<!tpu.dma_semaphore, #tpu.memory_space<semaphore_mem>>, %arg21: memref<!tpu.dma_semaphore, #tpu.memory_space<semaphore_mem>>, %arg22: memref<!tpu.dma_semaphore, #tpu.memory_space<semaphore_mem>>, %arg23: memref<!tpu.dma_semaphore, #tpu.memory_space<semaphore_mem>>, %arg24: memref<!tpu.dma_semaphore, #tpu.memory_space<semaphore_mem>>, %arg25: memref<!tpu.dma_semaphore, #tpu.memory_space<semaphore_mem>>) attributes {dimension_semantics = [#tpu.dimension_semantics<core_parallel>, #tpu.dimension_semantics<subcore_parallel>], iteration_bounds = array<i64: 2, 16>, scalar_prefetch = 0 : i64, scratch_operands = 19 : i64, tpu.core_type = #tpu.core_type<sc_vector_subcore>, window_params = [{transform_indices = #map}, {transform_indices = #map1}, {transform_indices = #map1}, {transform_indices = #map}, {transform_indices = #map1}]} {
    %mul3A = arith.constant 16 : i32
    %mul3A_0 = arith.muli %arg0, %mul3A : i32
    %add3A = arith.addi %mul3A_0, %arg1 : i32
    %mul3A_1 = arith.constant 640 : i32
    %mul3A_2 = arith.muli %arg1, %mul3A_1 : i32
    "tpu.region"() ({
      %run_scoped3A = tpu.sem_alloc : memref<!tpu.dma_semaphore, #tpu.memory_space<semaphore_mem>>
      %dma_start3A_68 = arith.constant 0 : i32
      %dma_start3A_69 = tpu.memref_slice %arg17[%mul3A_2, %dma_start3A_68] : memref<10240x64xbf16, #tpu.memory_space<vmem_shared>> -> memref<640x64xbf16, #tpu.memory_space<vmem_shared>>
      tpu.enqueue_dma source(%arg5 : memref<640x64xbf16, #tpu.memory_space<hbm>>) target(%dma_start3A_69 : memref<640x64xbf16, #tpu.memory_space<vmem_shared>>) target_semaphore(%run_scoped3A : memref<!tpu.dma_semaphore, #tpu.memory_space<semaphore_mem>>)
      %dma_wait3A = arith.constant 0 : i32
      %dma_wait3A_70 = tpu.memref_slice %arg17[%mul3A_2, %dma_wait3A] : memref<10240x64xbf16, #tpu.memory_space<vmem_shared>> -> memref<640x64xbf16, #tpu.memory_space<vmem_shared>>
      tpu.wait_dma2 semaphore(%run_scoped3A : memref<!tpu.dma_semaphore, #tpu.memory_space<semaphore_mem>>) src(%arg5 : memref<640x64xbf16, #tpu.memory_space<hbm>>) dst(%dma_wait3A_70 : memref<640x64xbf16, #tpu.memory_space<vmem_shared>>)
      tpu.yield
    }) : () -> ()
    "tpu.region"() ({
      %run_scoped3A = tpu.sem_alloc : memref<!tpu.dma_semaphore, #tpu.memory_space<semaphore_mem>>
      %dma_start3A_68 = arith.constant 0 : i32
      %dma_start3A_69 = arith.constant 0 : i32
      %dma_start3A_70 = tpu.memref_slice %arg3[%add3A, %dma_start3A_68, %dma_start3A_69] : memref<32x40x128xi32, #tpu.memory_space<hbm>> -> memref<1x40x128xi32, #tpu.memory_space<hbm>>
      %dma_start3A_71 = tpu.memref_squeeze %dma_start3A_70 : memref<1x40x128xi32, #tpu.memory_space<hbm>> -> memref<40x128xi32, #tpu.memory_space<hbm>>
      %dma_start3A_72 = arith.constant 0 : i32
      %dma_start3A_73 = arith.constant 0 : i32
      %dma_start3A_74 = tpu.memref_slice %arg3[%add3A, %dma_start3A_72, %dma_start3A_73] : memref<32x40x128xi32, #tpu.memory_space<hbm>> -> memref<1x40x128xi32, #tpu.memory_space<hbm>>
      %dma_start3A_75 = tpu.memref_squeeze %dma_start3A_74 : memref<1x40x128xi32, #tpu.memory_space<hbm>> -> memref<40x128xi32, #tpu.memory_space<hbm>>
      tpu.enqueue_dma source(%dma_start3A_75 : memref<40x128xi32, #tpu.memory_space<hbm>>) target(%arg7 : memref<40x128xi32, #tpu.memory_space<vmem>>) target_semaphore(%run_scoped3A : memref<!tpu.dma_semaphore, #tpu.memory_space<semaphore_mem>>)
      %dma_wait3A = arith.constant 0 : i32
      %dma_wait3A_76 = arith.constant 0 : i32
      %dma_wait3A_77 = tpu.memref_slice %arg3[%add3A, %dma_wait3A, %dma_wait3A_76] : memref<32x40x128xi32, #tpu.memory_space<hbm>> -> memref<1x40x128xi32, #tpu.memory_space<hbm>>
      %dma_wait3A_78 = tpu.memref_squeeze %dma_wait3A_77 : memref<1x40x128xi32, #tpu.memory_space<hbm>> -> memref<40x128xi32, #tpu.memory_space<hbm>>
      %dma_wait3A_79 = arith.constant 0 : i32
      %dma_wait3A_80 = arith.constant 0 : i32
      %dma_wait3A_81 = tpu.memref_slice %arg3[%add3A, %dma_wait3A_79, %dma_wait3A_80] : memref<32x40x128xi32, #tpu.memory_space<hbm>> -> memref<1x40x128xi32, #tpu.memory_space<hbm>>
      %dma_wait3A_82 = tpu.memref_squeeze %dma_wait3A_81 : memref<1x40x128xi32, #tpu.memory_space<hbm>> -> memref<40x128xi32, #tpu.memory_space<hbm>>
      tpu.wait_dma2 semaphore(%run_scoped3A : memref<!tpu.dma_semaphore, #tpu.memory_space<semaphore_mem>>) src(%dma_wait3A_82 : memref<40x128xi32, #tpu.memory_space<hbm>>) dst(%arg7 : memref<40x128xi32, #tpu.memory_space<vmem>>)
      tpu.yield
    }) : () -> ()
    "tpu.region"() ({
      %run_scoped3A = tpu.sem_alloc : memref<!tpu.dma_semaphore, #tpu.memory_space<semaphore_mem>>
      %dma_start3A_68 = arith.constant 0 : i32
      %dma_start3A_69 = arith.constant 0 : i32
      %dma_start3A_70 = tpu.memref_slice %arg4[%add3A, %dma_start3A_68, %dma_start3A_69] : memref<32x40x128xi32, #tpu.memory_space<hbm>> -> memref<1x40x128xi32, #tpu.memory_space<hbm>>
      %dma_start3A_71 = tpu.memref_squeeze %dma_start3A_70 : memref<1x40x128xi32, #tpu.memory_space<hbm>> -> memref<40x128xi32, #tpu.memory_space<hbm>>
      %dma_start3A_72 = arith.constant 0 : i32
      %dma_start3A_73 = arith.constant 0 : i32
      %dma_start3A_74 = tpu.memref_slice %arg4[%add3A, %dma_start3A_72, %dma_start3A_73] : memref<32x40x128xi32, #tpu.memory_space<hbm>> -> memref<1x40x128xi32, #tpu.memory_space<hbm>>
      %dma_start3A_75 = tpu.memref_squeeze %dma_start3A_74 : memref<1x40x128xi32, #tpu.memory_space<hbm>> -> memref<40x128xi32, #tpu.memory_space<hbm>>
      tpu.enqueue_dma source(%dma_start3A_75 : memref<40x128xi32, #tpu.memory_space<hbm>>) target(%arg8 : memref<40x128xi32, #tpu.memory_space<vmem>>) target_semaphore(%run_scoped3A : memref<!tpu.dma_semaphore, #tpu.memory_space<semaphore_mem>>)
      %dma_wait3A = arith.constant 0 : i32
      %dma_wait3A_76 = arith.constant 0 : i32
      %dma_wait3A_77 = tpu.memref_slice %arg4[%add3A, %dma_wait3A, %dma_wait3A_76] : memref<32x40x128xi32, #tpu.memory_space<hbm>> -> memref<1x40x128xi32, #tpu.memory_space<hbm>>
      %dma_wait3A_78 = tpu.memref_squeeze %dma_wait3A_77 : memref<1x40x128xi32, #tpu.memory_space<hbm>> -> memref<40x128xi32, #tpu.memory_space<hbm>>
      %dma_wait3A_79 = arith.constant 0 : i32
      %dma_wait3A_80 = arith.constant 0 : i32
      %dma_wait3A_81 = tpu.memref_slice %arg4[%add3A, %dma_wait3A_79, %dma_wait3A_80] : memref<32x40x128xi32, #tpu.memory_space<hbm>> -> memref<1x40x128xi32, #tpu.memory_space<hbm>>
      %dma_wait3A_82 = tpu.memref_squeeze %dma_wait3A_81 : memref<1x40x128xi32, #tpu.memory_space<hbm>> -> memref<40x128xi32, #tpu.memory_space<hbm>>
      tpu.wait_dma2 semaphore(%run_scoped3A : memref<!tpu.dma_semaphore, #tpu.memory_space<semaphore_mem>>) src(%dma_wait3A_82 : memref<40x128xi32, #tpu.memory_space<hbm>>) dst(%arg8 : memref<40x128xi32, #tpu.memory_space<vmem>>)
      tpu.yield
    }) : () -> ()
    %barrier3A = arith.constant 0 : index
    tpu.barrier barrier_id(%barrier3A)
    %dma_start3A = arith.constant 0 : i32
    %dma_start3A_3 = arith.constant 0 : i32
    %dma_start3A_4 = tpu.memref_slice %arg7[%dma_start3A, %dma_start3A_3] : memref<40x128xi32, #tpu.memory_space<vmem>> -> memref<1x128xi32, #tpu.memory_space<vmem>>
    %dma_start3A_5 = tpu.memref_squeeze %dma_start3A_4 : memref<1x128xi32, #tpu.memory_space<vmem>> -> memref<128xi32, #tpu.memory_space<vmem>>
    %dma_start3A_6 = arith.constant 0 : i32
    %dma_start3A_7 = arith.constant 0 : i32
    %dma_start3A_8 = tpu.memref_slice %arg2[%dma_start3A_6, %dma_start3A_7] : memref<10000x64xbf16, #tpu.memory_space<hbm>> -> memref<10000x64xbf16, #tpu.memory_space<hbm>>
    tpu.enqueue_indirect_dma source(%dma_start3A_8 : memref<10000x64xbf16, #tpu.memory_space<hbm>>) target(%arg9 : memref<128x64xbf16, #tpu.memory_space<vmem>>) offsets(%dma_start3A_5 : memref<128xi32, #tpu.memory_space<vmem>>) semaphore(%arg18 : memref<!tpu.dma_semaphore, #tpu.memory_space<semaphore_mem>>)
    %dma_start3A_9 = arith.constant 1 : i32
    %dma_start3A_10 = arith.constant 0 : i32
    %dma_start3A_11 = tpu.memref_slice %arg7[%dma_start3A_9, %dma_start3A_10] : memref<40x128xi32, #tpu.memory_space<vmem>> -> memref<1x128xi32, #tpu.memory_space<vmem>>
    %dma_start3A_12 = tpu.memref_squeeze %dma_start3A_11 : memref<1x128xi32, #tpu.memory_space<vmem>> -> memref<128xi32, #tpu.memory_space<vmem>>
    %dma_start3A_13 = arith.constant 0 : i32
    %dma_start3A_14 = arith.constant 0 : i32
    %dma_start3A_15 = tpu.memref_slice %arg2[%dma_start3A_13, %dma_start3A_14] : memref<10000x64xbf16, #tpu.memory_space<hbm>> -> memref<10000x64xbf16, #tpu.memory_space<hbm>>
    tpu.enqueue_indirect_dma source(%dma_start3A_15 : memref<10000x64xbf16, #tpu.memory_space<hbm>>) target(%arg10 : memref<128x64xbf16, #tpu.memory_space<vmem>>) offsets(%dma_start3A_12 : memref<128xi32, #tpu.memory_space<vmem>>) semaphore(%arg19 : memref<!tpu.dma_semaphore, #tpu.memory_space<semaphore_mem>>)
    %dma_start3A_16 = arith.constant 2 : i32
    %dma_start3A_17 = arith.constant 0 : i32
    %dma_start3A_18 = tpu.memref_slice %arg7[%dma_start3A_16, %dma_start3A_17] : memref<40x128xi32, #tpu.memory_space<vmem>> -> memref<1x128xi32, #tpu.memory_space<vmem>>
    %dma_start3A_19 = tpu.memref_squeeze %dma_start3A_18 : memref<1x128xi32, #tpu.memory_space<vmem>> -> memref<128xi32, #tpu.memory_space<vmem>>
    %dma_start3A_20 = arith.constant 0 : i32
    %dma_start3A_21 = arith.constant 0 : i32
    %dma_start3A_22 = tpu.memref_slice %arg2[%dma_start3A_20, %dma_start3A_21] : memref<10000x64xbf16, #tpu.memory_space<hbm>> -> memref<10000x64xbf16, #tpu.memory_space<hbm>>
    tpu.enqueue_indirect_dma source(%dma_start3A_22 : memref<10000x64xbf16, #tpu.memory_space<hbm>>) target(%arg11 : memref<128x64xbf16, #tpu.memory_space<vmem>>) offsets(%dma_start3A_19 : memref<128xi32, #tpu.memory_space<vmem>>) semaphore(%arg20 : memref<!tpu.dma_semaphore, #tpu.memory_space<semaphore_mem>>)
    %dma_start3A_23 = arith.constant 3 : i32
    %dma_start3A_24 = arith.constant 0 : i32
    %dma_start3A_25 = tpu.memref_slice %arg7[%dma_start3A_23, %dma_start3A_24] : memref<40x128xi32, #tpu.memory_space<vmem>> -> memref<1x128xi32, #tpu.memory_space<vmem>>
    %dma_start3A_26 = tpu.memref_squeeze %dma_start3A_25 : memref<1x128xi32, #tpu.memory_space<vmem>> -> memref<128xi32, #tpu.memory_space<vmem>>
    %dma_start3A_27 = arith.constant 0 : i32
    %dma_start3A_28 = arith.constant 0 : i32
    %dma_start3A_29 = tpu.memref_slice %arg2[%dma_start3A_27, %dma_start3A_28] : memref<10000x64xbf16, #tpu.memory_space<hbm>> -> memref<10000x64xbf16, #tpu.memory_space<hbm>>
    tpu.enqueue_indirect_dma source(%dma_start3A_29 : memref<10000x64xbf16, #tpu.memory_space<hbm>>) target(%arg12 : memref<128x64xbf16, #tpu.memory_space<vmem>>) offsets(%dma_start3A_26 : memref<128xi32, #tpu.memory_space<vmem>>) semaphore(%arg21 : memref<!tpu.dma_semaphore, #tpu.memory_space<semaphore_mem>>)
    %dma_start3A_30 = arith.constant 4 : i32
    %dma_start3A_31 = arith.constant 0 : i32
    %dma_start3A_32 = tpu.memref_slice %arg7[%dma_start3A_30, %dma_start3A_31] : memref<40x128xi32, #tpu.memory_space<vmem>> -> memref<1x128xi32, #tpu.memory_space<vmem>>
    %dma_start3A_33 = tpu.memref_squeeze %dma_start3A_32 : memref<1x128xi32, #tpu.memory_space<vmem>> -> memref<128xi32, #tpu.memory_space<vmem>>
    %dma_start3A_34 = arith.constant 0 : i32
    %dma_start3A_35 = arith.constant 0 : i32
    %dma_start3A_36 = tpu.memref_slice %arg2[%dma_start3A_34, %dma_start3A_35] : memref<10000x64xbf16, #tpu.memory_space<hbm>> -> memref<10000x64xbf16, #tpu.memory_space<hbm>>
    tpu.enqueue_indirect_dma source(%dma_start3A_36 : memref<10000x64xbf16, #tpu.memory_space<hbm>>) target(%arg13 : memref<128x64xbf16, #tpu.memory_space<vmem>>) offsets(%dma_start3A_33 : memref<128xi32, #tpu.memory_space<vmem>>) semaphore(%arg22 : memref<!tpu.dma_semaphore, #tpu.memory_space<semaphore_mem>>)
    %dma_start3A_37 = arith.constant 5 : i32
    %dma_start3A_38 = arith.constant 0 : i32
    %dma_start3A_39 = tpu.memref_slice %arg7[%dma_start3A_37, %dma_start3A_38] : memref<40x128xi32, #tpu.memory_space<vmem>> -> memref<1x128xi32, #tpu.memory_space<vmem>>
    %dma_start3A_40 = tpu.memref_squeeze %dma_start3A_39 : memref<1x128xi32, #tpu.memory_space<vmem>> -> memref<128xi32, #tpu.memory_space<vmem>>
    %dma_start3A_41 = arith.constant 0 : i32
    %dma_start3A_42 = arith.constant 0 : i32
    %dma_start3A_43 = tpu.memref_slice %arg2[%dma_start3A_41, %dma_start3A_42] : memref<10000x64xbf16, #tpu.memory_space<hbm>> -> memref<10000x64xbf16, #tpu.memory_space<hbm>>
    tpu.enqueue_indirect_dma source(%dma_start3A_43 : memref<10000x64xbf16, #tpu.memory_space<hbm>>) target(%arg14 : memref<128x64xbf16, #tpu.memory_space<vmem>>) offsets(%dma_start3A_40 : memref<128xi32, #tpu.memory_space<vmem>>) semaphore(%arg23 : memref<!tpu.dma_semaphore, #tpu.memory_space<semaphore_mem>>)
    %dma_start3A_44 = arith.constant 6 : i32
    %dma_start3A_45 = arith.constant 0 : i32
    %dma_start3A_46 = tpu.memref_slice %arg7[%dma_start3A_44, %dma_start3A_45] : memref<40x128xi32, #tpu.memory_space<vmem>> -> memref<1x128xi32, #tpu.memory_space<vmem>>
    %dma_start3A_47 = tpu.memref_squeeze %dma_start3A_46 : memref<1x128xi32, #tpu.memory_space<vmem>> -> memref<128xi32, #tpu.memory_space<vmem>>
    %dma_start3A_48 = arith.constant 0 : i32
    %dma_start3A_49 = arith.constant 0 : i32
    %dma_start3A_50 = tpu.memref_slice %arg2[%dma_start3A_48, %dma_start3A_49] : memref<10000x64xbf16, #tpu.memory_space<hbm>> -> memref<10000x64xbf16, #tpu.memory_space<hbm>>
    tpu.enqueue_indirect_dma source(%dma_start3A_50 : memref<10000x64xbf16, #tpu.memory_space<hbm>>) target(%arg15 : memref<128x64xbf16, #tpu.memory_space<vmem>>) offsets(%dma_start3A_47 : memref<128xi32, #tpu.memory_space<vmem>>) semaphore(%arg24 : memref<!tpu.dma_semaphore, #tpu.memory_space<semaphore_mem>>)
    %dma_start3A_51 = arith.constant 7 : i32
    %dma_start3A_52 = arith.constant 0 : i32
    %dma_start3A_53 = tpu.memref_slice %arg7[%dma_start3A_51, %dma_start3A_52] : memref<40x128xi32, #tpu.memory_space<vmem>> -> memref<1x128xi32, #tpu.memory_space<vmem>>
    %dma_start3A_54 = tpu.memref_squeeze %dma_start3A_53 : memref<1x128xi32, #tpu.memory_space<vmem>> -> memref<128xi32, #tpu.memory_space<vmem>>
    %dma_start3A_55 = arith.constant 0 : i32
    %dma_start3A_56 = arith.constant 0 : i32
    %dma_start3A_57 = tpu.memref_slice %arg2[%dma_start3A_55, %dma_start3A_56] : memref<10000x64xbf16, #tpu.memory_space<hbm>> -> memref<10000x64xbf16, #tpu.memory_space<hbm>>
    tpu.enqueue_indirect_dma source(%dma_start3A_57 : memref<10000x64xbf16, #tpu.memory_space<hbm>>) target(%arg16 : memref<128x64xbf16, #tpu.memory_space<vmem>>) offsets(%dma_start3A_54 : memref<128xi32, #tpu.memory_space<vmem>>) semaphore(%arg25 : memref<!tpu.dma_semaphore, #tpu.memory_space<semaphore_mem>>)
    %scan3A = arith.constant 0 : i32
    %scan3A_58 = arith.constant 0 : i32
    %scan3A_59 = arith.constant 5 : i32
    %scan3A_60 = arith.addi %scan3A_58, %scan3A_59 : i32
    %scan3A_61 = arith.constant 1 : i32
    scf.for %scan3A_68 = %scan3A_58 to %scan3A_60 step %scan3A_61  : i32 {
      %mul3A_69 = arith.constant 8 : i32
      %mul3A_70 = arith.muli %mul3A_69, %scan3A_68 : i32
      %add3A_71 = arith.constant 0 : i32
      %add3A_72 = arith.addi %mul3A_70, %add3A_71 : i32
      %dma_wait3A = arith.constant 0 : i32
      %dma_wait3A_73 = tpu.memref_slice %arg7[%add3A_72, %dma_wait3A] : memref<40x128xi32, #tpu.memory_space<vmem>> -> memref<1x128xi32, #tpu.memory_space<vmem>>
      %dma_wait3A_74 = tpu.memref_squeeze %dma_wait3A_73 : memref<1x128xi32, #tpu.memory_space<vmem>> -> memref<128xi32, #tpu.memory_space<vmem>>
      %dma_wait3A_75 = arith.constant 0 : i32
      %dma_wait3A_76 = arith.constant 0 : i32
      %dma_wait3A_77 = tpu.memref_slice %arg2[%dma_wait3A_75, %dma_wait3A_76] : memref<10000x64xbf16, #tpu.memory_space<hbm>> -> memref<10000x64xbf16, #tpu.memory_space<hbm>>
      tpu.wait_indirect_dma semaphore(%arg18 : memref<!tpu.dma_semaphore, #tpu.memory_space<semaphore_mem>>) src(%dma_wait3A_77 : memref<10000x64xbf16, #tpu.memory_space<hbm>>) dst(%arg9 : memref<128x64xbf16, #tpu.memory_space<vmem>>)
      "tpu.region"() ({
        %run_scoped3A = tpu.sem_alloc : memref<!tpu.dma_semaphore, #tpu.memory_space<semaphore_mem>>
        %dma_start3A_201 = arith.constant 0 : i32
        %dma_start3A_202 = tpu.memref_slice %arg8[%add3A_72, %dma_start3A_201] : memref<40x128xi32, #tpu.memory_space<vmem>> -> memref<1x128xi32, #tpu.memory_space<vmem>>
        %dma_start3A_203 = tpu.memref_squeeze %dma_start3A_202 : memref<1x128xi32, #tpu.memory_space<vmem>> -> memref<128xi32, #tpu.memory_space<vmem>>
        %dma_start3A_204 = arith.constant 0 : i32
        %dma_start3A_205 = arith.constant 0 : i32
        %dma_start3A_206 = tpu.memref_slice %arg17[%dma_start3A_204, %dma_start3A_205] : memref<10240x64xbf16, #tpu.memory_space<vmem_shared>> -> memref<10240x64xbf16, #tpu.memory_space<vmem_shared>>
        tpu.enqueue_indirect_dma source(%arg9 : memref<128x64xbf16, #tpu.memory_space<vmem>>) target(%dma_start3A_206 : memref<10240x64xbf16, #tpu.memory_space<vmem_shared>>) offsets(%dma_start3A_203 : memref<128xi32, #tpu.memory_space<vmem>>) semaphore(%run_scoped3A : memref<!tpu.dma_semaphore, #tpu.memory_space<semaphore_mem>>) {add = true}
        %dma_wait3A_207 = arith.constant 0 : i32
        %dma_wait3A_208 = tpu.memref_slice %arg8[%add3A_72, %dma_wait3A_207] : memref<40x128xi32, #tpu.memory_space<vmem>> -> memref<1x128xi32, #tpu.memory_space<vmem>>
        %dma_wait3A_209 = tpu.memref_squeeze %dma_wait3A_208 : memref<1x128xi32, #tpu.memory_space<vmem>> -> memref<128xi32, #tpu.memory_space<vmem>>
        %dma_wait3A_210 = arith.constant 0 : i32
        %dma_wait3A_211 = arith.constant 0 : i32
        %dma_wait3A_212 = tpu.memref_slice %arg17[%dma_wait3A_210, %dma_wait3A_211] : memref<10240x64xbf16, #tpu.memory_space<vmem_shared>> -> memref<10240x64xbf16, #tpu.memory_space<vmem_shared>>
        tpu.wait_indirect_dma semaphore(%run_scoped3A : memref<!tpu.dma_semaphore, #tpu.memory_space<semaphore_mem>>) src(%arg9 : memref<128x64xbf16, #tpu.memory_space<vmem>>) dst(%dma_wait3A_212 : memref<10240x64xbf16, #tpu.memory_space<vmem_shared>>)
        tpu.yield
      }) : () -> ()
      %add3A_78 = arith.constant 8 : i32
      %add3A_79 = arith.addi %add3A_72, %add3A_78 : i32
      %lt3A = arith.constant 40 : i32
      %lt3A_80 = arith.cmpi slt, %add3A_79, %lt3A : i32
      %convert_element_type3A = arith.extui %lt3A_80 : i1 to i32
      %cond3A = arith.constant 0 : i32
      %cond3A_81 = arith.cmpi ne, %convert_element_type3A, %cond3A : i32
      scf.if %cond3A_81 {
        %add3A_201 = arith.constant 8 : i32
        %add3A_202 = arith.addi %add3A_72, %add3A_201 : i32
        %dma_start3A_203 = arith.constant 0 : i32
        %dma_start3A_204 = tpu.memref_slice %arg7[%add3A_202, %dma_start3A_203] : memref<40x128xi32, #tpu.memory_space<vmem>> -> memref<1x128xi32, #tpu.memory_space<vmem>>
        %dma_start3A_205 = tpu.memref_squeeze %dma_start3A_204 : memref<1x128xi32, #tpu.memory_space<vmem>> -> memref<128xi32, #tpu.memory_space<vmem>>
        %dma_start3A_206 = arith.constant 0 : i32
        %dma_start3A_207 = arith.constant 0 : i32
        %dma_start3A_208 = tpu.memref_slice %arg2[%dma_start3A_206, %dma_start3A_207] : memref<10000x64xbf16, #tpu.memory_space<hbm>> -> memref<10000x64xbf16, #tpu.memory_space<hbm>>
        tpu.enqueue_indirect_dma source(%dma_start3A_208 : memref<10000x64xbf16, #tpu.memory_space<hbm>>) target(%arg9 : memref<128x64xbf16, #tpu.memory_space<vmem>>) offsets(%dma_start3A_205 : memref<128xi32, #tpu.memory_space<vmem>>) semaphore(%arg18 : memref<!tpu.dma_semaphore, #tpu.memory_space<semaphore_mem>>)
      } else {
      }
      %mul3A_82 = arith.constant 8 : i32
      %mul3A_83 = arith.muli %mul3A_82, %scan3A_68 : i32
      %add3A_84 = arith.constant 1 : i32
      %add3A_85 = arith.addi %mul3A_83, %add3A_84 : i32
      %dma_wait3A_86 = arith.constant 0 : i32
      %dma_wait3A_87 = tpu.memref_slice %arg7[%add3A_85, %dma_wait3A_86] : memref<40x128xi32, #tpu.memory_space<vmem>> -> memref<1x128xi32, #tpu.memory_space<vmem>>
      %dma_wait3A_88 = tpu.memref_squeeze %dma_wait3A_87 : memref<1x128xi32, #tpu.memory_space<vmem>> -> memref<128xi32, #tpu.memory_space<vmem>>
      %dma_wait3A_89 = arith.constant 0 : i32
      %dma_wait3A_90 = arith.constant 0 : i32
      %dma_wait3A_91 = tpu.memref_slice %arg2[%dma_wait3A_89, %dma_wait3A_90] : memref<10000x64xbf16, #tpu.memory_space<hbm>> -> memref<10000x64xbf16, #tpu.memory_space<hbm>>
      tpu.wait_indirect_dma semaphore(%arg19 : memref<!tpu.dma_semaphore, #tpu.memory_space<semaphore_mem>>) src(%dma_wait3A_91 : memref<10000x64xbf16, #tpu.memory_space<hbm>>) dst(%arg10 : memref<128x64xbf16, #tpu.memory_space<vmem>>)
      "tpu.region"() ({
        %run_scoped3A = tpu.sem_alloc : memref<!tpu.dma_semaphore, #tpu.memory_space<semaphore_mem>>
        %dma_start3A_201 = arith.constant 0 : i32
        %dma_start3A_202 = tpu.memref_slice %arg8[%add3A_85, %dma_start3A_201] : memref<40x128xi32, #tpu.memory_space<vmem>> -> memref<1x128xi32, #tpu.memory_space<vmem>>
        %dma_start3A_203 = tpu.memref_squeeze %dma_start3A_202 : memref<1x128xi32, #tpu.memory_space<vmem>> -> memref<128xi32, #tpu.memory_space<vmem>>
        %dma_start3A_204 = arith.constant 0 : i32
        %dma_start3A_205 = arith.constant 0 : i32
        %dma_start3A_206 = tpu.memref_slice %arg17[%dma_start3A_204, %dma_start3A_205] : memref<10240x64xbf16, #tpu.memory_space<vmem_shared>> -> memref<10240x64xbf16, #tpu.memory_space<vmem_shared>>
        tpu.enqueue_indirect_dma source(%arg10 : memref<128x64xbf16, #tpu.memory_space<vmem>>) target(%dma_start3A_206 : memref<10240x64xbf16, #tpu.memory_space<vmem_shared>>) offsets(%dma_start3A_203 : memref<128xi32, #tpu.memory_space<vmem>>) semaphore(%run_scoped3A : memref<!tpu.dma_semaphore, #tpu.memory_space<semaphore_mem>>) {add = true}
        %dma_wait3A_207 = arith.constant 0 : i32
        %dma_wait3A_208 = tpu.memref_slice %arg8[%add3A_85, %dma_wait3A_207] : memref<40x128xi32, #tpu.memory_space<vmem>> -> memref<1x128xi32, #tpu.memory_space<vmem>>
        %dma_wait3A_209 = tpu.memref_squeeze %dma_wait3A_208 : memref<1x128xi32, #tpu.memory_space<vmem>> -> memref<128xi32, #tpu.memory_space<vmem>>
        %dma_wait3A_210 = arith.constant 0 : i32
        %dma_wait3A_211 = arith.constant 0 : i32
        %dma_wait3A_212 = tpu.memref_slice %arg17[%dma_wait3A_210, %dma_wait3A_211] : memref<10240x64xbf16, #tpu.memory_space<vmem_shared>> -> memref<10240x64xbf16, #tpu.memory_space<vmem_shared>>
        tpu.wait_indirect_dma semaphore(%run_scoped3A : memref<!tpu.dma_semaphore, #tpu.memory_space<semaphore_mem>>) src(%arg10 : memref<128x64xbf16, #tpu.memory_space<vmem>>) dst(%dma_wait3A_212 : memref<10240x64xbf16, #tpu.memory_space<vmem_shared>>)
        tpu.yield
      }) : () -> ()
      %add3A_92 = arith.constant 8 : i32
      %add3A_93 = arith.addi %add3A_85, %add3A_92 : i32
      %lt3A_94 = arith.constant 40 : i32
      %lt3A_95 = arith.cmpi slt, %add3A_93, %lt3A_94 : i32
      %convert_element_type3A_96 = arith.extui %lt3A_95 : i1 to i32
      %cond3A_97 = arith.constant 0 : i32
      %cond3A_98 = arith.cmpi ne, %convert_element_type3A_96, %cond3A_97 : i32
      scf.if %cond3A_98 {
        %add3A_201 = arith.constant 8 : i32
        %add3A_202 = arith.addi %add3A_85, %add3A_201 : i32
        %dma_start3A_203 = arith.constant 0 : i32
        %dma_start3A_204 = tpu.memref_slice %arg7[%add3A_202, %dma_start3A_203] : memref<40x128xi32, #tpu.memory_space<vmem>> -> memref<1x128xi32, #tpu.memory_space<vmem>>
        %dma_start3A_205 = tpu.memref_squeeze %dma_start3A_204 : memref<1x128xi32, #tpu.memory_space<vmem>> -> memref<128xi32, #tpu.memory_space<vmem>>
        %dma_start3A_206 = arith.constant 0 : i32
        %dma_start3A_207 = arith.constant 0 : i32
        %dma_start3A_208 = tpu.memref_slice %arg2[%dma_start3A_206, %dma_start3A_207] : memref<10000x64xbf16, #tpu.memory_space<hbm>> -> memref<10000x64xbf16, #tpu.memory_space<hbm>>
        tpu.enqueue_indirect_dma source(%dma_start3A_208 : memref<10000x64xbf16, #tpu.memory_space<hbm>>) target(%arg10 : memref<128x64xbf16, #tpu.memory_space<vmem>>) offsets(%dma_start3A_205 : memref<128xi32, #tpu.memory_space<vmem>>) semaphore(%arg19 : memref<!tpu.dma_semaphore, #tpu.memory_space<semaphore_mem>>)
      } else {
      }
      %mul3A_99 = arith.constant 8 : i32
      %mul3A_100 = arith.muli %mul3A_99, %scan3A_68 : i32
      %add3A_101 = arith.constant 2 : i32
      %add3A_102 = arith.addi %mul3A_100, %add3A_101 : i32
      %dma_wait3A_103 = arith.constant 0 : i32
      %dma_wait3A_104 = tpu.memref_slice %arg7[%add3A_102, %dma_wait3A_103] : memref<40x128xi32, #tpu.memory_space<vmem>> -> memref<1x128xi32, #tpu.memory_space<vmem>>
      %dma_wait3A_105 = tpu.memref_squeeze %dma_wait3A_104 : memref<1x128xi32, #tpu.memory_space<vmem>> -> memref<128xi32, #tpu.memory_space<vmem>>
      %dma_wait3A_106 = arith.constant 0 : i32
      %dma_wait3A_107 = arith.constant 0 : i32
      %dma_wait3A_108 = tpu.memref_slice %arg2[%dma_wait3A_106, %dma_wait3A_107] : memref<10000x64xbf16, #tpu.memory_space<hbm>> -> memref<10000x64xbf16, #tpu.memory_space<hbm>>
      tpu.wait_indirect_dma semaphore(%arg20 : memref<!tpu.dma_semaphore, #tpu.memory_space<semaphore_mem>>) src(%dma_wait3A_108 : memref<10000x64xbf16, #tpu.memory_space<hbm>>) dst(%arg11 : memref<128x64xbf16, #tpu.memory_space<vmem>>)
      "tpu.region"() ({
        %run_scoped3A = tpu.sem_alloc : memref<!tpu.dma_semaphore, #tpu.memory_space<semaphore_mem>>
        %dma_start3A_201 = arith.constant 0 : i32
        %dma_start3A_202 = tpu.memref_slice %arg8[%add3A_102, %dma_start3A_201] : memref<40x128xi32, #tpu.memory_space<vmem>> -> memref<1x128xi32, #tpu.memory_space<vmem>>
        %dma_start3A_203 = tpu.memref_squeeze %dma_start3A_202 : memref<1x128xi32, #tpu.memory_space<vmem>> -> memref<128xi32, #tpu.memory_space<vmem>>
        %dma_start3A_204 = arith.constant 0 : i32
        %dma_start3A_205 = arith.constant 0 : i32
        %dma_start3A_206 = tpu.memref_slice %arg17[%dma_start3A_204, %dma_start3A_205] : memref<10240x64xbf16, #tpu.memory_space<vmem_shared>> -> memref<10240x64xbf16, #tpu.memory_space<vmem_shared>>
        tpu.enqueue_indirect_dma source(%arg11 : memref<128x64xbf16, #tpu.memory_space<vmem>>) target(%dma_start3A_206 : memref<10240x64xbf16, #tpu.memory_space<vmem_shared>>) offsets(%dma_start3A_203 : memref<128xi32, #tpu.memory_space<vmem>>) semaphore(%run_scoped3A : memref<!tpu.dma_semaphore, #tpu.memory_space<semaphore_mem>>) {add = true}
        %dma_wait3A_207 = arith.constant 0 : i32
        %dma_wait3A_208 = tpu.memref_slice %arg8[%add3A_102, %dma_wait3A_207] : memref<40x128xi32, #tpu.memory_space<vmem>> -> memref<1x128xi32, #tpu.memory_space<vmem>>
        %dma_wait3A_209 = tpu.memref_squeeze %dma_wait3A_208 : memref<1x128xi32, #tpu.memory_space<vmem>> -> memref<128xi32, #tpu.memory_space<vmem>>
        %dma_wait3A_210 = arith.constant 0 : i32
        %dma_wait3A_211 = arith.constant 0 : i32
        %dma_wait3A_212 = tpu.memref_slice %arg17[%dma_wait3A_210, %dma_wait3A_211] : memref<10240x64xbf16, #tpu.memory_space<vmem_shared>> -> memref<10240x64xbf16, #tpu.memory_space<vmem_shared>>
        tpu.wait_indirect_dma semaphore(%run_scoped3A : memref<!tpu.dma_semaphore, #tpu.memory_space<semaphore_mem>>) src(%arg11 : memref<128x64xbf16, #tpu.memory_space<vmem>>) dst(%dma_wait3A_212 : memref<10240x64xbf16, #tpu.memory_space<vmem_shared>>)
        tpu.yield
      }) : () -> ()
      %add3A_109 = arith.constant 8 : i32
      %add3A_110 = arith.addi %add3A_102, %add3A_109 : i32
      %lt3A_111 = arith.constant 40 : i32
      %lt3A_112 = arith.cmpi slt, %add3A_110, %lt3A_111 : i32
      %convert_element_type3A_113 = arith.extui %lt3A_112 : i1 to i32
      %cond3A_114 = arith.constant 0 : i32
      %cond3A_115 = arith.cmpi ne, %convert_element_type3A_113, %cond3A_114 : i32
      scf.if %cond3A_115 {
        %add3A_201 = arith.constant 8 : i32
        %add3A_202 = arith.addi %add3A_102, %add3A_201 : i32
        %dma_start3A_203 = arith.constant 0 : i32
        %dma_start3A_204 = tpu.memref_slice %arg7[%add3A_202, %dma_start3A_203] : memref<40x128xi32, #tpu.memory_space<vmem>> -> memref<1x128xi32, #tpu.memory_space<vmem>>
        %dma_start3A_205 = tpu.memref_squeeze %dma_start3A_204 : memref<1x128xi32, #tpu.memory_space<vmem>> -> memref<128xi32, #tpu.memory_space<vmem>>
        %dma_start3A_206 = arith.constant 0 : i32
        %dma_start3A_207 = arith.constant 0 : i32
        %dma_start3A_208 = tpu.memref_slice %arg2[%dma_start3A_206, %dma_start3A_207] : memref<10000x64xbf16, #tpu.memory_space<hbm>> -> memref<10000x64xbf16, #tpu.memory_space<hbm>>
        tpu.enqueue_indirect_dma source(%dma_start3A_208 : memref<10000x64xbf16, #tpu.memory_space<hbm>>) target(%arg11 : memref<128x64xbf16, #tpu.memory_space<vmem>>) offsets(%dma_start3A_205 : memref<128xi32, #tpu.memory_space<vmem>>) semaphore(%arg20 : memref<!tpu.dma_semaphore, #tpu.memory_space<semaphore_mem>>)
      } else {
      }
      %mul3A_116 = arith.constant 8 : i32
      %mul3A_117 = arith.muli %mul3A_116, %scan3A_68 : i32
      %add3A_118 = arith.constant 3 : i32
      %add3A_119 = arith.addi %mul3A_117, %add3A_118 : i32
      %dma_wait3A_120 = arith.constant 0 : i32
      %dma_wait3A_121 = tpu.memref_slice %arg7[%add3A_119, %dma_wait3A_120] : memref<40x128xi32, #tpu.memory_space<vmem>> -> memref<1x128xi32, #tpu.memory_space<vmem>>
      %dma_wait3A_122 = tpu.memref_squeeze %dma_wait3A_121 : memref<1x128xi32, #tpu.memory_space<vmem>> -> memref<128xi32, #tpu.memory_space<vmem>>
      %dma_wait3A_123 = arith.constant 0 : i32
      %dma_wait3A_124 = arith.constant 0 : i32
      %dma_wait3A_125 = tpu.memref_slice %arg2[%dma_wait3A_123, %dma_wait3A_124] : memref<10000x64xbf16, #tpu.memory_space<hbm>> -> memref<10000x64xbf16, #tpu.memory_space<hbm>>
      tpu.wait_indirect_dma semaphore(%arg21 : memref<!tpu.dma_semaphore, #tpu.memory_space<semaphore_mem>>) src(%dma_wait3A_125 : memref<10000x64xbf16, #tpu.memory_space<hbm>>) dst(%arg12 : memref<128x64xbf16, #tpu.memory_space<vmem>>)
      "tpu.region"() ({
        %run_scoped3A = tpu.sem_alloc : memref<!tpu.dma_semaphore, #tpu.memory_space<semaphore_mem>>
        %dma_start3A_201 = arith.constant 0 : i32
        %dma_start3A_202 = tpu.memref_slice %arg8[%add3A_119, %dma_start3A_201] : memref<40x128xi32, #tpu.memory_space<vmem>> -> memref<1x128xi32, #tpu.memory_space<vmem>>
        %dma_start3A_203 = tpu.memref_squeeze %dma_start3A_202 : memref<1x128xi32, #tpu.memory_space<vmem>> -> memref<128xi32, #tpu.memory_space<vmem>>
        %dma_start3A_204 = arith.constant 0 : i32
        %dma_start3A_205 = arith.constant 0 : i32
        %dma_start3A_206 = tpu.memref_slice %arg17[%dma_start3A_204, %dma_start3A_205] : memref<10240x64xbf16, #tpu.memory_space<vmem_shared>> -> memref<10240x64xbf16, #tpu.memory_space<vmem_shared>>
        tpu.enqueue_indirect_dma source(%arg12 : memref<128x64xbf16, #tpu.memory_space<vmem>>) target(%dma_start3A_206 : memref<10240x64xbf16, #tpu.memory_space<vmem_shared>>) offsets(%dma_start3A_203 : memref<128xi32, #tpu.memory_space<vmem>>) semaphore(%run_scoped3A : memref<!tpu.dma_semaphore, #tpu.memory_space<semaphore_mem>>) {add = true}
        %dma_wait3A_207 = arith.constant 0 : i32
        %dma_wait3A_208 = tpu.memref_slice %arg8[%add3A_119, %dma_wait3A_207] : memref<40x128xi32, #tpu.memory_space<vmem>> -> memref<1x128xi32, #tpu.memory_space<vmem>>
        %dma_wait3A_209 = tpu.memref_squeeze %dma_wait3A_208 : memref<1x128xi32, #tpu.memory_space<vmem>> -> memref<128xi32, #tpu.memory_space<vmem>>
        %dma_wait3A_210 = arith.constant 0 : i32
        %dma_wait3A_211 = arith.constant 0 : i32
        %dma_wait3A_212 = tpu.memref_slice %arg17[%dma_wait3A_210, %dma_wait3A_211] : memref<10240x64xbf16, #tpu.memory_space<vmem_shared>> -> memref<10240x64xbf16, #tpu.memory_space<vmem_shared>>
        tpu.wait_indirect_dma semaphore(%run_scoped3A : memref<!tpu.dma_semaphore, #tpu.memory_space<semaphore_mem>>) src(%arg12 : memref<128x64xbf16, #tpu.memory_space<vmem>>) dst(%dma_wait3A_212 : memref<10240x64xbf16, #tpu.memory_space<vmem_shared>>)
        tpu.yield
      }) : () -> ()
      %add3A_126 = arith.constant 8 : i32
      %add3A_127 = arith.addi %add3A_119, %add3A_126 : i32
      %lt3A_128 = arith.constant 40 : i32
      %lt3A_129 = arith.cmpi slt, %add3A_127, %lt3A_128 : i32
      %convert_element_type3A_130 = arith.extui %lt3A_129 : i1 to i32
      %cond3A_131 = arith.constant 0 : i32
      %cond3A_132 = arith.cmpi ne, %convert_element_type3A_130, %cond3A_131 : i32
      scf.if %cond3A_132 {
        %add3A_201 = arith.constant 8 : i32
        %add3A_202 = arith.addi %add3A_119, %add3A_201 : i32
        %dma_start3A_203 = arith.constant 0 : i32
        %dma_start3A_204 = tpu.memref_slice %arg7[%add3A_202, %dma_start3A_203] : memref<40x128xi32, #tpu.memory_space<vmem>> -> memref<1x128xi32, #tpu.memory_space<vmem>>
        %dma_start3A_205 = tpu.memref_squeeze %dma_start3A_204 : memref<1x128xi32, #tpu.memory_space<vmem>> -> memref<128xi32, #tpu.memory_space<vmem>>
        %dma_start3A_206 = arith.constant 0 : i32
        %dma_start3A_207 = arith.constant 0 : i32
        %dma_start3A_208 = tpu.memref_slice %arg2[%dma_start3A_206, %dma_start3A_207] : memref<10000x64xbf16, #tpu.memory_space<hbm>> -> memref<10000x64xbf16, #tpu.memory_space<hbm>>
        tpu.enqueue_indirect_dma source(%dma_start3A_208 : memref<10000x64xbf16, #tpu.memory_space<hbm>>) target(%arg12 : memref<128x64xbf16, #tpu.memory_space<vmem>>) offsets(%dma_start3A_205 : memref<128xi32, #tpu.memory_space<vmem>>) semaphore(%arg21 : memref<!tpu.dma_semaphore, #tpu.memory_space<semaphore_mem>>)
      } else {
      }
      %mul3A_133 = arith.constant 8 : i32
      %mul3A_134 = arith.muli %mul3A_133, %scan3A_68 : i32
      %add3A_135 = arith.constant 4 : i32
      %add3A_136 = arith.addi %mul3A_134, %add3A_135 : i32
      %dma_wait3A_137 = arith.constant 0 : i32
      %dma_wait3A_138 = tpu.memref_slice %arg7[%add3A_136, %dma_wait3A_137] : memref<40x128xi32, #tpu.memory_space<vmem>> -> memref<1x128xi32, #tpu.memory_space<vmem>>
      %dma_wait3A_139 = tpu.memref_squeeze %dma_wait3A_138 : memref<1x128xi32, #tpu.memory_space<vmem>> -> memref<128xi32, #tpu.memory_space<vmem>>
      %dma_wait3A_140 = arith.constant 0 : i32
      %dma_wait3A_141 = arith.constant 0 : i32
      %dma_wait3A_142 = tpu.memref_slice %arg2[%dma_wait3A_140, %dma_wait3A_141] : memref<10000x64xbf16, #tpu.memory_space<hbm>> -> memref<10000x64xbf16, #tpu.memory_space<hbm>>
      tpu.wait_indirect_dma semaphore(%arg22 : memref<!tpu.dma_semaphore, #tpu.memory_space<semaphore_mem>>) src(%dma_wait3A_142 : memref<10000x64xbf16, #tpu.memory_space<hbm>>) dst(%arg13 : memref<128x64xbf16, #tpu.memory_space<vmem>>)
      "tpu.region"() ({
        %run_scoped3A = tpu.sem_alloc : memref<!tpu.dma_semaphore, #tpu.memory_space<semaphore_mem>>
        %dma_start3A_201 = arith.constant 0 : i32
        %dma_start3A_202 = tpu.memref_slice %arg8[%add3A_136, %dma_start3A_201] : memref<40x128xi32, #tpu.memory_space<vmem>> -> memref<1x128xi32, #tpu.memory_space<vmem>>
        %dma_start3A_203 = tpu.memref_squeeze %dma_start3A_202 : memref<1x128xi32, #tpu.memory_space<vmem>> -> memref<128xi32, #tpu.memory_space<vmem>>
        %dma_start3A_204 = arith.constant 0 : i32
        %dma_start3A_205 = arith.constant 0 : i32
        %dma_start3A_206 = tpu.memref_slice %arg17[%dma_start3A_204, %dma_start3A_205] : memref<10240x64xbf16, #tpu.memory_space<vmem_shared>> -> memref<10240x64xbf16, #tpu.memory_space<vmem_shared>>
        tpu.enqueue_indirect_dma source(%arg13 : memref<128x64xbf16, #tpu.memory_space<vmem>>) target(%dma_start3A_206 : memref<10240x64xbf16, #tpu.memory_space<vmem_shared>>) offsets(%dma_start3A_203 : memref<128xi32, #tpu.memory_space<vmem>>) semaphore(%run_scoped3A : memref<!tpu.dma_semaphore, #tpu.memory_space<semaphore_mem>>) {add = true}
        %dma_wait3A_207 = arith.constant 0 : i32
        %dma_wait3A_208 = tpu.memref_slice %arg8[%add3A_136, %dma_wait3A_207] : memref<40x128xi32, #tpu.memory_space<vmem>> -> memref<1x128xi32, #tpu.memory_space<vmem>>
        %dma_wait3A_209 = tpu.memref_squeeze %dma_wait3A_208 : memref<1x128xi32, #tpu.memory_space<vmem>> -> memref<128xi32, #tpu.memory_space<vmem>>
        %dma_wait3A_210 = arith.constant 0 : i32
        %dma_wait3A_211 = arith.constant 0 : i32
        %dma_wait3A_212 = tpu.memref_slice %arg17[%dma_wait3A_210, %dma_wait3A_211] : memref<10240x64xbf16, #tpu.memory_space<vmem_shared>> -> memref<10240x64xbf16, #tpu.memory_space<vmem_shared>>
        tpu.wait_indirect_dma semaphore(%run_scoped3A : memref<!tpu.dma_semaphore, #tpu.memory_space<semaphore_mem>>) src(%arg13 : memref<128x64xbf16, #tpu.memory_space<vmem>>) dst(%dma_wait3A_212 : memref<10240x64xbf16, #tpu.memory_space<vmem_shared>>)
        tpu.yield
      }) : () -> ()
      %add3A_143 = arith.constant 8 : i32
      %add3A_144 = arith.addi %add3A_136, %add3A_143 : i32
      %lt3A_145 = arith.constant 40 : i32
      %lt3A_146 = arith.cmpi slt, %add3A_144, %lt3A_145 : i32
      %convert_element_type3A_147 = arith.extui %lt3A_146 : i1 to i32
      %cond3A_148 = arith.constant 0 : i32
      %cond3A_149 = arith.cmpi ne, %convert_element_type3A_147, %cond3A_148 : i32
      scf.if %cond3A_149 {
        %add3A_201 = arith.constant 8 : i32
        %add3A_202 = arith.addi %add3A_136, %add3A_201 : i32
        %dma_start3A_203 = arith.constant 0 : i32
        %dma_start3A_204 = tpu.memref_slice %arg7[%add3A_202, %dma_start3A_203] : memref<40x128xi32, #tpu.memory_space<vmem>> -> memref<1x128xi32, #tpu.memory_space<vmem>>
        %dma_start3A_205 = tpu.memref_squeeze %dma_start3A_204 : memref<1x128xi32, #tpu.memory_space<vmem>> -> memref<128xi32, #tpu.memory_space<vmem>>
        %dma_start3A_206 = arith.constant 0 : i32
        %dma_start3A_207 = arith.constant 0 : i32
        %dma_start3A_208 = tpu.memref_slice %arg2[%dma_start3A_206, %dma_start3A_207] : memref<10000x64xbf16, #tpu.memory_space<hbm>> -> memref<10000x64xbf16, #tpu.memory_space<hbm>>
        tpu.enqueue_indirect_dma source(%dma_start3A_208 : memref<10000x64xbf16, #tpu.memory_space<hbm>>) target(%arg13 : memref<128x64xbf16, #tpu.memory_space<vmem>>) offsets(%dma_start3A_205 : memref<128xi32, #tpu.memory_space<vmem>>) semaphore(%arg22 : memref<!tpu.dma_semaphore, #tpu.memory_space<semaphore_mem>>)
      } else {
      }
      %mul3A_150 = arith.constant 8 : i32
      %mul3A_151 = arith.muli %mul3A_150, %scan3A_68 : i32
      %add3A_152 = arith.constant 5 : i32
      %add3A_153 = arith.addi %mul3A_151, %add3A_152 : i32
      %dma_wait3A_154 = arith.constant 0 : i32
      %dma_wait3A_155 = tpu.memref_slice %arg7[%add3A_153, %dma_wait3A_154] : memref<40x128xi32, #tpu.memory_space<vmem>> -> memref<1x128xi32, #tpu.memory_space<vmem>>
      %dma_wait3A_156 = tpu.memref_squeeze %dma_wait3A_155 : memref<1x128xi32, #tpu.memory_space<vmem>> -> memref<128xi32, #tpu.memory_space<vmem>>
      %dma_wait3A_157 = arith.constant 0 : i32
      %dma_wait3A_158 = arith.constant 0 : i32
      %dma_wait3A_159 = tpu.memref_slice %arg2[%dma_wait3A_157, %dma_wait3A_158] : memref<10000x64xbf16, #tpu.memory_space<hbm>> -> memref<10000x64xbf16, #tpu.memory_space<hbm>>
      tpu.wait_indirect_dma semaphore(%arg23 : memref<!tpu.dma_semaphore, #tpu.memory_space<semaphore_mem>>) src(%dma_wait3A_159 : memref<10000x64xbf16, #tpu.memory_space<hbm>>) dst(%arg14 : memref<128x64xbf16, #tpu.memory_space<vmem>>)
      "tpu.region"() ({
        %run_scoped3A = tpu.sem_alloc : memref<!tpu.dma_semaphore, #tpu.memory_space<semaphore_mem>>
        %dma_start3A_201 = arith.constant 0 : i32
        %dma_start3A_202 = tpu.memref_slice %arg8[%add3A_153, %dma_start3A_201] : memref<40x128xi32, #tpu.memory_space<vmem>> -> memref<1x128xi32, #tpu.memory_space<vmem>>
        %dma_start3A_203 = tpu.memref_squeeze %dma_start3A_202 : memref<1x128xi32, #tpu.memory_space<vmem>> -> memref<128xi32, #tpu.memory_space<vmem>>
        %dma_start3A_204 = arith.constant 0 : i32
        %dma_start3A_205 = arith.constant 0 : i32
        %dma_start3A_206 = tpu.memref_slice %arg17[%dma_start3A_204, %dma_start3A_205] : memref<10240x64xbf16, #tpu.memory_space<vmem_shared>> -> memref<10240x64xbf16, #tpu.memory_space<vmem_shared>>
        tpu.enqueue_indirect_dma source(%arg14 : memref<128x64xbf16, #tpu.memory_space<vmem>>) target(%dma_start3A_206 : memref<10240x64xbf16, #tpu.memory_space<vmem_shared>>) offsets(%dma_start3A_203 : memref<128xi32, #tpu.memory_space<vmem>>) semaphore(%run_scoped3A : memref<!tpu.dma_semaphore, #tpu.memory_space<semaphore_mem>>) {add = true}
        %dma_wait3A_207 = arith.constant 0 : i32
        %dma_wait3A_208 = tpu.memref_slice %arg8[%add3A_153, %dma_wait3A_207] : memref<40x128xi32, #tpu.memory_space<vmem>> -> memref<1x128xi32, #tpu.memory_space<vmem>>
        %dma_wait3A_209 = tpu.memref_squeeze %dma_wait3A_208 : memref<1x128xi32, #tpu.memory_space<vmem>> -> memref<128xi32, #tpu.memory_space<vmem>>
        %dma_wait3A_210 = arith.constant 0 : i32
        %dma_wait3A_211 = arith.constant 0 : i32
        %dma_wait3A_212 = tpu.memref_slice %arg17[%dma_wait3A_210, %dma_wait3A_211] : memref<10240x64xbf16, #tpu.memory_space<vmem_shared>> -> memref<10240x64xbf16, #tpu.memory_space<vmem_shared>>
        tpu.wait_indirect_dma semaphore(%run_scoped3A : memref<!tpu.dma_semaphore, #tpu.memory_space<semaphore_mem>>) src(%arg14 : memref<128x64xbf16, #tpu.memory_space<vmem>>) dst(%dma_wait3A_212 : memref<10240x64xbf16, #tpu.memory_space<vmem_shared>>)
        tpu.yield
      }) : () -> ()
      %add3A_160 = arith.constant 8 : i32
      %add3A_161 = arith.addi %add3A_153, %add3A_160 : i32
      %lt3A_162 = arith.constant 40 : i32
      %lt3A_163 = arith.cmpi slt, %add3A_161, %lt3A_162 : i32
      %convert_element_type3A_164 = arith.extui %lt3A_163 : i1 to i32
      %cond3A_165 = arith.constant 0 : i32
      %cond3A_166 = arith.cmpi ne, %convert_element_type3A_164, %cond3A_165 : i32
      scf.if %cond3A_166 {
        %add3A_201 = arith.constant 8 : i32
        %add3A_202 = arith.addi %add3A_153, %add3A_201 : i32
        %dma_start3A_203 = arith.constant 0 : i32
        %dma_start3A_204 = tpu.memref_slice %arg7[%add3A_202, %dma_start3A_203] : memref<40x128xi32, #tpu.memory_space<vmem>> -> memref<1x128xi32, #tpu.memory_space<vmem>>
        %dma_start3A_205 = tpu.memref_squeeze %dma_start3A_204 : memref<1x128xi32, #tpu.memory_space<vmem>> -> memref<128xi32, #tpu.memory_space<vmem>>
        %dma_start3A_206 = arith.constant 0 : i32
        %dma_start3A_207 = arith.constant 0 : i32
        %dma_start3A_208 = tpu.memref_slice %arg2[%dma_start3A_206, %dma_start3A_207] : memref<10000x64xbf16, #tpu.memory_space<hbm>> -> memref<10000x64xbf16, #tpu.memory_space<hbm>>
        tpu.enqueue_indirect_dma source(%dma_start3A_208 : memref<10000x64xbf16, #tpu.memory_space<hbm>>) target(%arg14 : memref<128x64xbf16, #tpu.memory_space<vmem>>) offsets(%dma_start3A_205 : memref<128xi32, #tpu.memory_space<vmem>>) semaphore(%arg23 : memref<!tpu.dma_semaphore, #tpu.memory_space<semaphore_mem>>)
      } else {
      }
      %mul3A_167 = arith.constant 8 : i32
      %mul3A_168 = arith.muli %mul3A_167, %scan3A_68 : i32
      %add3A_169 = arith.constant 6 : i32
      %add3A_170 = arith.addi %mul3A_168, %add3A_169 : i32
      %dma_wait3A_171 = arith.constant 0 : i32
      %dma_wait3A_172 = tpu.memref_slice %arg7[%add3A_170, %dma_wait3A_171] : memref<40x128xi32, #tpu.memory_space<vmem>> -> memref<1x128xi32, #tpu.memory_space<vmem>>
      %dma_wait3A_173 = tpu.memref_squeeze %dma_wait3A_172 : memref<1x128xi32, #tpu.memory_space<vmem>> -> memref<128xi32, #tpu.memory_space<vmem>>
      %dma_wait3A_174 = arith.constant 0 : i32
      %dma_wait3A_175 = arith.constant 0 : i32
      %dma_wait3A_176 = tpu.memref_slice %arg2[%dma_wait3A_174, %dma_wait3A_175] : memref<10000x64xbf16, #tpu.memory_space<hbm>> -> memref<10000x64xbf16, #tpu.memory_space<hbm>>
      tpu.wait_indirect_dma semaphore(%arg24 : memref<!tpu.dma_semaphore, #tpu.memory_space<semaphore_mem>>) src(%dma_wait3A_176 : memref<10000x64xbf16, #tpu.memory_space<hbm>>) dst(%arg15 : memref<128x64xbf16, #tpu.memory_space<vmem>>)
      "tpu.region"() ({
        %run_scoped3A = tpu.sem_alloc : memref<!tpu.dma_semaphore, #tpu.memory_space<semaphore_mem>>
        %dma_start3A_201 = arith.constant 0 : i32
        %dma_start3A_202 = tpu.memref_slice %arg8[%add3A_170, %dma_start3A_201] : memref<40x128xi32, #tpu.memory_space<vmem>> -> memref<1x128xi32, #tpu.memory_space<vmem>>
        %dma_start3A_203 = tpu.memref_squeeze %dma_start3A_202 : memref<1x128xi32, #tpu.memory_space<vmem>> -> memref<128xi32, #tpu.memory_space<vmem>>
        %dma_start3A_204 = arith.constant 0 : i32
        %dma_start3A_205 = arith.constant 0 : i32
        %dma_start3A_206 = tpu.memref_slice %arg17[%dma_start3A_204, %dma_start3A_205] : memref<10240x64xbf16, #tpu.memory_space<vmem_shared>> -> memref<10240x64xbf16, #tpu.memory_space<vmem_shared>>
        tpu.enqueue_indirect_dma source(%arg15 : memref<128x64xbf16, #tpu.memory_space<vmem>>) target(%dma_start3A_206 : memref<10240x64xbf16, #tpu.memory_space<vmem_shared>>) offsets(%dma_start3A_203 : memref<128xi32, #tpu.memory_space<vmem>>) semaphore(%run_scoped3A : memref<!tpu.dma_semaphore, #tpu.memory_space<semaphore_mem>>) {add = true}
        %dma_wait3A_207 = arith.constant 0 : i32
        %dma_wait3A_208 = tpu.memref_slice %arg8[%add3A_170, %dma_wait3A_207] : memref<40x128xi32, #tpu.memory_space<vmem>> -> memref<1x128xi32, #tpu.memory_space<vmem>>
        %dma_wait3A_209 = tpu.memref_squeeze %dma_wait3A_208 : memref<1x128xi32, #tpu.memory_space<vmem>> -> memref<128xi32, #tpu.memory_space<vmem>>
        %dma_wait3A_210 = arith.constant 0 : i32
        %dma_wait3A_211 = arith.constant 0 : i32
        %dma_wait3A_212 = tpu.memref_slice %arg17[%dma_wait3A_210, %dma_wait3A_211] : memref<10240x64xbf16, #tpu.memory_space<vmem_shared>> -> memref<10240x64xbf16, #tpu.memory_space<vmem_shared>>
        tpu.wait_indirect_dma semaphore(%run_scoped3A : memref<!tpu.dma_semaphore, #tpu.memory_space<semaphore_mem>>) src(%arg15 : memref<128x64xbf16, #tpu.memory_space<vmem>>) dst(%dma_wait3A_212 : memref<10240x64xbf16, #tpu.memory_space<vmem_shared>>)
        tpu.yield
      }) : () -> ()
      %add3A_177 = arith.constant 8 : i32
      %add3A_178 = arith.addi %add3A_170, %add3A_177 : i32
      %lt3A_179 = arith.constant 40 : i32
      %lt3A_180 = arith.cmpi slt, %add3A_178, %lt3A_179 : i32
      %convert_element_type3A_181 = arith.extui %lt3A_180 : i1 to i32
      %cond3A_182 = arith.constant 0 : i32
      %cond3A_183 = arith.cmpi ne, %convert_element_type3A_181, %cond3A_182 : i32
      scf.if %cond3A_183 {
        %add3A_201 = arith.constant 8 : i32
        %add3A_202 = arith.addi %add3A_170, %add3A_201 : i32
        %dma_start3A_203 = arith.constant 0 : i32
        %dma_start3A_204 = tpu.memref_slice %arg7[%add3A_202, %dma_start3A_203] : memref<40x128xi32, #tpu.memory_space<vmem>> -> memref<1x128xi32, #tpu.memory_space<vmem>>
        %dma_start3A_205 = tpu.memref_squeeze %dma_start3A_204 : memref<1x128xi32, #tpu.memory_space<vmem>> -> memref<128xi32, #tpu.memory_space<vmem>>
        %dma_start3A_206 = arith.constant 0 : i32
        %dma_start3A_207 = arith.constant 0 : i32
        %dma_start3A_208 = tpu.memref_slice %arg2[%dma_start3A_206, %dma_start3A_207] : memref<10000x64xbf16, #tpu.memory_space<hbm>> -> memref<10000x64xbf16, #tpu.memory_space<hbm>>
        tpu.enqueue_indirect_dma source(%dma_start3A_208 : memref<10000x64xbf16, #tpu.memory_space<hbm>>) target(%arg15 : memref<128x64xbf16, #tpu.memory_space<vmem>>) offsets(%dma_start3A_205 : memref<128xi32, #tpu.memory_space<vmem>>) semaphore(%arg24 : memref<!tpu.dma_semaphore, #tpu.memory_space<semaphore_mem>>)
      } else {
      }
      %mul3A_184 = arith.constant 8 : i32
      %mul3A_185 = arith.muli %mul3A_184, %scan3A_68 : i32
      %add3A_186 = arith.constant 7 : i32
      %add3A_187 = arith.addi %mul3A_185, %add3A_186 : i32
      %dma_wait3A_188 = arith.constant 0 : i32
      %dma_wait3A_189 = tpu.memref_slice %arg7[%add3A_187, %dma_wait3A_188] : memref<40x128xi32, #tpu.memory_space<vmem>> -> memref<1x128xi32, #tpu.memory_space<vmem>>
      %dma_wait3A_190 = tpu.memref_squeeze %dma_wait3A_189 : memref<1x128xi32, #tpu.memory_space<vmem>> -> memref<128xi32, #tpu.memory_space<vmem>>
      %dma_wait3A_191 = arith.constant 0 : i32
      %dma_wait3A_192 = arith.constant 0 : i32
      %dma_wait3A_193 = tpu.memref_slice %arg2[%dma_wait3A_191, %dma_wait3A_192] : memref<10000x64xbf16, #tpu.memory_space<hbm>> -> memref<10000x64xbf16, #tpu.memory_space<hbm>>
      tpu.wait_indirect_dma semaphore(%arg25 : memref<!tpu.dma_semaphore, #tpu.memory_space<semaphore_mem>>) src(%dma_wait3A_193 : memref<10000x64xbf16, #tpu.memory_space<hbm>>) dst(%arg16 : memref<128x64xbf16, #tpu.memory_space<vmem>>)
      "tpu.region"() ({
        %run_scoped3A = tpu.sem_alloc : memref<!tpu.dma_semaphore, #tpu.memory_space<semaphore_mem>>
        %dma_start3A_201 = arith.constant 0 : i32
        %dma_start3A_202 = tpu.memref_slice %arg8[%add3A_187, %dma_start3A_201] : memref<40x128xi32, #tpu.memory_space<vmem>> -> memref<1x128xi32, #tpu.memory_space<vmem>>
        %dma_start3A_203 = tpu.memref_squeeze %dma_start3A_202 : memref<1x128xi32, #tpu.memory_space<vmem>> -> memref<128xi32, #tpu.memory_space<vmem>>
        %dma_start3A_204 = arith.constant 0 : i32
        %dma_start3A_205 = arith.constant 0 : i32
        %dma_start3A_206 = tpu.memref_slice %arg17[%dma_start3A_204, %dma_start3A_205] : memref<10240x64xbf16, #tpu.memory_space<vmem_shared>> -> memref<10240x64xbf16, #tpu.memory_space<vmem_shared>>
        tpu.enqueue_indirect_dma source(%arg16 : memref<128x64xbf16, #tpu.memory_space<vmem>>) target(%dma_start3A_206 : memref<10240x64xbf16, #tpu.memory_space<vmem_shared>>) offsets(%dma_start3A_203 : memref<128xi32, #tpu.memory_space<vmem>>) semaphore(%run_scoped3A : memref<!tpu.dma_semaphore, #tpu.memory_space<semaphore_mem>>) {add = true}
        %dma_wait3A_207 = arith.constant 0 : i32
        %dma_wait3A_208 = tpu.memref_slice %arg8[%add3A_187, %dma_wait3A_207] : memref<40x128xi32, #tpu.memory_space<vmem>> -> memref<1x128xi32, #tpu.memory_space<vmem>>
        %dma_wait3A_209 = tpu.memref_squeeze %dma_wait3A_208 : memref<1x128xi32, #tpu.memory_space<vmem>> -> memref<128xi32, #tpu.memory_space<vmem>>
        %dma_wait3A_210 = arith.constant 0 : i32
        %dma_wait3A_211 = arith.constant 0 : i32
        %dma_wait3A_212 = tpu.memref_slice %arg17[%dma_wait3A_210, %dma_wait3A_211] : memref<10240x64xbf16, #tpu.memory_space<vmem_shared>> -> memref<10240x64xbf16, #tpu.memory_space<vmem_shared>>
        tpu.wait_indirect_dma semaphore(%run_scoped3A : memref<!tpu.dma_semaphore, #tpu.memory_space<semaphore_mem>>) src(%arg16 : memref<128x64xbf16, #tpu.memory_space<vmem>>) dst(%dma_wait3A_212 : memref<10240x64xbf16, #tpu.memory_space<vmem_shared>>)
        tpu.yield
      }) : () -> ()
      %add3A_194 = arith.constant 8 : i32
      %add3A_195 = arith.addi %add3A_187, %add3A_194 : i32
      %lt3A_196 = arith.constant 40 : i32
      %lt3A_197 = arith.cmpi slt, %add3A_195, %lt3A_196 : i32
      %convert_element_type3A_198 = arith.extui %lt3A_197 : i1 to i32
      %cond3A_199 = arith.constant 0 : i32
      %cond3A_200 = arith.cmpi ne, %convert_element_type3A_198, %cond3A_199 : i32
      scf.if %cond3A_200 {
        %add3A_201 = arith.constant 8 : i32
        %add3A_202 = arith.addi %add3A_187, %add3A_201 : i32
        %dma_start3A_203 = arith.constant 0 : i32
        %dma_start3A_204 = tpu.memref_slice %arg7[%add3A_202, %dma_start3A_203] : memref<40x128xi32, #tpu.memory_space<vmem>> -> memref<1x128xi32, #tpu.memory_space<vmem>>
        %dma_start3A_205 = tpu.memref_squeeze %dma_start3A_204 : memref<1x128xi32, #tpu.memory_space<vmem>> -> memref<128xi32, #tpu.memory_space<vmem>>
        %dma_start3A_206 = arith.constant 0 : i32
        %dma_start3A_207 = arith.constant 0 : i32
        %dma_start3A_208 = tpu.memref_slice %arg2[%dma_start3A_206, %dma_start3A_207] : memref<10000x64xbf16, #tpu.memory_space<hbm>> -> memref<10000x64xbf16, #tpu.memory_space<hbm>>
        tpu.enqueue_indirect_dma source(%dma_start3A_208 : memref<10000x64xbf16, #tpu.memory_space<hbm>>) target(%arg16 : memref<128x64xbf16, #tpu.memory_space<vmem>>) offsets(%dma_start3A_205 : memref<128xi32, #tpu.memory_space<vmem>>) semaphore(%arg25 : memref<!tpu.dma_semaphore, #tpu.memory_space<semaphore_mem>>)
      } else {
      }
    }
    %scan3A_62 = arith.constant 5 : i32
    %barrier3A_63 = arith.constant 0 : index
    tpu.barrier barrier_id(%barrier3A_63)
    %mul3A_64 = arith.constant 640 : i32
    %mul3A_65 = arith.muli %arg1, %mul3A_64 : i32
    %mul3A_66 = arith.constant 640 : i32
    %mul3A_67 = arith.muli %arg1, %mul3A_66 : i32
    "tpu.region"() ({
      %run_scoped3A = tpu.sem_alloc : memref<!tpu.dma_semaphore, #tpu.memory_space<semaphore_mem>>
      %dma_start3A_68 = arith.constant 0 : i32
      %dma_start3A_69 = tpu.memref_slice %arg6[%arg0, %mul3A_67, %dma_start3A_68] : memref<2x10240x64xbf16, #tpu.memory_space<hbm>> -> memref<1x640x64xbf16, #tpu.memory_space<hbm>>
      %dma_start3A_70 = tpu.memref_squeeze %dma_start3A_69 : memref<1x640x64xbf16, #tpu.memory_space<hbm>> -> memref<640x64xbf16, #tpu.memory_space<hbm>>
      %dma_start3A_71 = arith.constant 0 : i32
      %dma_start3A_72 = tpu.memref_slice %arg17[%mul3A_65, %dma_start3A_71] : memref<10240x64xbf16, #tpu.memory_space<vmem_shared>> -> memref<640x64xbf16, #tpu.memory_space<vmem_shared>>
      tpu.enqueue_dma source(%dma_start3A_72 : memref<640x64xbf16, #tpu.memory_space<vmem_shared>>) target(%dma_start3A_70 : memref<640x64xbf16, #tpu.memory_space<hbm>>) target_semaphore(%run_scoped3A : memref<!tpu.dma_semaphore, #tpu.memory_space<semaphore_mem>>)
      %dma_wait3A = arith.constant 0 : i32
      %dma_wait3A_73 = tpu.memref_slice %arg6[%arg0, %mul3A_67, %dma_wait3A] : memref<2x10240x64xbf16, #tpu.memory_space<hbm>> -> memref<1x640x64xbf16, #tpu.memory_space<hbm>>
      %dma_wait3A_74 = tpu.memref_squeeze %dma_wait3A_73 : memref<1x640x64xbf16, #tpu.memory_space<hbm>> -> memref<640x64xbf16, #tpu.memory_space<hbm>>
      %dma_wait3A_75 = arith.constant 0 : i32
      %dma_wait3A_76 = tpu.memref_slice %arg17[%mul3A_65, %dma_wait3A_75] : memref<10240x64xbf16, #tpu.memory_space<vmem_shared>> -> memref<640x64xbf16, #tpu.memory_space<vmem_shared>>
      tpu.wait_dma2 semaphore(%run_scoped3A : memref<!tpu.dma_semaphore, #tpu.memory_space<semaphore_mem>>) src(%dma_wait3A_76 : memref<640x64xbf16, #tpu.memory_space<vmem_shared>>) dst(%dma_wait3A_74 : memref<640x64xbf16, #tpu.memory_space<hbm>>)
      tpu.yield
    }) : () -> ()
    return
  }
}

module attributes {stable_mosaic.version = 14 : i64} {
  func.func @_tc1_body(%arg0: i32, %arg1: memref<1000x256xf32, #tpu.memory_space<vmem>>, %arg2: memref<256x128xf32, #tpu.memory_space<vmem>>, %arg3: memref<1000x1xf32, #tpu.memory_space<vmem>>, %arg4: memref<1000x1xf32, #tpu.memory_space<vmem>>, %arg5: memref<1000x128xbf16, #tpu.memory_space<vmem>>, %arg6: memref<1000x1xf32, #tpu.memory_space<vmem>>) attributes {dimension_semantics = [#tpu.dimension_semantics<arbitrary>], iteration_bounds = array<i64: 10>, scalar_prefetch = 0 : i64, scratch_operands = 0 : i64, tpu.core_type = #tpu.core_type<tc>, window_params = [{transform_indices = @transform_0, window_bounds = array<i64: 1000, 256>}, {pipeline_mode = #tpu.pipeline_mode<synchronous>, transform_indices = @transform_1, window_bounds = array<i64: 256, 128>}, {transform_indices = @transform_2, window_bounds = array<i64: 1000, 1>}, {transform_indices = @transform_3, window_bounds = array<i64: 1000, 1>}, {transform_indices = @transform_4, window_bounds = array<i64: 1000, 128>}, {transform_indices = @transform_5, window_bounds = array<i64: 1000, 1>}]} {
    %get3A = arith.constant 0 : index
    %get3A_0 = arith.constant 0 : index
    %get3A_1 = vector.load %arg3[%get3A, %get3A_0] : memref<1000x1xf32, #tpu.memory_space<vmem>>, vector<1000x1xf32>
    %get3A_2 = arith.constant 0 : index
    %get3A_3 = arith.constant 0 : index
    %get3A_4 = vector.load %arg4[%get3A_2, %get3A_3] : memref<1000x1xf32, #tpu.memory_space<vmem>>, vector<1000x1xf32>
    %add3A = arith.addf %get3A_1, %get3A_4 : vector<1000x1xf32>
    %add3A_5 = arith.constant 1.000000e+00 : f32
    %add3A_6 = vector.broadcast %add3A_5 : f32 to vector<1000x1xf32>
    %add3A_7 = arith.addf %add3A, %add3A_6 : vector<1000x1xf32>
    %sqrt3A = math.sqrt %add3A_7 : vector<1000x1xf32>
    %div3A = arith.constant 1.000000e+00 : f32
    %div3A_8 = vector.broadcast %div3A : f32 to vector<1000x1xf32>
    %div3A_9 = arith.divf %div3A_8, %sqrt3A : vector<1000x1xf32>
    %get3A_10 = arith.constant 0 : index
    %get3A_11 = arith.constant 0 : index
    %get3A_12 = vector.load %arg1[%get3A_10, %get3A_11] : memref<1000x256xf32, #tpu.memory_space<vmem>>, vector<1000x256xf32>
    %get3A_13 = arith.constant 0 : index
    %get3A_14 = arith.constant 0 : index
    %get3A_15 = vector.load %arg2[%get3A_13, %get3A_14] : memref<256x128xf32, #tpu.memory_space<vmem>>, vector<256x128xf32>
    %dot_general3A = arith.constant dense<0.000000e+00> : vector<1000x128xf32>
    %dot_general3A_16 = tpu.matmul %get3A_12, %get3A_15, %dot_general3A {dimension_numbers = #tpu.dot_dimension_numbers<[1], [0], [0], [1], [0, 0, 1, 1], [], []>, transpose_lhs_hint = false} : vector<1000x256xf32>, vector<256x128xf32>, vector<1000x128xf32> -> vector<1000x128xf32>
    %mul3A = vector.broadcast %div3A_9 : vector<1000x1xf32> to vector<1000x128xf32>
    %mul3A_17 = arith.mulf %dot_general3A_16, %mul3A : vector<1000x128xf32>
    %convert_element_type3A = arith.truncf %mul3A_17 : vector<1000x128xf32> to vector<1000x128xbf16>
    %swap3A = arith.constant 0 : index
    %swap3A_18 = arith.constant 0 : index
    %swap3A_19 = vector.load %arg5[%swap3A, %swap3A_18] : memref<1000x128xbf16, #tpu.memory_space<vmem>>, vector<1000x128xbf16>
    tpu.vector_store %arg5[%swap3A, %swap3A_18], %convert_element_type3A {strides = array<i32>} : memref<1000x128xbf16, #tpu.memory_space<vmem>>, vector<1000x128xbf16>,
    %swap3A_20 = arith.constant 0 : index
    %swap3A_21 = arith.constant 0 : index
    %swap3A_22 = vector.load %arg6[%swap3A_20, %swap3A_21] : memref<1000x1xf32, #tpu.memory_space<vmem>>, vector<1000x1xf32>
    tpu.vector_store %arg6[%swap3A_20, %swap3A_21], %div3A_9 {strides = array<i32>} : memref<1000x1xf32, #tpu.memory_space<vmem>>, vector<1000x1xf32>,
    return
  }
  func.func @transform_0(%arg0: i32) -> (i32, i32) {
    %c0_i32 = arith.constant 0 : i32
    %c0_i32_0 = arith.constant 0 : i32
    return %arg0, %c0_i32 : i32, i32
  }
  func.func @transform_1(%arg0: i32) -> (i32, i32) {
    %c0_i32 = arith.constant 0 : i32
    %c0_i32_0 = arith.constant 0 : i32
    %c0_i32_1 = arith.constant 0 : i32
    return %c0_i32, %c0_i32_0 : i32, i32
  }
  func.func @transform_2(%arg0: i32) -> (i32, i32) {
    %c0_i32 = arith.constant 0 : i32
    %c0_i32_0 = arith.constant 0 : i32
    return %arg0, %c0_i32 : i32, i32
  }
  func.func @transform_3(%arg0: i32) -> (i32, i32) {
    %c0_i32 = arith.constant 0 : i32
    %c0_i32_0 = arith.constant 0 : i32
    return %arg0, %c0_i32 : i32, i32
  }
  func.func @transform_4(%arg0: i32) -> (i32, i32) {
    %c0_i32 = arith.constant 0 : i32
    %c0_i32_0 = arith.constant 0 : i32
    return %arg0, %c0_i32 : i32, i32
  }
  func.func @transform_5(%arg0: i32) -> (i32, i32) {
    %c0_i32 = arith.constant 0 : i32
    %c0_i32_0 = arith.constant 0 : i32
    return %arg0, %c0_i32 : i32, i32
  }
}

module attributes {stable_mosaic.version = 14 : i64} {
  func.func @_l1_body(%arg0: i32, %arg1: i32, %arg2: memref<2x1000x128xbf16, #tpu.memory_space<vmem>>, %arg3: memref<1000x128xbf16, #tpu.memory_space<vmem>>, %arg4: memref<1000x1xf32, #tpu.memory_space<vmem>>, %arg5: memref<1x128xf32, #tpu.memory_space<vmem>>, %arg6: memref<1x128xf32, #tpu.memory_space<vmem>>, %arg7: memref<1x128xf32, #tpu.memory_space<vmem>>, %arg8: memref<128x64xf32, #tpu.memory_space<vmem>>, %arg9: memref<1000x128xf32, #tpu.memory_space<vmem>>, %arg10: memref<1000x64xbf16, #tpu.memory_space<vmem>>, %arg11: memref<10000x128xf32, #tpu.memory_space<vmem>>, %arg12: memref<2x128xf32, #tpu.memory_space<vmem>>) attributes {dimension_semantics = [#tpu.dimension_semantics<arbitrary>, #tpu.dimension_semantics<arbitrary>], iteration_bounds = array<i64: 2, 10>, scalar_prefetch = 0 : i64, scratch_operands = 2 : i64, tpu.core_type = #tpu.core_type<tc>, window_params = [{transform_indices = @transform_0, window_bounds = array<i64: 2, 1000, 128>}, {transform_indices = @transform_1, window_bounds = array<i64: 1000, 128>}, {transform_indices = @transform_2, window_bounds = array<i64: 1000, 1>}, {pipeline_mode = #tpu.pipeline_mode<synchronous>, transform_indices = @transform_3, window_bounds = array<i64: 1, 128>}, {pipeline_mode = #tpu.pipeline_mode<synchronous>, transform_indices = @transform_4, window_bounds = array<i64: 1, 128>}, {pipeline_mode = #tpu.pipeline_mode<synchronous>, transform_indices = @transform_5, window_bounds = array<i64: 1, 128>}, {pipeline_mode = #tpu.pipeline_mode<synchronous>, transform_indices = @transform_6, window_bounds = array<i64: 128, 64>}, {transform_indices = @transform_7, window_bounds = array<i64: 1000, 128>}, {transform_indices = @transform_8, window_bounds = array<i64: 1000, 64>}]} {
    %eq3A = arith.constant 0 : i32
    %eq3A_0 = arith.cmpi eq, %arg0, %eq3A : i32
    %convert_element_type3A = arith.extui %eq3A_0 : i1 to i32
    %cond3A = arith.constant 0 : i32
    %cond3A_1 = arith.cmpi ne, %convert_element_type3A, %cond3A : i32
    scf.if %cond3A_1 {
      %get3A = arith.constant 0 : index
      %get3A_7 = arith.constant 0 : index
      %get3A_8 = arith.constant 0 : index
      %get3A_9 = vector.load %arg2[%get3A, %get3A_7, %get3A_8] : memref<2x1000x128xbf16, #tpu.memory_space<vmem>>, vector<1x1000x128xbf16>
      %get3A_10 = vector.shape_cast %get3A_9 : vector<1x1000x128xbf16> to vector<1000x128xbf16>
      %convert_element_type3A_11 = arith.extf %get3A_10 : vector<1000x128xbf16> to vector<1000x128xf32>
      %get3A_12 = arith.constant 1 : index
      %get3A_13 = arith.constant 0 : index
      %get3A_14 = arith.constant 0 : index
      %get3A_15 = vector.load %arg2[%get3A_12, %get3A_13, %get3A_14] : memref<2x1000x128xbf16, #tpu.memory_space<vmem>>, vector<1x1000x128xbf16>
      %get3A_16 = vector.shape_cast %get3A_15 : vector<1x1000x128xbf16> to vector<1000x128xbf16>
      %convert_element_type3A_17 = arith.extf %get3A_16 : vector<1000x128xbf16> to vector<1000x128xf32>
      %add3A = arith.addf %convert_element_type3A_11, %convert_element_type3A_17 : vector<1000x128xf32>
      %get3A_18 = arith.constant 0 : index
      %get3A_19 = arith.constant 0 : index
      %get3A_20 = vector.load %arg3[%get3A_18, %get3A_19] : memref<1000x128xbf16, #tpu.memory_space<vmem>>, vector<1000x128xbf16>
      %convert_element_type3A_21 = arith.extf %get3A_20 : vector<1000x128xbf16> to vector<1000x128xf32>
      %add3A_22 = arith.addf %add3A, %convert_element_type3A_21 : vector<1000x128xf32>
      %get3A_23 = arith.constant 0 : index
      %get3A_24 = arith.constant 0 : index
      %get3A_25 = vector.load %arg4[%get3A_23, %get3A_24] : memref<1000x1xf32, #tpu.memory_space<vmem>>, vector<1000x1xf32>
      %mul3A = vector.broadcast %get3A_25 : vector<1000x1xf32> to vector<1000x128xf32>
      %mul3A_26 = arith.mulf %add3A_22, %mul3A : vector<1000x128xf32>
      %get3A_27 = arith.constant 0 : index
      %get3A_28 = arith.constant 0 : index
      %get3A_29 = vector.load %arg5[%get3A_27, %get3A_28] : memref<1x128xf32, #tpu.memory_space<vmem>>, vector<1x128xf32>
      %add3A_30 = vector.broadcast %get3A_29 : vector<1x128xf32> to vector<1000x128xf32>
      %add3A_31 = arith.addf %mul3A_26, %add3A_30 : vector<1000x128xf32>
      %mul3A_32 = arith.constant 1000 : i32
      %mul3A_33 = arith.muli %arg1, %mul3A_32 : i32
      %swap3A = arith.index_cast %mul3A_33 : i32 to index
      %swap3A_34 = arith.constant 0 : index
      %swap3A_35 = vector.load %arg11[%swap3A, %swap3A_34] : memref<10000x128xf32, #tpu.memory_space<vmem>>, vector<1000x128xf32>
      tpu.vector_store %arg11[%swap3A, %swap3A_34], %add3A_31 {strides = array<i32>} : memref<10000x128xf32, #tpu.memory_space<vmem>>, vector<1000x128xf32>,
      %reduce_sum3A = arith.constant dense<0.000000e+00> : vector<128xf32>
      %reduce_sum3A_36 = vector.multi_reduction <add>, %add3A_31, %reduce_sum3A [0] : vector<1000x128xf32> to vector<128xf32>
      %broadcast_in_dim3A = vector.shape_cast %reduce_sum3A_36 : vector<128xf32> to vector<1x128xf32>
      %mul3A_37 = arith.mulf %add3A_31, %add3A_31 : vector<1000x128xf32>
      %reduce_sum3A_38 = arith.constant dense<0.000000e+00> : vector<128xf32>
      %reduce_sum3A_39 = vector.multi_reduction <add>, %mul3A_37, %reduce_sum3A_38 [0] : vector<1000x128xf32> to vector<128xf32>
      %broadcast_in_dim3A_40 = vector.shape_cast %reduce_sum3A_39 : vector<128xf32> to vector<1x128xf32>
      %concatenate3A = tpu.concatenate %broadcast_in_dim3A, %broadcast_in_dim3A_40 in 0 : vector<1x128xf32>, vector<1x128xf32> -> vector<2x128xf32>
      %eq3A_41 = arith.constant 0 : i32
      %eq3A_42 = arith.cmpi eq, %arg1, %eq3A_41 : i32
      %convert_element_type3A_43 = arith.extui %eq3A_42 : i1 to i32
      %cond3A_44 = arith.constant 0 : i32
      %cond3A_45 = arith.cmpi ne, %convert_element_type3A_43, %cond3A_44 : i32
      scf.if %cond3A_45 {
        %swap3A_50 = arith.constant 0 : index
        %swap3A_51 = arith.constant 0 : index
        %swap3A_52 = vector.load %arg12[%swap3A_50, %swap3A_51] : memref<2x128xf32, #tpu.memory_space<vmem>>, vector<2x128xf32>
        tpu.vector_store %arg12[%swap3A_50, %swap3A_51], %concatenate3A {strides = array<i32>} : memref<2x128xf32, #tpu.memory_space<vmem>>, vector<2x128xf32>,
      } else {
      }
      %gt3A = arith.constant 0 : i32
      %gt3A_46 = arith.cmpi sgt, %arg1, %gt3A : i32
      %convert_element_type3A_47 = arith.extui %gt3A_46 : i1 to i32
      %cond3A_48 = arith.constant 0 : i32
      %cond3A_49 = arith.cmpi ne, %convert_element_type3A_47, %cond3A_48 : i32
      scf.if %cond3A_49 {
        %get3A_50 = arith.constant 0 : index
        %get3A_51 = arith.constant 0 : index
        %get3A_52 = vector.load %arg12[%get3A_50, %get3A_51] : memref<2x128xf32, #tpu.memory_space<vmem>>, vector<2x128xf32>
        %add3A_53 = arith.addf %get3A_52, %concatenate3A : vector<2x128xf32>
        %swap3A_54 = arith.constant 0 : index
        %swap3A_55 = arith.constant 0 : index
        %swap3A_56 = vector.load %arg12[%swap3A_54, %swap3A_55] : memref<2x128xf32, #tpu.memory_space<vmem>>, vector<2x128xf32>
        tpu.vector_store %arg12[%swap3A_54, %swap3A_55], %add3A_53 {strides = array<i32>} : memref<2x128xf32, #tpu.memory_space<vmem>>, vector<2x128xf32>,
      } else {
      }
    } else {
    }
    %eq3A_2 = arith.constant 1 : i32
    %eq3A_3 = arith.cmpi eq, %arg0, %eq3A_2 : i32
    %convert_element_type3A_4 = arith.extui %eq3A_3 : i1 to i32
    %cond3A_5 = arith.constant 0 : i32
    %cond3A_6 = arith.cmpi ne, %convert_element_type3A_4, %cond3A_5 : i32
    scf.if %cond3A_6 {
      %get3A = arith.constant 0 : index
      %get3A_7 = arith.constant 0 : index
      %get3A_8 = vector.load %arg12[%get3A, %get3A_7] : memref<2x128xf32, #tpu.memory_space<vmem>>, vector<1x128xf32>
      %mul3A = arith.constant 9.99999974E-5 : f32
      %mul3A_9 = vector.broadcast %mul3A : f32 to vector<1x128xf32>
      %mul3A_10 = arith.mulf %get3A_8, %mul3A_9 : vector<1x128xf32>
      %get3A_11 = arith.constant 1 : index
      %get3A_12 = arith.constant 0 : index
      %get3A_13 = vector.load %arg12[%get3A_11, %get3A_12] : memref<2x128xf32, #tpu.memory_space<vmem>>, vector<1x128xf32>
      %mul3A_14 = arith.constant 9.99999974E-5 : f32
      %mul3A_15 = vector.broadcast %mul3A_14 : f32 to vector<1x128xf32>
      %mul3A_16 = arith.mulf %get3A_13, %mul3A_15 : vector<1x128xf32>
      %mul3A_17 = arith.mulf %mul3A_10, %mul3A_10 : vector<1x128xf32>
      %sub3A = arith.subf %mul3A_16, %mul3A_17 : vector<1x128xf32>
      %get3A_18 = arith.constant 0 : index
      %get3A_19 = arith.constant 0 : index
      %get3A_20 = vector.load %arg6[%get3A_18, %get3A_19] : memref<1x128xf32, #tpu.memory_space<vmem>>, vector<1x128xf32>
      %add3A = arith.constant 9.99999974E-6 : f32
      %add3A_21 = vector.broadcast %add3A : f32 to vector<1x128xf32>
      %add3A_22 = arith.addf %sub3A, %add3A_21 : vector<1x128xf32>
      %sqrt3A = math.sqrt %add3A_22 : vector<1x128xf32>
      %div3A = arith.divf %get3A_20, %sqrt3A : vector<1x128xf32>
      %get3A_23 = arith.constant 0 : index
      %get3A_24 = arith.constant 0 : index
      %get3A_25 = vector.load %arg7[%get3A_23, %get3A_24] : memref<1x128xf32, #tpu.memory_space<vmem>>, vector<1x128xf32>
      %mul3A_26 = arith.mulf %mul3A_10, %div3A : vector<1x128xf32>
      %sub3A_27 = arith.subf %get3A_25, %mul3A_26 : vector<1x128xf32>
      %mul3A_28 = arith.constant 1000 : i32
      %mul3A_29 = arith.muli %arg1, %mul3A_28 : i32
      %get3A_30 = arith.index_cast %mul3A_29 : i32 to index
      %get3A_31 = arith.constant 0 : index
      %get3A_32 = vector.load %arg11[%get3A_30, %get3A_31] : memref<10000x128xf32, #tpu.memory_space<vmem>>, vector<1000x128xf32>
      %mul3A_33 = vector.broadcast %div3A : vector<1x128xf32> to vector<1000x128xf32>
      %mul3A_34 = arith.mulf %get3A_32, %mul3A_33 : vector<1000x128xf32>
      %add3A_35 = vector.broadcast %sub3A_27 : vector<1x128xf32> to vector<1000x128xf32>
      %add3A_36 = arith.addf %mul3A_34, %add3A_35 : vector<1000x128xf32>
      %max3A = arith.constant 0.000000e+00 : f32
      %max3A_37 = vector.broadcast %max3A : f32 to vector<1000x128xf32>
      %max3A_38 = arith.maximumf %add3A_36, %max3A_37 : vector<1000x128xf32>
      %swap3A = arith.constant 0 : index
      %swap3A_39 = arith.constant 0 : index
      %swap3A_40 = vector.load %arg9[%swap3A, %swap3A_39] : memref<1000x128xf32, #tpu.memory_space<vmem>>, vector<1000x128xf32>
      tpu.vector_store %arg9[%swap3A, %swap3A_39], %max3A_38 {strides = array<i32>} : memref<1000x128xf32, #tpu.memory_space<vmem>>, vector<1000x128xf32>,
      %get3A_41 = arith.constant 0 : index
      %get3A_42 = arith.constant 0 : index
      %get3A_43 = vector.load %arg8[%get3A_41, %get3A_42] : memref<128x64xf32, #tpu.memory_space<vmem>>, vector<128x64xf32>
      %dot_general3A = arith.constant dense<0.000000e+00> : vector<1000x64xf32>
      %dot_general3A_44 = tpu.matmul %max3A_38, %get3A_43, %dot_general3A {dimension_numbers = #tpu.dot_dimension_numbers<[1], [0], [0], [1], [0, 0, 1, 1], [], []>, transpose_lhs_hint = false} : vector<1000x128xf32>, vector<128x64xf32>, vector<1000x64xf32> -> vector<1000x64xf32>
      %get3A_45 = arith.constant 0 : index
      %get3A_46 = arith.constant 0 : index
      %get3A_47 = vector.load %arg4[%get3A_45, %get3A_46] : memref<1000x1xf32, #tpu.memory_space<vmem>>, vector<1000x1xf32>
      %mul3A_48 = vector.broadcast %get3A_47 : vector<1000x1xf32> to vector<1000x64xf32>
      %mul3A_49 = arith.mulf %dot_general3A_44, %mul3A_48 : vector<1000x64xf32>
      %convert_element_type3A_50 = arith.truncf %mul3A_49 : vector<1000x64xf32> to vector<1000x64xbf16>
      %swap3A_51 = arith.constant 0 : index
      %swap3A_52 = arith.constant 0 : index
      %swap3A_53 = vector.load %arg10[%swap3A_51, %swap3A_52] : memref<1000x64xbf16, #tpu.memory_space<vmem>>, vector<1000x64xbf16>
      tpu.vector_store %arg10[%swap3A_51, %swap3A_52], %convert_element_type3A_50 {strides = array<i32>} : memref<1000x64xbf16, #tpu.memory_space<vmem>>, vector<1000x64xbf16>,
    } else {
    }
    return
  }
  func.func @transform_0(%arg0: i32, %arg1: i32) -> (i32, i32, i32) {
    %c0_i32 = arith.constant 0 : i32
    %c0_i32_0 = arith.constant 0 : i32
    %c0_i32_1 = arith.constant 0 : i32
    return %c0_i32, %arg1, %c0_i32_0 : i32, i32, i32
  }
  func.func @transform_1(%arg0: i32, %arg1: i32) -> (i32, i32) {
    %c0_i32 = arith.constant 0 : i32
    %c0_i32_0 = arith.constant 0 : i32
    return %arg1, %c0_i32 : i32, i32
  }
  func.func @transform_2(%arg0: i32, %arg1: i32) -> (i32, i32) {
    %c0_i32 = arith.constant 0 : i32
    %c0_i32_0 = arith.constant 0 : i32
    return %arg1, %c0_i32 : i32, i32
  }
  func.func @transform_3(%arg0: i32, %arg1: i32) -> (i32, i32) {
    %c0_i32 = arith.constant 0 : i32
    %c0_i32_0 = arith.constant 0 : i32
    %c0_i32_1 = arith.constant 0 : i32
    return %c0_i32, %c0_i32_0 : i32, i32
  }
  func.func @transform_4(%arg0: i32, %arg1: i32) -> (i32, i32) {
    %c0_i32 = arith.constant 0 : i32
    %c0_i32_0 = arith.constant 0 : i32
    %c0_i32_1 = arith.constant 0 : i32
    return %c0_i32, %c0_i32_0 : i32, i32
  }
  func.func @transform_5(%arg0: i32, %arg1: i32) -> (i32, i32) {
    %c0_i32 = arith.constant 0 : i32
    %c0_i32_0 = arith.constant 0 : i32
    %c0_i32_1 = arith.constant 0 : i32
    return %c0_i32, %c0_i32_0 : i32, i32
  }
  func.func @transform_6(%arg0: i32, %arg1: i32) -> (i32, i32) {
    %c0_i32 = arith.constant 0 : i32
    %c0_i32_0 = arith.constant 0 : i32
    %c0_i32_1 = arith.constant 0 : i32
    return %c0_i32, %c0_i32_0 : i32, i32
  }
  func.func @transform_7(%arg0: i32, %arg1: i32) -> (i32, i32) {
    %c0_i32 = arith.constant 0 : i32
    %c0_i32_0 = arith.constant 0 : i32
    return %arg1, %c0_i32 : i32, i32
  }
  func.func @transform_8(%arg0: i32, %arg1: i32) -> (i32, i32) {
    %c0_i32 = arith.constant 0 : i32
    %c0_i32_0 = arith.constant 0 : i32
    return %arg1, %c0_i32 : i32, i32
  }
}

module attributes {stable_mosaic.version = 14 : i64} {
  func.func @_l2_body(%arg0: i32, %arg1: i32, %arg2: memref<2x1000x64xbf16, #tpu.memory_space<vmem>>, %arg3: memref<1000x64xbf16, #tpu.memory_space<vmem>>, %arg4: memref<1000x1xf32, #tpu.memory_space<vmem>>, %arg5: memref<1x64xf32, #tpu.memory_space<vmem>>, %arg6: memref<1x64xf32, #tpu.memory_space<vmem>>, %arg7: memref<1x64xf32, #tpu.memory_space<vmem>>, %arg8: memref<1000x256xf32, #tpu.memory_space<vmem>>, %arg9: memref<1000x128xf32, #tpu.memory_space<vmem>>, %arg10: memref<448x256xf32, #tpu.memory_space<vmem>>, %arg11: memref<1x256xf32, #tpu.memory_space<vmem>>, %arg12: memref<1000x256xf32, #tpu.memory_space<vmem>>, %arg13: memref<10000x64xf32, #tpu.memory_space<vmem>>, %arg14: memref<2x64xf32, #tpu.memory_space<vmem>>) attributes {dimension_semantics = [#tpu.dimension_semantics<arbitrary>, #tpu.dimension_semantics<arbitrary>], iteration_bounds = array<i64: 2, 10>, scalar_prefetch = 0 : i64, scratch_operands = 2 : i64, tpu.core_type = #tpu.core_type<tc>, window_params = [{transform_indices = @transform_0, window_bounds = array<i64: 2, 1000, 64>}, {transform_indices = @transform_1, window_bounds = array<i64: 1000, 64>}, {transform_indices = @transform_2, window_bounds = array<i64: 1000, 1>}, {pipeline_mode = #tpu.pipeline_mode<synchronous>, transform_indices = @transform_3, window_bounds = array<i64: 1, 64>}, {pipeline_mode = #tpu.pipeline_mode<synchronous>, transform_indices = @transform_4, window_bounds = array<i64: 1, 64>}, {pipeline_mode = #tpu.pipeline_mode<synchronous>, transform_indices = @transform_5, window_bounds = array<i64: 1, 64>}, {transform_indices = @transform_6, window_bounds = array<i64: 1000, 256>}, {transform_indices = @transform_7, window_bounds = array<i64: 1000, 128>}, {pipeline_mode = #tpu.pipeline_mode<synchronous>, transform_indices = @transform_8, window_bounds = array<i64: 448, 256>}, {pipeline_mode = #tpu.pipeline_mode<synchronous>, transform_indices = @transform_9, window_bounds = array<i64: 1, 256>}, {transform_indices = @transform_10, window_bounds = array<i64: 1000, 256>}]} {
    %eq3A = arith.constant 0 : i32
    %eq3A_0 = arith.cmpi eq, %arg0, %eq3A : i32
    %convert_element_type3A = arith.extui %eq3A_0 : i1 to i32
    %cond3A = arith.constant 0 : i32
    %cond3A_1 = arith.cmpi ne, %convert_element_type3A, %cond3A : i32
    scf.if %cond3A_1 {
      %get3A = arith.constant 0 : index
      %get3A_7 = arith.constant 0 : index
      %get3A_8 = arith.constant 0 : index
      %get3A_9 = vector.load %arg2[%get3A, %get3A_7, %get3A_8] : memref<2x1000x64xbf16, #tpu.memory_space<vmem>>, vector<1x1000x64xbf16>
      %get3A_10 = vector.shape_cast %get3A_9 : vector<1x1000x64xbf16> to vector<1000x64xbf16>
      %convert_element_type3A_11 = arith.extf %get3A_10 : vector<1000x64xbf16> to vector<1000x64xf32>
      %get3A_12 = arith.constant 1 : index
      %get3A_13 = arith.constant 0 : index
      %get3A_14 = arith.constant 0 : index
      %get3A_15 = vector.load %arg2[%get3A_12, %get3A_13, %get3A_14] : memref<2x1000x64xbf16, #tpu.memory_space<vmem>>, vector<1x1000x64xbf16>
      %get3A_16 = vector.shape_cast %get3A_15 : vector<1x1000x64xbf16> to vector<1000x64xbf16>
      %convert_element_type3A_17 = arith.extf %get3A_16 : vector<1000x64xbf16> to vector<1000x64xf32>
      %add3A = arith.addf %convert_element_type3A_11, %convert_element_type3A_17 : vector<1000x64xf32>
      %get3A_18 = arith.constant 0 : index
      %get3A_19 = arith.constant 0 : index
      %get3A_20 = vector.load %arg3[%get3A_18, %get3A_19] : memref<1000x64xbf16, #tpu.memory_space<vmem>>, vector<1000x64xbf16>
      %convert_element_type3A_21 = arith.extf %get3A_20 : vector<1000x64xbf16> to vector<1000x64xf32>
      %add3A_22 = arith.addf %add3A, %convert_element_type3A_21 : vector<1000x64xf32>
      %get3A_23 = arith.constant 0 : index
      %get3A_24 = arith.constant 0 : index
      %get3A_25 = vector.load %arg4[%get3A_23, %get3A_24] : memref<1000x1xf32, #tpu.memory_space<vmem>>, vector<1000x1xf32>
      %mul3A = vector.broadcast %get3A_25 : vector<1000x1xf32> to vector<1000x64xf32>
      %mul3A_26 = arith.mulf %add3A_22, %mul3A : vector<1000x64xf32>
      %get3A_27 = arith.constant 0 : index
      %get3A_28 = arith.constant 0 : index
      %get3A_29 = vector.load %arg5[%get3A_27, %get3A_28] : memref<1x64xf32, #tpu.memory_space<vmem>>, vector<1x64xf32>
      %add3A_30 = vector.broadcast %get3A_29 : vector<1x64xf32> to vector<1000x64xf32>
      %add3A_31 = arith.addf %mul3A_26, %add3A_30 : vector<1000x64xf32>
      %mul3A_32 = arith.constant 1000 : i32
      %mul3A_33 = arith.muli %arg1, %mul3A_32 : i32
      %swap3A = arith.index_cast %mul3A_33 : i32 to index
      %swap3A_34 = arith.constant 0 : index
      %swap3A_35 = vector.load %arg13[%swap3A, %swap3A_34] : memref<10000x64xf32, #tpu.memory_space<vmem>>, vector<1000x64xf32>
      tpu.vector_store %arg13[%swap3A, %swap3A_34], %add3A_31 {strides = array<i32>} : memref<10000x64xf32, #tpu.memory_space<vmem>>, vector<1000x64xf32>,
      %reduce_sum3A = arith.constant dense<0.000000e+00> : vector<64xf32>
      %reduce_sum3A_36 = vector.multi_reduction <add>, %add3A_31, %reduce_sum3A [0] : vector<1000x64xf32> to vector<64xf32>
      %broadcast_in_dim3A = vector.shape_cast %reduce_sum3A_36 : vector<64xf32> to vector<1x64xf32>
      %mul3A_37 = arith.mulf %add3A_31, %add3A_31 : vector<1000x64xf32>
      %reduce_sum3A_38 = arith.constant dense<0.000000e+00> : vector<64xf32>
      %reduce_sum3A_39 = vector.multi_reduction <add>, %mul3A_37, %reduce_sum3A_38 [0] : vector<1000x64xf32> to vector<64xf32>
      %broadcast_in_dim3A_40 = vector.shape_cast %reduce_sum3A_39 : vector<64xf32> to vector<1x64xf32>
      %concatenate3A = tpu.concatenate %broadcast_in_dim3A, %broadcast_in_dim3A_40 in 0 : vector<1x64xf32>, vector<1x64xf32> -> vector<2x64xf32>
      %eq3A_41 = arith.constant 0 : i32
      %eq3A_42 = arith.cmpi eq, %arg1, %eq3A_41 : i32
      %convert_element_type3A_43 = arith.extui %eq3A_42 : i1 to i32
      %cond3A_44 = arith.constant 0 : i32
      %cond3A_45 = arith.cmpi ne, %convert_element_type3A_43, %cond3A_44 : i32
      scf.if %cond3A_45 {
        %swap3A_50 = arith.constant 0 : index
        %swap3A_51 = arith.constant 0 : index
        %swap3A_52 = vector.load %arg14[%swap3A_50, %swap3A_51] : memref<2x64xf32, #tpu.memory_space<vmem>>, vector<2x64xf32>
        tpu.vector_store %arg14[%swap3A_50, %swap3A_51], %concatenate3A {strides = array<i32>} : memref<2x64xf32, #tpu.memory_space<vmem>>, vector<2x64xf32>,
      } else {
      }
      %gt3A = arith.constant 0 : i32
      %gt3A_46 = arith.cmpi sgt, %arg1, %gt3A : i32
      %convert_element_type3A_47 = arith.extui %gt3A_46 : i1 to i32
      %cond3A_48 = arith.constant 0 : i32
      %cond3A_49 = arith.cmpi ne, %convert_element_type3A_47, %cond3A_48 : i32
      scf.if %cond3A_49 {
        %get3A_50 = arith.constant 0 : index
        %get3A_51 = arith.constant 0 : index
        %get3A_52 = vector.load %arg14[%get3A_50, %get3A_51] : memref<2x64xf32, #tpu.memory_space<vmem>>, vector<2x64xf32>
        %add3A_53 = arith.addf %get3A_52, %concatenate3A : vector<2x64xf32>
        %swap3A_54 = arith.constant 0 : index
        %swap3A_55 = arith.constant 0 : index
        %swap3A_56 = vector.load %arg14[%swap3A_54, %swap3A_55] : memref<2x64xf32, #tpu.memory_space<vmem>>, vector<2x64xf32>
        tpu.vector_store %arg14[%swap3A_54, %swap3A_55], %add3A_53 {strides = array<i32>} : memref<2x64xf32, #tpu.memory_space<vmem>>, vector<2x64xf32>,
      } else {
      }
    } else {
    }
    %eq3A_2 = arith.constant 1 : i32
    %eq3A_3 = arith.cmpi eq, %arg0, %eq3A_2 : i32
    %convert_element_type3A_4 = arith.extui %eq3A_3 : i1 to i32
    %cond3A_5 = arith.constant 0 : i32
    %cond3A_6 = arith.cmpi ne, %convert_element_type3A_4, %cond3A_5 : i32
    scf.if %cond3A_6 {
      %get3A = arith.constant 0 : index
      %get3A_7 = arith.constant 0 : index
      %get3A_8 = vector.load %arg14[%get3A, %get3A_7] : memref<2x64xf32, #tpu.memory_space<vmem>>, vector<1x64xf32>
      %mul3A = arith.constant 9.99999974E-5 : f32
      %mul3A_9 = vector.broadcast %mul3A : f32 to vector<1x64xf32>
      %mul3A_10 = arith.mulf %get3A_8, %mul3A_9 : vector<1x64xf32>
      %get3A_11 = arith.constant 1 : index
      %get3A_12 = arith.constant 0 : index
      %get3A_13 = vector.load %arg14[%get3A_11, %get3A_12] : memref<2x64xf32, #tpu.memory_space<vmem>>, vector<1x64xf32>
      %mul3A_14 = arith.constant 9.99999974E-5 : f32
      %mul3A_15 = vector.broadcast %mul3A_14 : f32 to vector<1x64xf32>
      %mul3A_16 = arith.mulf %get3A_13, %mul3A_15 : vector<1x64xf32>
      %mul3A_17 = arith.mulf %mul3A_10, %mul3A_10 : vector<1x64xf32>
      %sub3A = arith.subf %mul3A_16, %mul3A_17 : vector<1x64xf32>
      %get3A_18 = arith.constant 0 : index
      %get3A_19 = arith.constant 0 : index
      %get3A_20 = vector.load %arg6[%get3A_18, %get3A_19] : memref<1x64xf32, #tpu.memory_space<vmem>>, vector<1x64xf32>
      %add3A = arith.constant 9.99999974E-6 : f32
      %add3A_21 = vector.broadcast %add3A : f32 to vector<1x64xf32>
      %add3A_22 = arith.addf %sub3A, %add3A_21 : vector<1x64xf32>
      %sqrt3A = math.sqrt %add3A_22 : vector<1x64xf32>
      %div3A = arith.divf %get3A_20, %sqrt3A : vector<1x64xf32>
      %get3A_23 = arith.constant 0 : index
      %get3A_24 = arith.constant 0 : index
      %get3A_25 = vector.load %arg7[%get3A_23, %get3A_24] : memref<1x64xf32, #tpu.memory_space<vmem>>, vector<1x64xf32>
      %mul3A_26 = arith.mulf %mul3A_10, %div3A : vector<1x64xf32>
      %sub3A_27 = arith.subf %get3A_25, %mul3A_26 : vector<1x64xf32>
      %mul3A_28 = arith.constant 1000 : i32
      %mul3A_29 = arith.muli %arg1, %mul3A_28 : i32
      %get3A_30 = arith.index_cast %mul3A_29 : i32 to index
      %get3A_31 = arith.constant 0 : index
      %get3A_32 = vector.load %arg13[%get3A_30, %get3A_31] : memref<10000x64xf32, #tpu.memory_space<vmem>>, vector<1000x64xf32>
      %mul3A_33 = vector.broadcast %div3A : vector<1x64xf32> to vector<1000x64xf32>
      %mul3A_34 = arith.mulf %get3A_32, %mul3A_33 : vector<1000x64xf32>
      %add3A_35 = vector.broadcast %sub3A_27 : vector<1x64xf32> to vector<1000x64xf32>
      %add3A_36 = arith.addf %mul3A_34, %add3A_35 : vector<1000x64xf32>
      %max3A = arith.constant 0.000000e+00 : f32
      %max3A_37 = vector.broadcast %max3A : f32 to vector<1000x64xf32>
      %max3A_38 = arith.maximumf %add3A_36, %max3A_37 : vector<1000x64xf32>
      %get3A_39 = arith.constant 0 : index
      %get3A_40 = arith.constant 0 : index
      %get3A_41 = vector.load %arg8[%get3A_39, %get3A_40] : memref<1000x256xf32, #tpu.memory_space<vmem>>, vector<1000x256xf32>
      %get3A_42 = arith.constant 0 : index
      %get3A_43 = arith.constant 0 : index
      %get3A_44 = vector.load %arg10[%get3A_42, %get3A_43] : memref<448x256xf32, #tpu.memory_space<vmem>>, vector<256x256xf32>
      %dot_general3A = arith.constant dense<0.000000e+00> : vector<1000x256xf32>
      %dot_general3A_45 = tpu.matmul %get3A_41, %get3A_44, %dot_general3A {dimension_numbers = #tpu.dot_dimension_numbers<[1], [0], [0], [1], [0, 0, 1, 1], [], []>, transpose_lhs_hint = false} : vector<1000x256xf32>, vector<256x256xf32>, vector<1000x256xf32> -> vector<1000x256xf32>
      %get3A_46 = arith.constant 0 : index
      %get3A_47 = arith.constant 0 : index
      %get3A_48 = vector.load %arg9[%get3A_46, %get3A_47] : memref<1000x128xf32, #tpu.memory_space<vmem>>, vector<1000x128xf32>
      %get3A_49 = arith.constant 256 : index
      %get3A_50 = arith.constant 0 : index
      %get3A_51 = vector.load %arg10[%get3A_49, %get3A_50] : memref<448x256xf32, #tpu.memory_space<vmem>>, vector<128x256xf32>
      %dot_general3A_52 = arith.constant dense<0.000000e+00> : vector<1000x256xf32>
      %dot_general3A_53 = tpu.matmul %get3A_48, %get3A_51, %dot_general3A_52 {dimension_numbers = #tpu.dot_dimension_numbers<[1], [0], [0], [1], [0, 0, 1, 1], [], []>, transpose_lhs_hint = false} : vector<1000x128xf32>, vector<128x256xf32>, vector<1000x256xf32> -> vector<1000x256xf32>
      %add3A_54 = arith.addf %dot_general3A_45, %dot_general3A_53 : vector<1000x256xf32>
      %get3A_55 = arith.constant 384 : index
      %get3A_56 = arith.constant 0 : index
      %get3A_57 = vector.load %arg10[%get3A_55, %get3A_56] : memref<448x256xf32, #tpu.memory_space<vmem>>, vector<64x256xf32>
      %dot_general3A_58 = arith.constant dense<0.000000e+00> : vector<1000x256xf32>
      %dot_general3A_59 = tpu.matmul %max3A_38, %get3A_57, %dot_general3A_58 {dimension_numbers = #tpu.dot_dimension_numbers<[1], [0], [0], [1], [0, 0, 1, 1], [], []>, transpose_lhs_hint = false} : vector<1000x64xf32>, vector<64x256xf32>, vector<1000x256xf32> -> vector<1000x256xf32>
      %add3A_60 = arith.addf %add3A_54, %dot_general3A_59 : vector<1000x256xf32>
      %get3A_61 = arith.constant 0 : index
      %get3A_62 = arith.constant 0 : index
      %get3A_63 = vector.load %arg11[%get3A_61, %get3A_62] : memref<1x256xf32, #tpu.memory_space<vmem>>, vector<1x256xf32>
      %add3A_64 = vector.broadcast %get3A_63 : vector<1x256xf32> to vector<1000x256xf32>
      %add3A_65 = arith.addf %add3A_60, %add3A_64 : vector<1000x256xf32>
      %max3A_66 = arith.constant 0.000000e+00 : f32
      %max3A_67 = vector.broadcast %max3A_66 : f32 to vector<1000x256xf32>
      %max3A_68 = arith.maximumf %add3A_65, %max3A_67 : vector<1000x256xf32>
      %swap3A = arith.constant 0 : index
      %swap3A_69 = arith.constant 0 : index
      %swap3A_70 = vector.load %arg12[%swap3A, %swap3A_69] : memref<1000x256xf32, #tpu.memory_space<vmem>>, vector<1000x256xf32>
      tpu.vector_store %arg12[%swap3A, %swap3A_69], %max3A_68 {strides = array<i32>} : memref<1000x256xf32, #tpu.memory_space<vmem>>, vector<1000x256xf32>,
    } else {
    }
    return
  }
  func.func @transform_0(%arg0: i32, %arg1: i32) -> (i32, i32, i32) {
    %c0_i32 = arith.constant 0 : i32
    %c0_i32_0 = arith.constant 0 : i32
    %c0_i32_1 = arith.constant 0 : i32
    return %c0_i32, %arg1, %c0_i32_0 : i32, i32, i32
  }
  func.func @transform_1(%arg0: i32, %arg1: i32) -> (i32, i32) {
    %c0_i32 = arith.constant 0 : i32
    %c0_i32_0 = arith.constant 0 : i32
    return %arg1, %c0_i32 : i32, i32
  }
  func.func @transform_2(%arg0: i32, %arg1: i32) -> (i32, i32) {
    %c0_i32 = arith.constant 0 : i32
    %c0_i32_0 = arith.constant 0 : i32
    return %arg1, %c0_i32 : i32, i32
  }
  func.func @transform_3(%arg0: i32, %arg1: i32) -> (i32, i32) {
    %c0_i32 = arith.constant 0 : i32
    %c0_i32_0 = arith.constant 0 : i32
    %c0_i32_1 = arith.constant 0 : i32
    return %c0_i32, %c0_i32_0 : i32, i32
  }
  func.func @transform_4(%arg0: i32, %arg1: i32) -> (i32, i32) {
    %c0_i32 = arith.constant 0 : i32
    %c0_i32_0 = arith.constant 0 : i32
    %c0_i32_1 = arith.constant 0 : i32
    return %c0_i32, %c0_i32_0 : i32, i32
  }
  func.func @transform_5(%arg0: i32, %arg1: i32) -> (i32, i32) {
    %c0_i32 = arith.constant 0 : i32
    %c0_i32_0 = arith.constant 0 : i32
    %c0_i32_1 = arith.constant 0 : i32
    return %c0_i32, %c0_i32_0 : i32, i32
  }
  func.func @transform_6(%arg0: i32, %arg1: i32) -> (i32, i32) {
    %c0_i32 = arith.constant 0 : i32
    %c0_i32_0 = arith.constant 0 : i32
    return %arg1, %c0_i32 : i32, i32
  }
  func.func @transform_7(%arg0: i32, %arg1: i32) -> (i32, i32) {
    %c0_i32 = arith.constant 0 : i32
    %c0_i32_0 = arith.constant 0 : i32
    return %arg1, %c0_i32 : i32, i32
  }
  func.func @transform_8(%arg0: i32, %arg1: i32) -> (i32, i32) {
    %c0_i32 = arith.constant 0 : i32
    %c0_i32_0 = arith.constant 0 : i32
    %c0_i32_1 = arith.constant 0 : i32
    return %c0_i32, %c0_i32_0 : i32, i32
  }
  func.func @transform_9(%arg0: i32, %arg1: i32) -> (i32, i32) {
    %c0_i32 = arith.constant 0 : i32
    %c0_i32_0 = arith.constant 0 : i32
    %c0_i32_1 = arith.constant 0 : i32
    return %c0_i32, %c0_i32_0 : i32, i32
  }
  func.func @transform_10(%arg0: i32, %arg1: i32) -> (i32, i32) {
    %c0_i32 = arith.constant 0 : i32
    %c0_i32_0 = arith.constant 0 : i32
    return %arg1, %c0_i32 : i32, i32
  }
}

</mosaic_0001>

<sc_bundles>
// kernel: kernel.11.cloned.1.call-start
scs
__scs_entry_jumppad:
0x0: {  	(pc) =	sbr.rel $0x88, $3  }
0x1: {  	(tag) =	ssettag $0x0;
	lr =	simm.s32 $0x1  }
0x2: {  	[smem:$0x3F95] =	sst lr;
	_ =	strace $0xD0000000  }
0x3: {  	_ = 	snop  }
0x4: {  	_ = 	snop  }
0x5: {  	_ = 	snop  }
0x6: {  	_ = 	snop  }
0x7: {  	_ = 	snop  }
__scs_overlays_trampoline_lowered:
0x8: {  	[smem:$0x3FA4] =	sst s0  }
0x9: {  	[smem:$0x3FA5] =	sst s1  }
0xa: {  	[smem:$0x3FA6] =	sst s2  }
0xb: {  	[smem:$0x3FA7] =	sst s3  }
0xc: {  	[smem:$0x3FA8] =	sst s4  }
0xd: {  	[smem:$0x3FA9] =	sst s5  }
0xe: {  	[smem:$0x3FAA] =	sst s6  }
0xf: {  	[smem:$0x3FAB] =	sst s7  }
0x10: {  	[smem:$0x3FAC] =	sst s8  }
0x11: {  	[smem:$0x3FAD] =	sst s9;
	s0 =	simm.s32 @!p0 $0x0  }
0x12: {  	s1 =	sld [smem:$0x3F93];
	s0 =	simm.s32 @p0 $0x1  }
0x13: {  	[smem:$0x3FAE] =	sst s0;
	s0 =	simm.s32 @!p1 $0x0  }
0x14: {  	s2 =	sld [smem:$0x3F92];
	s0 =	simm.s32 @p1 $0x1  }
0x15: {  	[smem:$0x3FAF] =	sst s0;
	s0 =	simm.s32 @!p2 $0x0  }
0x16: {  	s3 =	sld [smem:$0x3FDB];
	s0 =	simm.s32 @p2 $0x1  }
0x17: {  	s4 =	simm.s32 $0x1BF5;
	[smem:$0x3FB1] =	sst s0  }
0x18: {  	s0 =	sld [smem:$0x3F94];
	_ =	swait.ge [sflag:s4], $0x0  }
0x19: {  	s7 =	sld [smem:$0x3F95]  }
0x1a: {  	s8 =	sadd.s32 $0xFFFFE003, lr  }
0x1b: {  	s9 =	sadd.s32 $0xFFFFFEF7, lr;
	s5 =	simm.s32 $0xFFFFFFFF;
	p2 =	slt.u32 s8, $0xFFFFF086  }
0x1c: {  	p1 =	slt.u32 s9, $0xF7A;
	s5 =	simm.s32 @!p2 $0x0  }
0x1d: {  	s5 =	simm.s32 @p1 $0x1;
	p0 =	seq.s32 s7, s2  }
0x1e: {  	s7 =	smul.u32 @!p0 $0xF7A, s2;
	p2 =	seq.s32 @!p0 s5, $0x0  }
0x1f: {  	s9 =	smul.u32 $0xF7A, s1;
	s8 =	simm.s32 @!p0 $0x1BF5;
	p2 =	por !p2, p0  }
0x20: {  	[sflag:s8] =	ssyncset.s32 @!p0 $0xFFFFF086;
	s6 =	sadd.s32 @!p0 s3, s7;
	s7 =	simm.s32 @!p0 $0x108  }
0x21: {  	s3 =	sadd.s32 s3, s9;
	s6 =	sadd.s32 @!p0 $0x88, s6;
	s7 =	simm.s32 @p2 $0x1082  }
0x22: {  	[simem:s7], [sflag:s8] =	dma.local @!p0 [hbm:s6], $0xF7A  }
0x23: {  	s9 =	sor.u32 $0xD0000000, s2;
	s6 =	simm.s32 $0x108;
	_ =	swait.ge @!p0 [sflag:s8], $0x0  }
0x24: {  	s3 =	sadd.s32 $0x88, s3;
	s6 =	simm.s32 @!p1 $0x1082;
	[sflag:s4] =	ssyncset.s32 $0xFFFFF086  }
0x25: {  	[simem:s6], [sflag:s4] =	dma.local [hbm:s3], $0xF7A  }
0x26: {  	[smem:$0x3F95] =	sst s1;
	(tag) =	ssettag s2;
	_ =	strace s9  }
0x27: {  	s1 =	sld [smem:$0x3FA5]  }
0x28: {  	s2 =	sld [smem:$0x3FA6]  }
0x29: {  	s4 =	sld [smem:$0x3FA8]  }
0x2a: {  	p0 =	seq.s32 s5, $0x0;
	s5 =	sld [smem:$0x3FA9]  }
0x2b: {  	s6 =	sld [smem:$0x3FAA]  }
0x2c: {  	s7 =	sld [smem:$0x3FAB]  }
0x2d: {  	s3 =	simm.s32 $0x108;
	s8 =	sld [smem:$0x3FAC]  }
0x2e: {  	s3 =	simm.s32 @!p0 $0x1082;
	s9 =	sld [smem:$0x3FAD]  }
0x2f: {  	lr =	sadd.s32 s0, s3;
	s0 =	sld [smem:$0x3FA4]  }
0x30: {  	s3 =	sld [smem:$0x3FA7]  }
0x31: {  	[smem:$0x3FB0] =	sst s10  }
0x32: {  	s10 =	sld [smem:$0x3FAE];
	_ =	sdelay $0x3  }
0x33: {  	p0 =	seq.s32 s10, $0x1;
	s10 =	sld [smem:$0x3FB0];
	_ =	sdelay $0x3  }
0x34: {  	[smem:$0x3FB0] =	sst s10  }
0x35: {  	s10 =	sld [smem:$0x3FAF];
	_ =	sdelay $0x3  }
0x36: {  	p1 =	seq.s32 s10, $0x1;
	s10 =	sld [smem:$0x3FB0];
	_ =	sdelay $0x3  }
0x37: {  	[smem:$0x3FB0] =	sst s10  }
0x38: {  	s10 =	sld [smem:$0x3FB1]  }
0x39: {  	_ = 	snop;
	(pc) =	sbr.ind lr, $3  }
0x3a: {  	_ = 	snop  }
0x3b: {  	_ = 	snop  }
0x3c: {  	p2 =	seq.s32 s10, $0x1;
	s10 =	sld [smem:$0x3FB0]  }
0x3d: {  	_ =	shalt  }
0x3e: {  	_ =	shalt  }
0x3f: {  	_ =	shalt  }
0x40: {  	_ =	shalt  }
0x41: {  	_ =	shalt  }
0x42: {  	_ =	shalt  }
0x43: {  	_ =	shalt  }
0x44: {  	_ =	shalt  }
0x45: {  	_ =	shalt  }
0x46: {  	_ =	shalt  }
0x47: {  	_ =	shalt  }
0x48: {  	_ =	shalt  }
0x49: {  	_ =	shalt  }
0x4a: {  	_ =	shalt  }
0x4b: {  	_ =	shalt  }
0x4c: {  	_ =	shalt  }
0x4d: {  	_ =	shalt  }
0x4e: {  	_ =	shalt  }
0x4f: {  	_ =	shalt  }
0x50: {  	_ =	shalt  }
0x51: {  	_ =	shalt  }
0x52: {  	_ =	shalt  }
0x53: {  	_ =	shalt  }
0x54: {  	_ =	shalt  }
0x55: {  	_ =	shalt  }
0x56: {  	_ =	shalt  }
0x57: {  	_ =	shalt  }
0x58: {  	_ =	shalt  }
0x59: {  	_ =	shalt  }
0x5a: {  	_ =	shalt  }
0x5b: {  	_ =	shalt  }
0x5c: {  	_ =	shalt  }
0x5d: {  	_ =	shalt  }
0x5e: {  	_ =	shalt  }
0x5f: {  	_ =	shalt  }
0x60: {  	_ =	shalt  }
0x61: {  	_ =	shalt  }
0x62: {  	_ =	shalt  }
0x63: {  	_ =	shalt  }
0x64: {  	_ =	shalt  }
0x65: {  	_ =	shalt  }
0x66: {  	_ =	shalt  }
0x67: {  	_ =	shalt  }
0x68: {  	_ =	shalt  }
0x69: {  	_ =	shalt  }
0x6a: {  	_ =	shalt  }
0x6b: {  	_ =	shalt  }
0x6c: {  	_ =	shalt  }
0x6d: {  	_ =	shalt  }
0x6e: {  	_ =	shalt  }
0x6f: {  	_ =	shalt  }
0x70: {  	_ =	shalt  }
0x71: {  	_ =	shalt  }
0x72: {  	_ =	shalt  }
0x73: {  	_ =	shalt  }
0x74: {  	_ =	shalt  }
0x75: {  	_ =	shalt  }
0x76: {  	_ =	shalt  }
0x77: {  	_ =	shalt  }
0x78: {  	_ =	shalt  }
0x79: {  	_ =	shalt  }
0x7a: {  	_ =	shalt  }
0x7b: {  	_ =	shalt  }
0x7c: {  	_ =	shalt  }
0x7d: {  	_ =	shalt  }
0x7e: {  	_ =	shalt  }
0x7f: {  	_ =	shalt  }
0x80: {  	_ =	shalt  }
0x81: {  	_ =	shalt  }
0x82: {  	_ =	shalt  }
0x83: {  	_ =	shalt  }
0x84: {  	_ =	shalt  }
0x85: {  	_ =	shalt  }
0x86: {  	_ =	shalt  }
0x87: {  	_ =	shalt  }
.Lfunc_end0:
.L_simem_size_0:
called_computation.1_lowered:
.L_overlay_start_0:
0x88: {  	s2 =	sld [smem:$0x3FD9]  }
0x89: {  	s3 =	sld [smem:$0x3FFE];
	_ =	sdelay $0x1  }
0x8a: {  	s1 =	srdreg.scid  }
0x8b: {  	s0 =	sand.u32 $0x1, s1  }
0x8c: {  	s17 =	sshll.u32 s0, $0xA;
	s2 =	sadd.s32 s3, s2  }
0x8d: {  	s2 =	sadd.s32 s2, s17  }
0x8e: {  	[smem:$0x3FBC] =	sst s2  }
0x8f: {  	_ = 	snop  }
0x90: {  	s2 =	sld [smem:$0x3FD0];
	(tm) =	ssettm $0x1  }
0x91: {  	s18 =	sld [smem:$0x3FFB];
	_ =	sdelay $0x3  }
0x92: {  	_ =	strace s18  }
0x93: {  	s3 =	sld [smem:$0x3FFC];
	_ =	sdelay $0x3  }
0x94: {  	_ =	strace s3  }
0x95: {  	s3 =	sld [smem:$0x3FFD];
	_ =	sdelay $0x3  }
0x96: {  	_ =	strace s3  }
0x97: {  	_ =	strace $0x8FFFFFFF  }
0x98: {  	s19 =	sld [smem:$0x3FDB];
	_ =	sdelay $0x1  }
0x99: {  	s4 =	simm.s32 $_scs_section_size  }
0x9a: {  	s5 =	simm.s32 $_size__tile_overlayer_lowered;
	s6 =	simm.s32 $_tile_overlayer_lowered  }
0x9b: {  	s22 =	simm.s32 $0x1BFF;
	s21 =	sshll.u32 s6, $0x1;
	s3 =	sadd.s32 s4, s19  }
0x9c: {  	s7 =	simm.s32 $0x0;
	s20 =	sshll.u32 s5, $0x1;
	s5 =	sadd.s32 s21, s3  }
0x9d: {  	[timem:s7], [sflag:s22] =	dma.local [hbm:s5], s20  }
0x9e: {  	_ =	swait.ge [sflag:s22], s20  }
0x9f: {  	s4 =	ssub.s32 $0x0, s20;
	[sflag:s22] =	ssyncset.done $0x0  }
0xa0: {  	[sflag:s22] =	ssyncadd.s32 s4;
	_ =	sdelay $0x1  }
0xa1: {  	s23 =	simm.s32 $0x1B8B  }
0xa2: {  	_ =	swait.ge [sflag:s23], $0x1  }
0xa3: {  	[sflag:s23] =	ssyncset.done $0x0  }
0xa4: {  	s25 =	simm.s32 $0x1B8E;
	s24 =	sld [smem:$0x3FFE];
	[sflag:s23] =	ssyncadd.s32 $0xFFFFFFFF  }
0xa5: {  	s26 =	simm.s32 $execute0_lowered;
	[smem:$0x3FD2] =	sst s25  }
0xa6: {  	s5 =	sshll.u32 s26, $0x1;
	_ =	strace $0x80000049;
	[dreg:$0x1] =	wrdreg $0xFFFFFFFF  }
0xa7: {  	s28 =	simm.s32 $_size_execute0_lowered;
	s3 =	sadd.s32 s3, s5;
	[dreg:$0x0] =	wrdreg $0x0  }
0xa8: {  	s5 =	sshll.u32 s28, $0x1;
	[dreg:$0x2] =	wrdreg s3  }
0xa9: {  	[dreg:$0x3] =	wrdreg s5  }
0xaa: {  	[dreg:$0x4] =	wrdreg $0xC0  }
0xab: {  	_ =	task [dreg:s7], $0x5FFFF  }
0xac: {  	[dreg:$0x1] =	wrdreg $0xFFFFFFFF  }
0xad: {  	[dreg:$0x0] =	wrdreg $0x60  }
0xae: {  	[dreg:$0x2] =	wrdreg s24  }
0xaf: {  	[dreg:$0x3] =	wrdreg s2  }
0xb0: {  	[dreg:$0x4] =	wrdreg $0xC8000  }
0xb1: {  	[dreg:$0x5] =	wrdreg $0x9  }
0xb2: {  	_ =	task.clear_ibuf [dreg:s7], $0x6FFFF;
	_ =	strace $0x90000049  }
0xb3: {  	s29 =	simm.s32 $0x9;
	_ =	strace $0x8000004B  }
0xb4: {  	_ =	swait.ge [sflag:s29], $0x1  }
0xb5: {  	[sflag:s29] =	ssyncadd.s32 $0xFFFFFFFF  }
0xb6: {  	_ =	strace $0x9000004B  }
0xb7: {  	_ =	sfence  }
0xb8: {  	s30 =	sld [smem:$0x0];
	_ =	sdelay $0x2  }
0xb9: {  	s31 =	sshll.u32 s1, $0xD;
	s1 =	sshrl.u32 s1, $0x2  }
0xba: {  	s3 =	sand.u32 $0x4000, s31;
	s1 =	sadd.s32 s1, s30  }
0xbb: {  	s0 =	sor.u32 s3, s0;
	s1 =	sshll.u32 s1, $0x11  }
0xbc: {  	s0 =	sor.u32 s1, s0  }
0xbd: {  	s0 =	sadd.s32 $0x8F2B, s0  }
0xbe: {  	[sflag:s0] =	ssyncadd.remote.s32 $0x1  }
0xbf: {  	_ =	sfence.sel $0xFFFF  }
0xc0: {  	[dreg:$0x0] =	wrdreg $0xFFFFFFFF;
	(pc) =	sbr.abs _section_cstart, $3  }
0xc1: {  	[dreg:$0x1] =	wrdreg $0xFFFFFFFF  }
0xc2: {  	_ =	task.clear_ibuf [dreg:s7], $0x2FFFF;
	_ =	strace $0x9FFFFFFF  }
0xc3: {  	(tm) =	ssettm $0x7FFFFFFF  }
tec
execute0_lowered:
.L_overlay_start_1:
0x0: {  	(tag) =	ssettag $0x1  }
0x1: {  	s0 =	rddreg [dreg:$0x0]  }
0x2: {  	s9 =	rddreg [dreg:$0x1]  }
0x3: {  	s1 =	srdreg.scid;
	s2 =	rddreg [dreg:$0x2]  }
0x4: {  	s11 =	stileid.u32;
	s3 =	simm.s32 $0x0;
	s12 =	simm.s32 $0x6  }
0x5: {  	s14 =	simm.s32 $0x80;
	s15 =	simm.s32 $0x2800;
	s16 =	simm.s32 $0x4800  }
0x6: {  	s18 =	simm.s32 $0x6800;
	s20 =	simm.s32 $0x8800;
	s22 =	simm.s32 $0xA800  }
0x7: {  	s28 =	simm.s32 $0x5;
	s29 =	simm.s32 $0x2580;
	s30 =	simm.s32 $0x2600  }
0x8: {  	s31 =	simm.s32 $0x2680;
	s13 =	simm.s32 $0x0;
	s1 =	sand.u32 $0x1, s1  }
0x9: {  	[smem:$0x7FF] =	sst s3;
	s7 =	smul.u32 $0x14000, s11;
	s25 =	sshll.u32 s11, $0x6  }
0xa: {  	s4 =	sshll.u32 s1, $0x4;
	_ =	strace $0x8000004A;
	s6 =	ssub.s32 $0x2, s1  }
0xb: {  	s1 =	smul.u32 $0x140000, s1;
	s4 =	sor.u32 s11, s4;
	s8 =	sshrl.u32 s6, $0x1  }
0xc: {  	s24 =	sshrl.u32 s7, $0x1;
	s5 =	smul.u32 $0x280, s4;
	s4 =	sadd.s32 $0xE000, s0  }
0xd: {  	s23 =	ssub.s32 s6, s8;
	s1 =	sadd.s32 s7, s1;
	s26 =	sadd.s32 s24, s2  }
0xe: {  	s6 =	sor.u32 $0x1C06, s25;
	s24 =	simm.s32 $0x2;
	s25 =	simm.s32 $0x3  }
0xf: {  	s1 =	sshrl.u32 s1, $0x4;
	s11 =	sshrl.u32 s26, $0x3;
	s26 =	simm.s32 $0x4  }
0x10: {  	s10 =	sadd.s32 s5, s0;
	s5 =	sadd.s32 $0x2C00, s0;
	s9 =	sadd.s32 s9, s1  }
0x11: {  	s0 =	simm.s32 $0x2700;
	s1 =	simm.s32 $0x2780;
	s7 =	sadd.s32 $0x4000, s10  }
0x12: {  	s8 =	sadd.s32 $0x9000, s10;
	s10 =	smax.u32 s23, $0x1;
	s23 =	simm.s32 $0x1  }
.LBB2_1:
0x13: {  	[spmem:s11], [sflag:s6] =	dma.local [hbm:s5], $0x1400  }
0x14: {  	_ =	swait.ge [sflag:s12], $0x1400  }
0x15: {  	[sflag:s12] =	ssyncset.done $0x0  }
0x16: {  	[sflag:s12] =	ssyncadd.s32 $0xFFFFEC00  }
0x17: {  	[tilespmem:s3], [sflag:$0x6] =	stream.linear.gather [hbm4b:s7+s3], $0x1400, $0x38;
	[tilespmem:$0x16800] =	vst v63  }
0x18: {  	_ =	swait.ge [sflag:s12], $0x1400  }
0x19: {  	[sflag:s12] =	ssyncset.done $0x0  }
0x1a: {  	s17 =	simm.s32 $0x1400;
	[sflag:s12] =	ssyncadd.s32 $0xFFFFEC00  }
0x1b: {  	[tilespmem:s17], [sflag:$0x6] =	stream.linear.gather [hbm4b:s8+s3], $0x1400, $0x38;
	[tilespmem:$0x16800] =	vst v63  }
0x1c: {  	_ =	swait.ge [sflag:s12], $0x1400  }
0x1d: {  	[sflag:s12] =	ssyncset.done $0x0  }
0x1e: {  	[sflag:s12] =	ssyncadd.s32 $0xFFFFEC00  }
0x1f: {  	[bflag:$0x0] =	sbarrier.arrive $0xFFFF  }
0x20: {  	[tilespmem:s15], [sflag:$0x1] =	stream.indirect.gather [hbm4b:s4+s14], $0x40, s3, s14, $0xb8;
	[tilespmem:$0x16800] =	vst v63  }
0x21: {  	_ = 	snop  }
0x22: {  	[tilespmem:s16], [sflag:$0x2] =	stream.indirect.gather [hbm4b:s4+s14], $0x40, s14, s14, $0xb8;
	[tilespmem:$0x16800] =	vst v63  }
0x23: {  	s19 =	simm.s32 $0x100  }
0x24: {  	[tilespmem:s18], [sflag:$0x3] =	stream.indirect.gather [hbm4b:s4+s14], $0x40, s19, s14, $0xb8;
	[tilespmem:$0x16800] =	vst v63  }
0x25: {  	s21 =	simm.s32 $0x180  }
0x26: {  	[tilespmem:s20], [sflag:$0x4] =	stream.indirect.gather [hbm4b:s4+s14], $0x40, s21, s14, $0xb8;
	[tilespmem:$0x16800] =	vst v63  }
0x27: {  	s19 =	simm.s32 $0x200  }
0x28: {  	[tilespmem:s22], [sflag:$0x5] =	stream.indirect.gather [hbm4b:s4+s14], $0x40, s19, s14, $0xb8;
	[tilespmem:$0x16800] =	vst v63  }
0x29: {  	_ =	swait.ge [sflag:s23], $0x2000  }
0x2a: {  	[sflag:s23] =	ssyncset.done $0x0  }
0x2b: {  	s21 =	simm.s32 $0x1400;
	[sflag:s23] =	ssyncadd.s32 $0xFFFFE000  }
0x2c: {  	[spmem:s2] =	stream.indirect.scatter.add.bf16 [tilespmem:s15], [sflag:$0x6], $0x40, s21, s14, $0xb8;
	[tilespmem:$0x16800] =	vst v63  }
0x2d: {  	_ =	swait.ge [sflag:s12], $0x2000  }
0x2e: {  	[sflag:s12] =	ssyncset.done $0x0  }
0x2f: {  	s19 =	simm.s32 $0x280;
	[sflag:s12] =	ssyncadd.s32 $0xFFFFE000  }
0x30: {  	[tilespmem:s15], [sflag:$0x1] =	stream.indirect.gather [hbm4b:s4+s14], $0x40, s19, s14, $0xb8;
	[tilespmem:$0x16800] =	vst v63  }
0x31: {  	_ =	swait.ge [sflag:s24], $0x2000  }
0x32: {  	[sflag:s24] =	ssyncset.done $0x0  }
0x33: {  	s21 =	simm.s32 $0x1480;
	[sflag:s24] =	ssyncadd.s32 $0xFFFFE000  }
0x34: {  	[spmem:s2] =	stream.indirect.scatter.add.bf16 [tilespmem:s16], [sflag:$0x6], $0x40, s21, s14, $0xb8;
	[tilespmem:$0x16800] =	vst v63  }
0x35: {  	_ =	swait.ge [sflag:s12], $0x2000  }
0x36: {  	[sflag:s12] =	ssyncset.done $0x0  }
0x37: {  	s19 =	simm.s32 $0x300;
	[sflag:s12] =	ssyncadd.s32 $0xFFFFE000  }
0x38: {  	[tilespmem:s16], [sflag:$0x2] =	stream.indirect.gather [hbm4b:s4+s14], $0x40, s19, s14, $0xb8;
	[tilespmem:$0x16800] =	vst v63  }
0x39: {  	_ =	swait.ge [sflag:s25], $0x2000  }
0x3a: {  	[sflag:s25] =	ssyncset.done $0x0  }
0x3b: {  	s21 =	simm.s32 $0x1500;
	[sflag:s25] =	ssyncadd.s32 $0xFFFFE000  }
0x3c: {  	[spmem:s2] =	stream.indirect.scatter.add.bf16 [tilespmem:s18], [sflag:$0x6], $0x40, s21, s14, $0xb8;
	[tilespmem:$0x16800] =	vst v63  }
0x3d: {  	_ =	swait.ge [sflag:s12], $0x2000  }
0x3e: {  	[sflag:s12] =	ssyncset.done $0x0  }
0x3f: {  	s19 =	simm.s32 $0x380;
	[sflag:s12] =	ssyncadd.s32 $0xFFFFE000  }
0x40: {  	[tilespmem:s18], [sflag:$0x3] =	stream.indirect.gather [hbm4b:s4+s14], $0x40, s19, s14, $0xb8;
	[tilespmem:$0x16800] =	vst v63  }
0x41: {  	_ =	swait.ge [sflag:s26], $0x2000  }
0x42: {  	[sflag:s26] =	ssyncset.done $0x0  }
0x43: {  	s21 =	simm.s32 $0x1580;
	[sflag:s26] =	ssyncadd.s32 $0xFFFFE000  }
0x44: {  	[spmem:s2] =	stream.indirect.scatter.add.bf16 [tilespmem:s20], [sflag:$0x6], $0x40, s21, s14, $0xb8;
	[tilespmem:$0x16800] =	vst v63  }
0x45: {  	_ =	swait.ge [sflag:s12], $0x2000  }
0x46: {  	[sflag:s12] =	ssyncset.done $0x0  }
0x47: {  	s19 =	simm.s32 $0x400;
	[sflag:s12] =	ssyncadd.s32 $0xFFFFE000  }
0x48: {  	[tilespmem:s20], [sflag:$0x4] =	stream.indirect.gather [hbm4b:s4+s14], $0x40, s19, s14, $0xb8;
	[tilespmem:$0x16800] =	vst v63  }
0x49: {  	_ =	swait.ge [sflag:s28], $0x2000  }
0x4a: {  	[sflag:s28] =	ssyncset.done $0x0  }
0x4b: {  	s21 =	simm.s32 $0x1600;
	[sflag:s28] =	ssyncadd.s32 $0xFFFFE000  }
0x4c: {  	[spmem:s2] =	stream.indirect.scatter.add.bf16 [tilespmem:s22], [sflag:$0x6], $0x40, s21, s14, $0xb8;
	[tilespmem:$0x16800] =	vst v63  }
0x4d: {  	_ =	swait.ge [sflag:s12], $0x2000  }
0x4e: {  	[sflag:s12] =	ssyncset.done $0x0  }
0x4f: {  	s17 =	simm.s32 $0xA00;
	s19 =	simm.s32 $0x480;
	[sflag:s12] =	ssyncadd.s32 $0xFFFFE000  }
.LBB2_2:
0x50: {  	[tilespmem:s22], [sflag:$0x5] =	stream.indirect.gather [hbm4b:s4+s14], $0x40, s19, s14, $0xb8;
	[tilespmem:$0x16800] =	vst v63  }
0x51: {  	s19 =	smov.u32 s17  }
0x52: {  	p0 =	sne.s32 s17, $0x3C00;
	s17 =	sadd.s32 $0xA00, s17;
	_ =	swait.ge [sflag:s23], $0x2000  }
0x53: {  	s19 =	sshra.s32 s19, $0x2;
	[sflag:s23] =	ssyncset.done $0x0  }
0x54: {  	s21 =	sadd.s32 $0x1400, s19;
	[sflag:s23] =	ssyncadd.s32 $0xFFFFE000  }
0x55: {  	[spmem:s2] =	stream.indirect.scatter.add.bf16 [tilespmem:s15], [sflag:$0x6], $0x40, s21, s14, $0xb8;
	[tilespmem:$0x16800] =	vst v63  }
0x56: {  	_ =	swait.ge [sflag:s12], $0x2000  }
0x57: {  	[sflag:s12] =	ssyncset.done $0x0  }
0x58: {  	s21 =	sadd.s32 $0x280, s19;
	[sflag:s12] =	ssyncadd.s32 $0xFFFFE000  }
0x59: {  	[tilespmem:s15], [sflag:$0x1] =	stream.indirect.gather [hbm4b:s4+s14], $0x40, s21, s14, $0xb8;
	[tilespmem:$0x16800] =	vst v63  }
0x5a: {  	_ =	swait.ge [sflag:s24], $0x2000  }
0x5b: {  	[sflag:s24] =	ssyncset.done $0x0  }
0x5c: {  	s21 =	sadd.s32 $0x1480, s19;
	[sflag:s24] =	ssyncadd.s32 $0xFFFFE000  }
0x5d: {  	[spmem:s2] =	stream.indirect.scatter.add.bf16 [tilespmem:s16], [sflag:$0x6], $0x40, s21, s14, $0xb8;
	[tilespmem:$0x16800] =	vst v63  }
0x5e: {  	_ =	swait.ge [sflag:s12], $0x2000  }
0x5f: {  	[sflag:s12] =	ssyncset.done $0x0  }
0x60: {  	s21 =	sadd.s32 $0x300, s19;
	[sflag:s12] =	ssyncadd.s32 $0xFFFFE000  }
0x61: {  	[tilespmem:s16], [sflag:$0x2] =	stream.indirect.gather [hbm4b:s4+s14], $0x40, s21, s14, $0xb8;
	[tilespmem:$0x16800] =	vst v63  }
0x62: {  	_ =	swait.ge [sflag:s25], $0x2000  }
0x63: {  	[sflag:s25] =	ssyncset.done $0x0  }
0x64: {  	s21 =	sadd.s32 $0x1500, s19;
	[sflag:s25] =	ssyncadd.s32 $0xFFFFE000  }
0x65: {  	[spmem:s2] =	stream.indirect.scatter.add.bf16 [tilespmem:s18], [sflag:$0x6], $0x40, s21, s14, $0xb8;
	[tilespmem:$0x16800] =	vst v63  }
0x66: {  	_ =	swait.ge [sflag:s12], $0x2000  }
0x67: {  	[sflag:s12] =	ssyncset.done $0x0  }
0x68: {  	s21 =	sadd.s32 $0x380, s19;
	[sflag:s12] =	ssyncadd.s32 $0xFFFFE000  }
0x69: {  	[tilespmem:s18], [sflag:$0x3] =	stream.indirect.gather [hbm4b:s4+s14], $0x40, s21, s14, $0xb8;
	[tilespmem:$0x16800] =	vst v63  }
0x6a: {  	_ =	swait.ge [sflag:s26], $0x2000  }
0x6b: {  	[sflag:s26] =	ssyncset.done $0x0  }
0x6c: {  	s21 =	sadd.s32 $0x1580, s19;
	[sflag:s26] =	ssyncadd.s32 $0xFFFFE000  }
0x6d: {  	[spmem:s2] =	stream.indirect.scatter.add.bf16 [tilespmem:s20], [sflag:$0x6], $0x40, s21, s14, $0xb8;
	[tilespmem:$0x16800] =	vst v63  }
0x6e: {  	_ =	swait.ge [sflag:s12], $0x2000  }
0x6f: {  	[sflag:s12] =	ssyncset.done $0x0  }
0x70: {  	s21 =	sadd.s32 $0x400, s19;
	[sflag:s12] =	ssyncadd.s32 $0xFFFFE000  }
0x71: {  	[tilespmem:s20], [sflag:$0x4] =	stream.indirect.gather [hbm4b:s4+s14], $0x40, s21, s14, $0xb8;
	[tilespmem:$0x16800] =	vst v63  }
0x72: {  	_ =	swait.ge [sflag:s28], $0x2000  }
0x73: {  	[sflag:s28] =	ssyncset.done $0x0  }
.Ltmp0:
0x74: {  	s21 =	sadd.s32 $0x1600, s19;
	[sflag:s28] =	ssyncadd.s32 $0xFFFFE000;
	(pc) =	sbr.rel @p0 .LBB2_2-.Ltmp0, $4  }
0x75: {  	[spmem:s2] =	stream.indirect.scatter.add.bf16 [tilespmem:s22], [sflag:$0x6], $0x40, s21, s14, $0xb8;
	[tilespmem:$0x16800] =	vst v63  }
0x76: {  	_ =	swait.ge [sflag:s12], $0x2000  }
0x77: {  	[sflag:s12] =	ssyncset.done $0x0  }
0x78: {  	s19 =	sadd.s32 $0x480, s19;
	[sflag:s12] =	ssyncadd.s32 $0xFFFFE000  }
0x79: {  	[tilespmem:s22], [sflag:$0x5] =	stream.indirect.gather [hbm4b:s4+s14], $0x40, s19, s14, $0xb8;
	[tilespmem:$0x16800] =	vst v63  }
0x7a: {  	_ =	swait.ge [sflag:s23], $0x2000  }
0x7b: {  	[sflag:s23] =	ssyncset.done $0x0  }
0x7c: {  	[sflag:s23] =	ssyncadd.s32 $0xFFFFE000  }
0x7d: {  	[spmem:s2] =	stream.indirect.scatter.add.bf16 [tilespmem:s15], [sflag:$0x6], $0x40, s29, s14, $0xb8;
	[tilespmem:$0x16800] =	vst v63  }
0x7e: {  	_ =	swait.ge [sflag:s12], $0x2000  }
0x7f: {  	[sflag:s12] =	ssyncset.done $0x0  }
0x80: {  	[sflag:s12] =	ssyncadd.s32 $0xFFFFE000  }
0x81: {  	_ =	swait.ge [sflag:s24], $0x2000  }
0x82: {  	[sflag:s24] =	ssyncset.done $0x0  }
0x83: {  	[sflag:s24] =	ssyncadd.s32 $0xFFFFE000  }
0x84: {  	[spmem:s2] =	stream.indirect.scatter.add.bf16 [tilespmem:s16], [sflag:$0x6], $0x40, s30, s14, $0xb8;
	[tilespmem:$0x16800] =	vst v63  }
0x85: {  	_ =	swait.ge [sflag:s12], $0x2000  }
0x86: {  	[sflag:s12] =	ssyncset.done $0x0  }
0x87: {  	[sflag:s12] =	ssyncadd.s32 $0xFFFFE000  }
0x88: {  	_ =	swait.ge [sflag:s25], $0x2000  }
0x89: {  	[sflag:s25] =	ssyncset.done $0x0  }
0x8a: {  	[sflag:s25] =	ssyncadd.s32 $0xFFFFE000  }
0x8b: {  	[spmem:s2] =	stream.indirect.scatter.add.bf16 [tilespmem:s18], [sflag:$0x6], $0x40, s31, s14, $0xb8;
	[tilespmem:$0x16800] =	vst v63  }
0x8c: {  	_ =	swait.ge [sflag:s12], $0x2000  }
0x8d: {  	[sflag:s12] =	ssyncset.done $0x0  }
0x8e: {  	[sflag:s12] =	ssyncadd.s32 $0xFFFFE000  }
0x8f: {  	_ =	swait.ge [sflag:s26], $0x2000  }
0x90: {  	[sflag:s26] =	ssyncset.done $0x0  }
0x91: {  	[sflag:s26] =	ssyncadd.s32 $0xFFFFE000  }
0x92: {  	[spmem:s2] =	stream.indirect.scatter.add.bf16 [tilespmem:s20], [sflag:$0x6], $0x40, s0, s14, $0xb8;
	[tilespmem:$0x16800] =	vst v63  }
0x93: {  	_ =	swait.ge [sflag:s12], $0x2000  }
0x94: {  	[sflag:s12] =	ssyncset.done $0x0  }
0x95: {  	[sflag:s12] =	ssyncadd.s32 $0xFFFFE000  }
0x96: {  	_ =	swait.ge [sflag:s28], $0x2000  }
0x97: {  	[sflag:s28] =	ssyncset.done $0x0  }
0x98: {  	[sflag:s28] =	ssyncadd.s32 $0xFFFFE000  }
0x99: {  	[spmem:s2] =	stream.indirect.scatter.add.bf16 [tilespmem:s22], [sflag:$0x6], $0x40, s1, s14, $0xb8;
	[tilespmem:$0x16800] =	vst v63  }
0x9a: {  	_ =	swait.ge [sflag:s12], $0x2000  }
0x9b: {  	s13 =	sadd.s32 $0x1, s13;
	[sflag:s12] =	ssyncset.done $0x0  }
0x9c: {  	p0 =	sne.s32 s13, s10;
	[sflag:s12] =	ssyncadd.s32 $0xFFFFE000  }
.Ltmp1:
0x9d: {  	[bflag:$0x0] =	sbarrier.arrive $0xFFFF;
	(pc) =	sbr.rel @p0 .LBB2_1-.Ltmp1, $4  }
0x9e: {  	[hbm:s9], [sflag:s6] =	dma.local [spmem:s11], $0x1400  }
0x9f: {  	_ =	swait.ge [sflag:s12], $0x1400  }
0xa0: {  	[sflag:s12] =	ssyncset.done $0x0  }
0xa1: {  	[sflag:s12] =	ssyncadd.s32 $0xFFFFEC00  }
0xa2: {  	_ =	sfence.sel $0x180000  }
0xa3: {  	[bflag:$0x0] =	sbarrier.arrive $0xFFFF  }
0xa4: {  	_ =	strace $0x9000004A  }
0xa5: {  	s0 =	stileid.u32;
	[bflag:$0x2] =	sbarrier.arrive $0xFFFF  }
0xa6: {  	p0 =	sne.s32 s0, $0x0;
	s0 =	rddreg [dreg:$0x3]  }
0xa7: {  	s0 =	sadd.s32 @!p0 $0x100000, s0  }
0xa8: {  	[sflag:s0] =	ssyncadd.tile.s32 @!p0 $0x1;
	_ =	shalt  }
.Lfunc_end2:
_tile_overlayer_lowered:
.L_overlay_start_2:
0xa9: {  	(tag) =	ssettag $0x2  }
0xaa: {  	s0 =	rddreg [dreg:$0x0];
	s2 =	stileid.u32  }
0xab: {  	s1 =	rddreg [dreg:$0x1];
	p0 =	sne.s32 s2, $0x0  }
0xac: {  	s3 =	rddreg [dreg:$0x2];
	[bflag:$0x3] =	sbarrier.arrive $0xFFFF;
	s2 =	simm.s32 @!p0 $0x1C06  }
0xad: {  	[timem:s3], [sflag:s2] =	dma.local @!p0 [hbm:s0], s1  }
0xae: {  	s0 =	simm.s32 @!p0 $0x6  }
0xaf: {  	_ =	swait.ge @!p0 [sflag:s0], s1  }
0xb0: {  	s1 =	ssub.s32 @!p0 $0x0, s1;
	[sflag:s0] =	ssyncset.done @!p0 $0x0  }
0xb1: {  	[sflag:s0] =	ssyncadd.s32 @!p0 s1  }
0xb2: {  	[bflag:$0x3] =	sbarrier.arrive $0xFFFF  }
0xb3: {  	_ =	shalt  }

// kernel: kernel.14.cloned.1.call-start
scs
__scs_entry_jumppad:
0x0: {  	(pc) =	sbr.rel $0x88, $3  }
0x1: {  	(tag) =	ssettag $0x0;
	lr =	simm.s32 $0x1  }
0x2: {  	[smem:$0x3F95] =	sst lr;
	_ =	strace $0xD0000000  }
0x3: {  	_ = 	snop  }
0x4: {  	_ = 	snop  }
0x5: {  	_ = 	snop  }
0x6: {  	_ = 	snop  }
0x7: {  	_ = 	snop  }
__scs_overlays_trampoline_lowered:
0x8: {  	[smem:$0x3FA4] =	sst s0  }
0x9: {  	[smem:$0x3FA5] =	sst s1  }
0xa: {  	[smem:$0x3FA6] =	sst s2  }
0xb: {  	[smem:$0x3FA7] =	sst s3  }
0xc: {  	[smem:$0x3FA8] =	sst s4  }
0xd: {  	[smem:$0x3FA9] =	sst s5  }
0xe: {  	[smem:$0x3FAA] =	sst s6  }
0xf: {  	[smem:$0x3FAB] =	sst s7  }
0x10: {  	[smem:$0x3FAC] =	sst s8  }
0x11: {  	[smem:$0x3FAD] =	sst s9;
	s0 =	simm.s32 @!p0 $0x0  }
0x12: {  	s1 =	sld [smem:$0x3F93];
	s0 =	simm.s32 @p0 $0x1  }
0x13: {  	[smem:$0x3FAE] =	sst s0;
	s0 =	simm.s32 @!p1 $0x0  }
0x14: {  	s2 =	sld [smem:$0x3F92];
	s0 =	simm.s32 @p1 $0x1  }
0x15: {  	[smem:$0x3FAF] =	sst s0;
	s0 =	simm.s32 @!p2 $0x0  }
0x16: {  	s3 =	sld [smem:$0x3FDB];
	s0 =	simm.s32 @p2 $0x1  }
0x17: {  	s4 =	simm.s32 $0x1BF5;
	[smem:$0x3FB1] =	sst s0  }
0x18: {  	s0 =	sld [smem:$0x3F94];
	_ =	swait.ge [sflag:s4], $0x0  }
0x19: {  	s7 =	sld [smem:$0x3F95]  }
0x1a: {  	s8 =	sadd.s32 $0xFFFFE003, lr  }
0x1b: {  	s9 =	sadd.s32 $0xFFFFFEF7, lr;
	s5 =	simm.s32 $0xFFFFFFFF;
	p2 =	slt.u32 s8, $0xFFFFF086  }
0x1c: {  	p1 =	slt.u32 s9, $0xF7A;
	s5 =	simm.s32 @!p2 $0x0  }
0x1d: {  	s5 =	simm.s32 @p1 $0x1;
	p0 =	seq.s32 s7, s2  }
0x1e: {  	s7 =	smul.u32 @!p0 $0xF7A, s2;
	p2 =	seq.s32 @!p0 s5, $0x0  }
0x1f: {  	s9 =	smul.u32 $0xF7A, s1;
	s8 =	simm.s32 @!p0 $0x1BF5;
	p2 =	por !p2, p0  }
0x20: {  	[sflag:s8] =	ssyncset.s32 @!p0 $0xFFFFF086;
	s6 =	sadd.s32 @!p0 s3, s7;
	s7 =	simm.s32 @!p0 $0x108  }
0x21: {  	s3 =	sadd.s32 s3, s9;
	s6 =	sadd.s32 @!p0 $0x88, s6;
	s7 =	simm.s32 @p2 $0x1082  }
0x22: {  	[simem:s7], [sflag:s8] =	dma.local @!p0 [hbm:s6], $0xF7A  }
0x23: {  	s9 =	sor.u32 $0xD0000000, s2;
	s6 =	simm.s32 $0x108;
	_ =	swait.ge @!p0 [sflag:s8], $0x0  }
0x24: {  	s3 =	sadd.s32 $0x88, s3;
	s6 =	simm.s32 @!p1 $0x1082;
	[sflag:s4] =	ssyncset.s32 $0xFFFFF086  }
0x25: {  	[simem:s6], [sflag:s4] =	dma.local [hbm:s3], $0xF7A  }
0x26: {  	[smem:$0x3F95] =	sst s1;
	(tag) =	ssettag s2;
	_ =	strace s9  }
0x27: {  	s1 =	sld [smem:$0x3FA5]  }
0x28: {  	s2 =	sld [smem:$0x3FA6]  }
0x29: {  	s4 =	sld [smem:$0x3FA8]  }
0x2a: {  	p0 =	seq.s32 s5, $0x0;
	s5 =	sld [smem:$0x3FA9]  }
0x2b: {  	s6 =	sld [smem:$0x3FAA]  }
0x2c: {  	s7 =	sld [smem:$0x3FAB]  }
0x2d: {  	s3 =	simm.s32 $0x108;
	s8 =	sld [smem:$0x3FAC]  }
0x2e: {  	s3 =	simm.s32 @!p0 $0x1082;
	s9 =	sld [smem:$0x3FAD]  }
0x2f: {  	lr =	sadd.s32 s0, s3;
	s0 =	sld [smem:$0x3FA4]  }
0x30: {  	s3 =	sld [smem:$0x3FA7]  }
0x31: {  	[smem:$0x3FB0] =	sst s10  }
0x32: {  	s10 =	sld [smem:$0x3FAE];
	_ =	sdelay $0x3  }
0x33: {  	p0 =	seq.s32 s10, $0x1;
	s10 =	sld [smem:$0x3FB0];
	_ =	sdelay $0x3  }
0x34: {  	[smem:$0x3FB0] =	sst s10  }
0x35: {  	s10 =	sld [smem:$0x3FAF];
	_ =	sdelay $0x3  }
0x36: {  	p1 =	seq.s32 s10, $0x1;
	s10 =	sld [smem:$0x3FB0];
	_ =	sdelay $0x3  }
0x37: {  	[smem:$0x3FB0] =	sst s10  }
0x38: {  	s10 =	sld [smem:$0x3FB1]  }
0x39: {  	_ = 	snop;
	(pc) =	sbr.ind lr, $3  }
0x3a: {  	_ = 	snop  }
0x3b: {  	_ = 	snop  }
0x3c: {  	p2 =	seq.s32 s10, $0x1;
	s10 =	sld [smem:$0x3FB0]  }
0x3d: {  	_ =	shalt  }
0x3e: {  	_ =	shalt  }
0x3f: {  	_ =	shalt  }
0x40: {  	_ =	shalt  }
0x41: {  	_ =	shalt  }
0x42: {  	_ =	shalt  }
0x43: {  	_ =	shalt  }
0x44: {  	_ =	shalt  }
0x45: {  	_ =	shalt  }
0x46: {  	_ =	shalt  }
0x47: {  	_ =	shalt  }
0x48: {  	_ =	shalt  }
0x49: {  	_ =	shalt  }
0x4a: {  	_ =	shalt  }
0x4b: {  	_ =	shalt  }
0x4c: {  	_ =	shalt  }
0x4d: {  	_ =	shalt  }
0x4e: {  	_ =	shalt  }
0x4f: {  	_ =	shalt  }
0x50: {  	_ =	shalt  }
0x51: {  	_ =	shalt  }
0x52: {  	_ =	shalt  }
0x53: {  	_ =	shalt  }
0x54: {  	_ =	shalt  }
0x55: {  	_ =	shalt  }
0x56: {  	_ =	shalt  }
0x57: {  	_ =	shalt  }
0x58: {  	_ =	shalt  }
0x59: {  	_ =	shalt  }
0x5a: {  	_ =	shalt  }
0x5b: {  	_ =	shalt  }
0x5c: {  	_ =	shalt  }
0x5d: {  	_ =	shalt  }
0x5e: {  	_ =	shalt  }
0x5f: {  	_ =	shalt  }
0x60: {  	_ =	shalt  }
0x61: {  	_ =	shalt  }
0x62: {  	_ =	shalt  }
0x63: {  	_ =	shalt  }
0x64: {  	_ =	shalt  }
0x65: {  	_ =	shalt  }
0x66: {  	_ =	shalt  }
0x67: {  	_ =	shalt  }
0x68: {  	_ =	shalt  }
0x69: {  	_ =	shalt  }
0x6a: {  	_ =	shalt  }
0x6b: {  	_ =	shalt  }
0x6c: {  	_ =	shalt  }
0x6d: {  	_ =	shalt  }
0x6e: {  	_ =	shalt  }
0x6f: {  	_ =	shalt  }
0x70: {  	_ =	shalt  }
0x71: {  	_ =	shalt  }
0x72: {  	_ =	shalt  }
0x73: {  	_ =	shalt  }
0x74: {  	_ =	shalt  }
0x75: {  	_ =	shalt  }
0x76: {  	_ =	shalt  }
0x77: {  	_ =	shalt  }
0x78: {  	_ =	shalt  }
0x79: {  	_ =	shalt  }
0x7a: {  	_ =	shalt  }
0x7b: {  	_ =	shalt  }
0x7c: {  	_ =	shalt  }
0x7d: {  	_ =	shalt  }
0x7e: {  	_ =	shalt  }
0x7f: {  	_ =	shalt  }
0x80: {  	_ =	shalt  }
0x81: {  	_ =	shalt  }
0x82: {  	_ =	shalt  }
0x83: {  	_ =	shalt  }
0x84: {  	_ =	shalt  }
0x85: {  	_ =	shalt  }
0x86: {  	_ =	shalt  }
0x87: {  	_ =	shalt  }
.Lfunc_end0:
.L_simem_size_0:
called_computation.2_lowered:
.L_overlay_start_0:
0x88: {  	s2 =	sld [smem:$0x3FD9]  }
0x89: {  	s3 =	sld [smem:$0x3FFE];
	_ =	sdelay $0x1  }
0x8a: {  	s1 =	srdreg.scid  }
0x8b: {  	s0 =	sand.u32 $0x1, s1  }
0x8c: {  	s17 =	sshll.u32 s0, $0xA;
	s2 =	sadd.s32 s3, s2  }
0x8d: {  	s2 =	sadd.s32 s2, s17  }
0x8e: {  	[smem:$0x3FBC] =	sst s2  }
0x8f: {  	_ = 	snop  }
0x90: {  	s2 =	sld [smem:$0x3FD0];
	(tm) =	ssettm $0x1  }
0x91: {  	s18 =	sld [smem:$0x3FFB];
	_ =	sdelay $0x3  }
0x92: {  	_ =	strace s18  }
0x93: {  	s3 =	sld [smem:$0x3FFC];
	_ =	sdelay $0x3  }
0x94: {  	_ =	strace s3  }
0x95: {  	s3 =	sld [smem:$0x3FFD];
	_ =	sdelay $0x3  }
0x96: {  	_ =	strace s3  }
0x97: {  	_ =	strace $0x8FFFFFFF  }
0x98: {  	s19 =	sld [smem:$0x3FDB];
	_ =	sdelay $0x1  }
0x99: {  	s4 =	simm.s32 $_scs_section_size  }
0x9a: {  	s5 =	simm.s32 $_size__tile_overlayer_lowered;
	s6 =	simm.s32 $_tile_overlayer_lowered  }
0x9b: {  	s22 =	simm.s32 $0x1BFF;
	s21 =	sshll.u32 s6, $0x1;
	s3 =	sadd.s32 s4, s19  }
0x9c: {  	s7 =	simm.s32 $0x0;
	s20 =	sshll.u32 s5, $0x1;
	s5 =	sadd.s32 s21, s3  }
0x9d: {  	[timem:s7], [sflag:s22] =	dma.local [hbm:s5], s20  }
0x9e: {  	_ =	swait.ge [sflag:s22], s20  }
0x9f: {  	s4 =	ssub.s32 $0x0, s20;
	[sflag:s22] =	ssyncset.done $0x0  }
0xa0: {  	[sflag:s22] =	ssyncadd.s32 s4;
	_ =	sdelay $0x1  }
0xa1: {  	s23 =	simm.s32 $0x1B8B  }
0xa2: {  	_ =	swait.ge [sflag:s23], $0x1  }
0xa3: {  	[sflag:s23] =	ssyncset.done $0x0  }
0xa4: {  	s25 =	simm.s32 $0x1B8E;
	s24 =	sld [smem:$0x3FFE];
	[sflag:s23] =	ssyncadd.s32 $0xFFFFFFFF  }
0xa5: {  	s26 =	simm.s32 $execute0_lowered;
	[smem:$0x3FD2] =	sst s25  }
0xa6: {  	s5 =	sshll.u32 s26, $0x1;
	_ =	strace $0x8000004C;
	[dreg:$0x1] =	wrdreg $0xFFFFFFFF  }
0xa7: {  	s28 =	simm.s32 $_size_execute0_lowered;
	s3 =	sadd.s32 s3, s5;
	[dreg:$0x0] =	wrdreg $0x0  }
0xa8: {  	s5 =	sshll.u32 s28, $0x1;
	[dreg:$0x2] =	wrdreg s3  }
0xa9: {  	[dreg:$0x3] =	wrdreg s5  }
0xaa: {  	[dreg:$0x4] =	wrdreg $0xC0  }
0xab: {  	_ =	task [dreg:s7], $0x5FFFF  }
0xac: {  	[dreg:$0x1] =	wrdreg $0xFFFFFFFF  }
0xad: {  	[dreg:$0x0] =	wrdreg $0x60  }
0xae: {  	[dreg:$0x2] =	wrdreg s24  }
0xaf: {  	[dreg:$0x3] =	wrdreg s2  }
0xb0: {  	[dreg:$0x4] =	wrdreg $0xA8000  }
0xb1: {  	[dreg:$0x5] =	wrdreg $0x9  }
0xb2: {  	_ =	task.clear_ibuf [dreg:s7], $0x6FFFF;
	_ =	strace $0x9000004C  }
0xb3: {  	s29 =	simm.s32 $0x9;
	_ =	strace $0x8000004E  }
0xb4: {  	_ =	swait.ge [sflag:s29], $0x1  }
0xb5: {  	[sflag:s29] =	ssyncadd.s32 $0xFFFFFFFF  }
0xb6: {  	_ =	strace $0x9000004E  }
0xb7: {  	_ =	sfence  }
0xb8: {  	s30 =	sld [smem:$0x0];
	_ =	sdelay $0x2  }
0xb9: {  	s31 =	sshll.u32 s1, $0xD;
	s1 =	sshrl.u32 s1, $0x2  }
0xba: {  	s3 =	sand.u32 $0x4000, s31;
	s1 =	sadd.s32 s1, s30  }
0xbb: {  	s0 =	sor.u32 s3, s0;
	s1 =	sshll.u32 s1, $0x11  }
0xbc: {  	s0 =	sor.u32 s1, s0  }
0xbd: {  	s0 =	sadd.s32 $0x8F2B, s0  }
0xbe: {  	[sflag:s0] =	ssyncadd.remote.s32 $0x1  }
0xbf: {  	_ =	sfence.sel $0xFFFF  }
0xc0: {  	[dreg:$0x0] =	wrdreg $0xFFFFFFFF;
	(pc) =	sbr.abs _section_cstart, $3  }
0xc1: {  	[dreg:$0x1] =	wrdreg $0xFFFFFFFF  }
0xc2: {  	_ =	task.clear_ibuf [dreg:s7], $0x2FFFF;
	_ =	strace $0x9FFFFFFF  }
0xc3: {  	(tm) =	ssettm $0x7FFFFFFF  }
tec
execute0_lowered:
.L_overlay_start_1:
0x0: {  	(tag) =	ssettag $0x1  }
0x1: {  	s0 =	rddreg [dreg:$0x0]  }
0x2: {  	s2 =	rddreg [dreg:$0x1]  }
0x3: {  	s1 =	rddreg [dreg:$0x2]  }
0x4: {  	s3 =	srdreg.scid;
	s12 =	stileid.u32  }
0x5: {  	s14 =	simm.s32 $0x80;
	s15 =	simm.s32 $0x2800;
	s18 =	simm.s32 $0x4800  }
0x6: {  	s22 =	simm.s32 $0x6800;
	s29 =	simm.s32 $0x9800;
	s30 =	simm.s32 $0x1  }
0x7: {  	s31 =	simm.s32 $0x3;
	s13 =	simm.s32 $0x8;
	s16 =	simm.s32 $0x0  }
0x8: {  	s5 =	sand.u32 $0x1, s3;
	s3 =	simm.s32 $0x0;
	s8 =	smul.u32 $0xA000, s12  }
0x9: {  	s26 =	sshll.u32 s12, $0x6;
	s4 =	sshll.u32 s5, $0x4;
	[smem:$0x7FF] =	sst s3  }
0xa: {  	s7 =	ssub.s32 $0x2, s5;
	s10 =	smul.u32 $0xA0000, s5;
	s4 =	sor.u32 s12, s4  }
0xb: {  	_ =	strace $0x8000004D;
	s23 =	sshrl.u32 s7, $0x1;
	s25 =	sshrl.u32 s8, $0x1  }
0xc: {  	s12 =	simm.s32 $0x9;
	s6 =	smul.u32 $0x280, s4;
	s4 =	sadd.s32 $0xE000, s0  }
0xd: {  	s24 =	ssub.s32 s7, s23;
	s11 =	sadd.s32 s25, s1;
	s8 =	sadd.s32 s8, s10  }
.Ltmp0:
0xe: {  	s10 =	sshrl.u32 s8, $0x4;
	s11 =	sshrl.u32 s11, $0x3;
	(pc) =	sbr.rel .LBB2_1-.Ltmp0, $4  }
0xf: {  	s9 =	sadd.s32 s6, s0;
	s0 =	sadd.s32 $0x2000, s0;
	s6 =	sor.u32 $0x1C09, s26  }
0x10: {  	s26 =	simm.s32 $0x8800;
	[dreg:$0x4] =	wrdreg s0;
	s28 =	sadd.s32 $0x4000, s9  }
0x11: {  	s8 =	sadd.s32 $0x9000, s9;
	s9 =	sadd.s32 s2, s10;
	s10 =	smax.u32 s24, $0x1  }
0x12: {  	s0 =	simm.s32 $0x5;
	s2 =	simm.s32 $0x7;
	[dreg:$0x5] =	wrdreg s28  }
.LBB2_4:
0x13: {  	_ =	swait.ge [sflag:s13], $0x1000  }
0x14: {  	[sflag:s13] =	ssyncset.done $0x0  }
0x15: {  	[sflag:s13] =	ssyncadd.s32 $0xFFFFF000  }
0x16: {  	[spmem:s1] =	stream.indirect.scatter.add.bf16 [tilespmem:s29], [sflag:$0x9], $0x20, s20, s14, $0xb8;
	[tilespmem:$0xF800] =	vst v63  }
0x17: {  	_ =	swait.ge [sflag:s12], $0x1000  }
0x18: {  	s16 =	sadd.s32 $0x1, s16;
	[sflag:s12] =	ssyncset.done $0x0  }
0x19: {  	p0 =	sne.s32 s16, s10;
	[sflag:s12] =	ssyncadd.s32 $0xFFFFF000  }
.Ltmp1:
0x1a: {  	[bflag:$0x0] =	sbarrier.arrive $0xFFFF;
	(pc) =	sbr.rel @!p0 .LBB2_5-.Ltmp1, $4  }
0x1b: {  	[hbm:s9], [sflag:s6] =	dma.local [spmem:s11], $0xA00  }
0x1c: {  	_ =	swait.ge [sflag:s12], $0xA00  }
0x1d: {  	[sflag:s12] =	ssyncset.done $0x0  }
0x1e: {  	[sflag:s12] =	ssyncadd.s32 $0xFFFFF600  }
.LBB2_1:
0x1f: {  	s5 =	rddreg [dreg:$0x4]  }
0x20: {  	[spmem:s11], [sflag:s6] =	dma.local [hbm:s5], $0xA00  }
0x21: {  	_ =	swait.ge [sflag:s12], $0xA00  }
0x22: {  	[sflag:s12] =	ssyncset.done $0x0  }
0x23: {  	s28 =	rddreg [dreg:$0x5];
	[sflag:s12] =	ssyncadd.s32 $0xFFFFF600  }
0x24: {  	[tilespmem:s3], [sflag:$0x9] =	stream.linear.gather [hbm4b:s28+s3], $0x1400, $0x38;
	[tilespmem:$0xF800] =	vst v63  }
0x25: {  	_ =	swait.ge [sflag:s12], $0x1400  }
0x26: {  	[sflag:s12] =	ssyncset.done $0x0  }
0x27: {  	s7 =	simm.s32 $0x1400;
	[sflag:s12] =	ssyncadd.s32 $0xFFFFEC00  }
0x28: {  	[tilespmem:s7], [sflag:$0x9] =	stream.linear.gather [hbm4b:s8+s3], $0x1400, $0x38;
	[tilespmem:$0xF800] =	vst v63  }
0x29: {  	_ =	swait.ge [sflag:s12], $0x1400  }
0x2a: {  	[sflag:s12] =	ssyncset.done $0x0  }
0x2b: {  	[sflag:s12] =	ssyncadd.s32 $0xFFFFEC00  }
0x2c: {  	[bflag:$0x0] =	sbarrier.arrive $0xFFFF  }
0x2d: {  	[tilespmem:s15], [sflag:$0x1] =	stream.indirect.gather [hbm4b:s4+s14], $0x20, s3, s14, $0xb8;
	[tilespmem:$0xF800] =	vst v63  }
0x2e: {  	s17 =	simm.s32 $0x3800  }
0x2f: {  	[tilespmem:s17], [sflag:$0x2] =	stream.indirect.gather [hbm4b:s4+s14], $0x20, s14, s14, $0xb8;
	[tilespmem:$0xF800] =	vst v63  }
0x30: {  	s19 =	simm.s32 $0x100  }
0x31: {  	[tilespmem:s18], [sflag:$0x3] =	stream.indirect.gather [hbm4b:s4+s14], $0x20, s19, s14, $0xb8;
	[tilespmem:$0xF800] =	vst v63  }
0x32: {  	s20 =	simm.s32 $0x180;
	s7 =	simm.s32 $0x5800  }
0x33: {  	[tilespmem:s7], [sflag:$0x4] =	stream.indirect.gather [hbm4b:s4+s14], $0x20, s20, s14, $0xb8;
	[tilespmem:$0xF800] =	vst v63  }
0x34: {  	s21 =	simm.s32 $0x200  }
0x35: {  	[tilespmem:s22], [sflag:$0x5] =	stream.indirect.gather [hbm4b:s4+s14], $0x20, s21, s14, $0xb8;
	[tilespmem:$0xF800] =	vst v63  }
0x36: {  	s23 =	simm.s32 $0x280;
	s24 =	simm.s32 $0x7800  }
0x37: {  	[tilespmem:s24], [sflag:$0x6] =	stream.indirect.gather [hbm4b:s4+s14], $0x20, s23, s14, $0xb8;
	[tilespmem:$0xF800] =	vst v63  }
0x38: {  	s25 =	simm.s32 $0x300  }
0x39: {  	[tilespmem:s26], [sflag:$0x7] =	stream.indirect.gather [hbm4b:s4+s14], $0x20, s25, s14, $0xb8;
	[tilespmem:$0xF800] =	vst v63  }
0x3a: {  	s28 =	simm.s32 $0x380;
	s17 =	simm.s32 $0x0  }
0x3b: {  	[tilespmem:s29], [sflag:$0x8] =	stream.indirect.gather [hbm4b:s4+s14], $0x20, s28, s14, $0xb8;
	[tilespmem:$0xF800] =	vst v63  }
.LBB2_2:
0x3c: {  	_ =	swait.ge [sflag:s30], $0x1000  }
0x3d: {  	s19 =	sshra.s32 s17, $0x2;
	[sflag:s30] =	ssyncset.done $0x0  }
0x3e: {  	s20 =	sadd.s32 $0x1400, s19;
	[sflag:s30] =	ssyncadd.s32 $0xFFFFF000  }
0x3f: {  	[spmem:s1] =	stream.indirect.scatter.add.bf16 [tilespmem:s15], [sflag:$0x9], $0x20, s20, s14, $0xb8;
	[tilespmem:$0xF800] =	vst v63  }
0x40: {  	_ =	swait.ge [sflag:s12], $0x1000  }
0x41: {  	p0 =	seq.s32 s17, $0x4000;
	[sflag:s12] =	ssyncset.done $0x0  }
0x42: {  	s20 =	simm.s32 @p0 $0x2;
	[sflag:s12] =	ssyncadd.s32 $0xFFFFF000  }
0x43: {  	s23 =	sshra.s32 @p0 s17, $0x2;
	_ =	swait.ge @p0 [sflag:s20], $0x1000  }
0x44: {  	s24 =	simm.s32 @p0 $0x80;
	s21 =	simm.s32 @p0 $0x3800;
	[sflag:s20] =	ssyncset.done @p0 $0x0  }
0x45: {  	s25 =	simm.s32 @p0 $0x9;
	[sflag:s20] =	ssyncadd.s32 @p0 $0xFFFFF000;
	s20 =	sadd.s32 @p0 $0x1480, s23  }
0x46: {  	[spmem:s1] =	stream.indirect.scatter.add.bf16 @p0 [tilespmem:s21], [sflag:$0x9], $0x20, s20, s24, $0xb8;
	[tilespmem:$0xF800] =	vst v63  }
0x47: {  	_ =	swait.ge @p0 [sflag:s25], $0x1000  }
0x48: {  	s5 =	simm.s32 @!p0 $0x2800;
	s20 =	sshra.s32 @!p0 s17, $0x2;
	[sflag:s25] =	ssyncset.done @p0 $0x0  }
0x49: {  	s21 =	simm.s32 @!p0 $0x80;
	s28 =	sadd.s32 @!p0 $0x400, s20;
	[sflag:s25] =	ssyncadd.s32 @p0 $0xFFFFF000  }
0x4a: {  	[tilespmem:s5], [sflag:$0x1] =	stream.indirect.gather @!p0 [hbm4b:s4+s21], $0x20, s28, s21, $0xb8;
	[tilespmem:$0xF800] =	vst v63  }
0x4b: {  	s5 =	simm.s32 @!p0 $0x2  }
0x4c: {  	_ =	swait.ge @!p0 [sflag:s5], $0x1000  }
0x4d: {  	s7 =	simm.s32 @!p0 $0x3800;
	[sflag:s5] =	ssyncset.done @!p0 $0x0  }
0x4e: {  	s28 =	simm.s32 @!p0 $0x9;
	[sflag:s5] =	ssyncadd.s32 @!p0 $0xFFFFF000;
	s5 =	sadd.s32 @!p0 $0x1480, s20  }
0x4f: {  	[spmem:s1] =	stream.indirect.scatter.add.bf16 @!p0 [tilespmem:s7], [sflag:$0x9], $0x20, s5, s21, $0xb8;
	[tilespmem:$0xF800] =	vst v63  }
0x50: {  	_ =	swait.ge @!p0 [sflag:s28], $0x1000  }
0x51: {  	[sflag:s28] =	ssyncset.done @!p0 $0x0  }
0x52: {  	s5 =	sadd.s32 @!p0 $0x480, s20;
	[sflag:s28] =	ssyncadd.s32 @!p0 $0xFFFFF000  }
0x53: {  	[tilespmem:s7], [sflag:$0x2] =	stream.indirect.gather @!p0 [hbm4b:s4+s21], $0x20, s5, s21, $0xb8;
	[tilespmem:$0xF800] =	vst v63  }
0x54: {  	_ =	swait.ge [sflag:s31], $0x1000  }
0x55: {  	[sflag:s31] =	ssyncset.done $0x0  }
0x56: {  	s7 =	sadd.s32 $0x1500, s19;
	[sflag:s31] =	ssyncadd.s32 $0xFFFFF000  }
0x57: {  	[spmem:s1] =	stream.indirect.scatter.add.bf16 [tilespmem:s18], [sflag:$0x9], $0x20, s7, s14, $0xb8;
	[tilespmem:$0xF800] =	vst v63  }
0x58: {  	_ =	swait.ge [sflag:s12], $0x1000  }
0x59: {  	[sflag:s12] =	ssyncset.done $0x0  }
0x5a: {  	s5 =	simm.s32 @p0 $0x4;
	[sflag:s12] =	ssyncadd.s32 $0xFFFFF000  }
0x5b: {  	_ =	swait.ge @p0 [sflag:s5], $0x1000  }
0x5c: {  	[sflag:s5] =	ssyncset.done @p0 $0x0  }
0x5d: {  	s7 =	simm.s32 @p0 $0x5800;
	[sflag:s5] =	ssyncadd.s32 @p0 $0xFFFFF000;
	s5 =	sadd.s32 @p0 $0x1580, s23  }
0x5e: {  	[spmem:s1] =	stream.indirect.scatter.add.bf16 @p0 [tilespmem:s7], [sflag:$0x9], $0x20, s5, s24, $0xb8;
	[tilespmem:$0xF800] =	vst v63  }
0x5f: {  	_ =	swait.ge @p0 [sflag:s25], $0x1000  }
0x60: {  	[sflag:s25] =	ssyncset.done @p0 $0x0  }
0x61: {  	s5 =	sadd.s32 @!p0 $0x500, s20;
	s7 =	simm.s32 @!p0 $0x4800;
	[sflag:s25] =	ssyncadd.s32 @p0 $0xFFFFF000  }
0x62: {  	[tilespmem:s7], [sflag:$0x3] =	stream.indirect.gather @!p0 [hbm4b:s4+s21], $0x20, s5, s21, $0xb8;
	[tilespmem:$0xF800] =	vst v63  }
0x63: {  	s5 =	simm.s32 @!p0 $0x4  }
0x64: {  	_ =	swait.ge @!p0 [sflag:s5], $0x1000  }
0x65: {  	[sflag:s5] =	ssyncset.done @!p0 $0x0  }
0x66: {  	s7 =	simm.s32 @!p0 $0x5800;
	[sflag:s5] =	ssyncadd.s32 @!p0 $0xFFFFF000;
	s5 =	sadd.s32 @!p0 $0x1580, s20  }
0x67: {  	[spmem:s1] =	stream.indirect.scatter.add.bf16 @!p0 [tilespmem:s7], [sflag:$0x9], $0x20, s5, s21, $0xb8;
	[tilespmem:$0xF800] =	vst v63  }
0x68: {  	_ =	swait.ge @!p0 [sflag:s28], $0x1000  }
0x69: {  	[sflag:s28] =	ssyncset.done @!p0 $0x0  }
0x6a: {  	s5 =	sadd.s32 @!p0 $0x580, s20;
	[sflag:s28] =	ssyncadd.s32 @!p0 $0xFFFFF000  }
0x6b: {  	[tilespmem:s7], [sflag:$0x4] =	stream.indirect.gather @!p0 [hbm4b:s4+s21], $0x20, s5, s21, $0xb8;
	[tilespmem:$0xF800] =	vst v63  }
0x6c: {  	_ =	swait.ge [sflag:s0], $0x1000  }
0x6d: {  	[sflag:s0] =	ssyncset.done $0x0  }
0x6e: {  	s7 =	sadd.s32 $0x1600, s19;
	[sflag:s0] =	ssyncadd.s32 $0xFFFFF000  }
0x6f: {  	[spmem:s1] =	stream.indirect.scatter.add.bf16 [tilespmem:s22], [sflag:$0x9], $0x20, s7, s14, $0xb8;
	[tilespmem:$0xF800] =	vst v63  }
0x70: {  	_ =	swait.ge [sflag:s12], $0x1000  }
0x71: {  	[sflag:s12] =	ssyncset.done $0x0  }
0x72: {  	s5 =	simm.s32 @p0 $0x6;
	[sflag:s12] =	ssyncadd.s32 $0xFFFFF000  }
0x73: {  	_ =	swait.ge @p0 [sflag:s5], $0x1000  }
0x74: {  	[sflag:s5] =	ssyncset.done @p0 $0x0  }
0x75: {  	s7 =	simm.s32 @p0 $0x7800;
	[sflag:s5] =	ssyncadd.s32 @p0 $0xFFFFF000;
	s5 =	sadd.s32 @p0 $0x1680, s23  }
0x76: {  	[spmem:s1] =	stream.indirect.scatter.add.bf16 @p0 [tilespmem:s7], [sflag:$0x9], $0x20, s5, s24, $0xb8;
	[tilespmem:$0xF800] =	vst v63  }
0x77: {  	_ =	swait.ge @p0 [sflag:s25], $0x1000  }
0x78: {  	[sflag:s25] =	ssyncset.done @p0 $0x0  }
0x79: {  	s5 =	sadd.s32 @!p0 $0x600, s20;
	s7 =	simm.s32 @!p0 $0x6800;
	[sflag:s25] =	ssyncadd.s32 @p0 $0xFFFFF000  }
0x7a: {  	[tilespmem:s7], [sflag:$0x5] =	stream.indirect.gather @!p0 [hbm4b:s4+s21], $0x20, s5, s21, $0xb8;
	[tilespmem:$0xF800] =	vst v63  }
0x7b: {  	s5 =	simm.s32 @!p0 $0x6  }
0x7c: {  	_ =	swait.ge @!p0 [sflag:s5], $0x1000  }
0x7d: {  	[sflag:s5] =	ssyncset.done @!p0 $0x0  }
0x7e: {  	s7 =	simm.s32 @!p0 $0x7800;
	[sflag:s5] =	ssyncadd.s32 @!p0 $0xFFFFF000;
	s5 =	sadd.s32 @!p0 $0x1680, s20  }
0x7f: {  	[spmem:s1] =	stream.indirect.scatter.add.bf16 @!p0 [tilespmem:s7], [sflag:$0x9], $0x20, s5, s21, $0xb8;
	[tilespmem:$0xF800] =	vst v63  }
0x80: {  	_ =	swait.ge @!p0 [sflag:s28], $0x1000  }
0x81: {  	[sflag:s28] =	ssyncset.done @!p0 $0x0  }
0x82: {  	s5 =	sadd.s32 @!p0 $0x680, s20;
	[sflag:s28] =	ssyncadd.s32 @!p0 $0xFFFFF000  }
0x83: {  	[tilespmem:s7], [sflag:$0x6] =	stream.indirect.gather @!p0 [hbm4b:s4+s21], $0x20, s5, s21, $0xb8;
	[tilespmem:$0xF800] =	vst v63  }
0x84: {  	_ =	swait.ge [sflag:s2], $0x1000  }
0x85: {  	[sflag:s2] =	ssyncset.done $0x0  }
.Ltmp2:
0x86: {  	s28 =	sadd.s32 $0x1700, s19;
	[sflag:s2] =	ssyncadd.s32 $0xFFFFF000;
	(pc) =	sbr.rel @p0 .LBB2_4-.Ltmp2, $4  }
0x87: {  	[spmem:s1] =	stream.indirect.scatter.add.bf16 [tilespmem:s26], [sflag:$0x9], $0x20, s28, s14, $0xb8;
	[tilespmem:$0xF800] =	vst v63  }
0x88: {  	_ =	swait.ge [sflag:s12], $0x1000  }
0x89: {  	[sflag:s12] =	ssyncset.done $0x0  }
0x8a: {  	s20 =	sadd.s32 $0x1780, s19;
	[sflag:s12] =	ssyncadd.s32 $0xFFFFF000  }
0x8b: {  	s5 =	sadd.s32 $0x700, s19  }
0x8c: {  	[tilespmem:s26], [sflag:$0x7] =	stream.indirect.gather [hbm4b:s4+s14], $0x20, s5, s14, $0xb8;
	[tilespmem:$0xF800] =	vst v63  }
0x8d: {  	_ =	swait.ge [sflag:s13], $0x1000  }
0x8e: {  	[sflag:s13] =	ssyncset.done $0x0  }
0x8f: {  	[sflag:s13] =	ssyncadd.s32 $0xFFFFF000  }
0x90: {  	[spmem:s1] =	stream.indirect.scatter.add.bf16 [tilespmem:s29], [sflag:$0x9], $0x20, s20, s14, $0xb8;
	[tilespmem:$0xF800] =	vst v63  }
.Ltmp3:
0x91: {  	_ = 	snop;
	(pc) =	sbr.rel .LBB2_2-.Ltmp3, $4  }
0x92: {  	_ =	swait.ge [sflag:s12], $0x1000  }
0x93: {  	[sflag:s12] =	ssyncset.done $0x0  }
0x94: {  	s28 =	sadd.s32 $0x780, s19;
	s17 =	sadd.s32 $0x1000, s17;
	[sflag:s12] =	ssyncadd.s32 $0xFFFFF000  }
0x95: {  	[tilespmem:s29], [sflag:$0x8] =	stream.indirect.gather [hbm4b:s4+s14], $0x20, s28, s14, $0xb8;
	[tilespmem:$0xF800] =	vst v63  }
.LBB2_5:
0x96: {  	_ =	sfence.sel $0x180000  }
0x97: {  	[bflag:$0x0] =	sbarrier.arrive $0xFFFF  }
0x98: {  	_ =	strace $0x9000004D  }
0x99: {  	s0 =	stileid.u32;
	[bflag:$0x2] =	sbarrier.arrive $0xFFFF  }
0x9a: {  	p0 =	sne.s32 s0, $0x0;
	s0 =	rddreg [dreg:$0x3]  }
0x9b: {  	s0 =	sadd.s32 @!p0 $0x100000, s0  }
0x9c: {  	[sflag:s0] =	ssyncadd.tile.s32 @!p0 $0x1;
	_ =	shalt  }
.Lfunc_end2:
_tile_overlayer_lowered:
.L_overlay_start_2:
0x9d: {  	(tag) =	ssettag $0x2  }
0x9e: {  	s0 =	rddreg [dreg:$0x0];
	s2 =	stileid.u32  }
0x9f: {  	s1 =	rddreg [dreg:$0x1];
	p0 =	sne.s32 s2, $0x0  }
0xa0: {  	s3 =	rddreg [dreg:$0x2];
	[bflag:$0x3] =	sbarrier.arrive $0xFFFF;
	s2 =	simm.s32 @!p0 $0x1C09  }
0xa1: {  	[timem:s3], [sflag:s2] =	dma.local @!p0 [hbm:s0], s1  }
0xa2: {  	s0 =	simm.s32 @!p0 $0x9  }
0xa3: {  	_ =	swait.ge @!p0 [sflag:s0], s1  }
0xa4: {  	s1 =	ssub.s32 @!p0 $0x0, s1;
	[sflag:s0] =	ssyncset.done @!p0 $0x0  }
0xa5: {  	[sflag:s0] =	ssyncadd.s32 @!p0 s1  }
0xa6: {  	[bflag:$0x3] =	sbarrier.arrive $0xFFFF  }
0xa7: {  	_ =	shalt  }

// kernel: kernel.8.cloned.1.call-start
scs
__scs_entry_jumppad:
0x0: {  	(pc) =	sbr.rel $0x88, $3  }
0x1: {  	(tag) =	ssettag $0x0;
	lr =	simm.s32 $0x1  }
0x2: {  	[smem:$0x3F95] =	sst lr;
	_ =	strace $0xD0000000  }
0x3: {  	_ = 	snop  }
0x4: {  	_ = 	snop  }
0x5: {  	_ = 	snop  }
0x6: {  	_ = 	snop  }
0x7: {  	_ = 	snop  }
__scs_overlays_trampoline_lowered:
0x8: {  	[smem:$0x3FA4] =	sst s0  }
0x9: {  	[smem:$0x3FA5] =	sst s1  }
0xa: {  	[smem:$0x3FA6] =	sst s2  }
0xb: {  	[smem:$0x3FA7] =	sst s3  }
0xc: {  	[smem:$0x3FA8] =	sst s4  }
0xd: {  	[smem:$0x3FA9] =	sst s5  }
0xe: {  	[smem:$0x3FAA] =	sst s6  }
0xf: {  	[smem:$0x3FAB] =	sst s7  }
0x10: {  	[smem:$0x3FAC] =	sst s8  }
0x11: {  	[smem:$0x3FAD] =	sst s9;
	s0 =	simm.s32 @!p0 $0x0  }
0x12: {  	s1 =	sld [smem:$0x3F93];
	s0 =	simm.s32 @p0 $0x1  }
0x13: {  	[smem:$0x3FAE] =	sst s0;
	s0 =	simm.s32 @!p1 $0x0  }
0x14: {  	s2 =	sld [smem:$0x3F92];
	s0 =	simm.s32 @p1 $0x1  }
0x15: {  	[smem:$0x3FAF] =	sst s0;
	s0 =	simm.s32 @!p2 $0x0  }
0x16: {  	s3 =	sld [smem:$0x3FDB];
	s0 =	simm.s32 @p2 $0x1  }
0x17: {  	s4 =	simm.s32 $0x1BF5;
	[smem:$0x3FB1] =	sst s0  }
0x18: {  	s0 =	sld [smem:$0x3F94];
	_ =	swait.ge [sflag:s4], $0x0  }
0x19: {  	s7 =	sld [smem:$0x3F95]  }
0x1a: {  	s8 =	sadd.s32 $0xFFFFE003, lr  }
0x1b: {  	s9 =	sadd.s32 $0xFFFFFEF7, lr;
	s5 =	simm.s32 $0xFFFFFFFF;
	p2 =	slt.u32 s8, $0xFFFFF086  }
0x1c: {  	p1 =	slt.u32 s9, $0xF7A;
	s5 =	simm.s32 @!p2 $0x0  }
0x1d: {  	s5 =	simm.s32 @p1 $0x1;
	p0 =	seq.s32 s7, s2  }
0x1e: {  	s7 =	smul.u32 @!p0 $0xF7A, s2;
	p2 =	seq.s32 @!p0 s5, $0x0  }
0x1f: {  	s9 =	smul.u32 $0xF7A, s1;
	s8 =	simm.s32 @!p0 $0x1BF5;
	p2 =	por !p2, p0  }
0x20: {  	[sflag:s8] =	ssyncset.s32 @!p0 $0xFFFFF086;
	s6 =	sadd.s32 @!p0 s3, s7;
	s7 =	simm.s32 @!p0 $0x108  }
0x21: {  	s3 =	sadd.s32 s3, s9;
	s6 =	sadd.s32 @!p0 $0x88, s6;
	s7 =	simm.s32 @p2 $0x1082  }
0x22: {  	[simem:s7], [sflag:s8] =	dma.local @!p0 [hbm:s6], $0xF7A  }
0x23: {  	s9 =	sor.u32 $0xD0000000, s2;
	s6 =	simm.s32 $0x108;
	_ =	swait.ge @!p0 [sflag:s8], $0x0  }
0x24: {  	s3 =	sadd.s32 $0x88, s3;
	s6 =	simm.s32 @!p1 $0x1082;
	[sflag:s4] =	ssyncset.s32 $0xFFFFF086  }
0x25: {  	[simem:s6], [sflag:s4] =	dma.local [hbm:s3], $0xF7A  }
0x26: {  	[smem:$0x3F95] =	sst s1;
	(tag) =	ssettag s2;
	_ =	strace s9  }
0x27: {  	s1 =	sld [smem:$0x3FA5]  }
0x28: {  	s2 =	sld [smem:$0x3FA6]  }
0x29: {  	s4 =	sld [smem:$0x3FA8]  }
0x2a: {  	p0 =	seq.s32 s5, $0x0;
	s5 =	sld [smem:$0x3FA9]  }
0x2b: {  	s6 =	sld [smem:$0x3FAA]  }
0x2c: {  	s7 =	sld [smem:$0x3FAB]  }
0x2d: {  	s3 =	simm.s32 $0x108;
	s8 =	sld [smem:$0x3FAC]  }
0x2e: {  	s3 =	simm.s32 @!p0 $0x1082;
	s9 =	sld [smem:$0x3FAD]  }
0x2f: {  	lr =	sadd.s32 s0, s3;
	s0 =	sld [smem:$0x3FA4]  }
0x30: {  	s3 =	sld [smem:$0x3FA7]  }
0x31: {  	[smem:$0x3FB0] =	sst s10  }
0x32: {  	s10 =	sld [smem:$0x3FAE];
	_ =	sdelay $0x3  }
0x33: {  	p0 =	seq.s32 s10, $0x1;
	s10 =	sld [smem:$0x3FB0];
	_ =	sdelay $0x3  }
0x34: {  	[smem:$0x3FB0] =	sst s10  }
0x35: {  	s10 =	sld [smem:$0x3FAF];
	_ =	sdelay $0x3  }
0x36: {  	p1 =	seq.s32 s10, $0x1;
	s10 =	sld [smem:$0x3FB0];
	_ =	sdelay $0x3  }
0x37: {  	[smem:$0x3FB0] =	sst s10  }
0x38: {  	s10 =	sld [smem:$0x3FB1]  }
0x39: {  	_ = 	snop;
	(pc) =	sbr.ind lr, $3  }
0x3a: {  	_ = 	snop  }
0x3b: {  	_ = 	snop  }
0x3c: {  	p2 =	seq.s32 s10, $0x1;
	s10 =	sld [smem:$0x3FB0]  }
0x3d: {  	_ =	shalt  }
0x3e: {  	_ =	shalt  }
0x3f: {  	_ =	shalt  }
0x40: {  	_ =	shalt  }
0x41: {  	_ =	shalt  }
0x42: {  	_ =	shalt  }
0x43: {  	_ =	shalt  }
0x44: {  	_ =	shalt  }
0x45: {  	_ =	shalt  }
0x46: {  	_ =	shalt  }
0x47: {  	_ =	shalt  }
0x48: {  	_ =	shalt  }
0x49: {  	_ =	shalt  }
0x4a: {  	_ =	shalt  }
0x4b: {  	_ =	shalt  }
0x4c: {  	_ =	shalt  }
0x4d: {  	_ =	shalt  }
0x4e: {  	_ =	shalt  }
0x4f: {  	_ =	shalt  }
0x50: {  	_ =	shalt  }
0x51: {  	_ =	shalt  }
0x52: {  	_ =	shalt  }
0x53: {  	_ =	shalt  }
0x54: {  	_ =	shalt  }
0x55: {  	_ =	shalt  }
0x56: {  	_ =	shalt  }
0x57: {  	_ =	shalt  }
0x58: {  	_ =	shalt  }
0x59: {  	_ =	shalt  }
0x5a: {  	_ =	shalt  }
0x5b: {  	_ =	shalt  }
0x5c: {  	_ =	shalt  }
0x5d: {  	_ =	shalt  }
0x5e: {  	_ =	shalt  }
0x5f: {  	_ =	shalt  }
0x60: {  	_ =	shalt  }
0x61: {  	_ =	shalt  }
0x62: {  	_ =	shalt  }
0x63: {  	_ =	shalt  }
0x64: {  	_ =	shalt  }
0x65: {  	_ =	shalt  }
0x66: {  	_ =	shalt  }
0x67: {  	_ =	shalt  }
0x68: {  	_ =	shalt  }
0x69: {  	_ =	shalt  }
0x6a: {  	_ =	shalt  }
0x6b: {  	_ =	shalt  }
0x6c: {  	_ =	shalt  }
0x6d: {  	_ =	shalt  }
0x6e: {  	_ =	shalt  }
0x6f: {  	_ =	shalt  }
0x70: {  	_ =	shalt  }
0x71: {  	_ =	shalt  }
0x72: {  	_ =	shalt  }
0x73: {  	_ =	shalt  }
0x74: {  	_ =	shalt  }
0x75: {  	_ =	shalt  }
0x76: {  	_ =	shalt  }
0x77: {  	_ =	shalt  }
0x78: {  	_ =	shalt  }
0x79: {  	_ =	shalt  }
0x7a: {  	_ =	shalt  }
0x7b: {  	_ =	shalt  }
0x7c: {  	_ =	shalt  }
0x7d: {  	_ =	shalt  }
0x7e: {  	_ =	shalt  }
0x7f: {  	_ =	shalt  }
0x80: {  	_ =	shalt  }
0x81: {  	_ =	shalt  }
0x82: {  	_ =	shalt  }
0x83: {  	_ =	shalt  }
0x84: {  	_ =	shalt  }
0x85: {  	_ =	shalt  }
0x86: {  	_ =	shalt  }
0x87: {  	_ =	shalt  }
.Lfunc_end0:
.L_simem_size_0:
called_computation_lowered:
.L_overlay_start_0:
0x88: {  	s2 =	sld [smem:$0x3FD9]  }
0x89: {  	s3 =	sld [smem:$0x3FFE];
	_ =	sdelay $0x1  }
0x8a: {  	s1 =	srdreg.scid  }
0x8b: {  	s0 =	sand.u32 $0x1, s1  }
0x8c: {  	s17 =	sshll.u32 s0, $0xA;
	s2 =	sadd.s32 s3, s2  }
0x8d: {  	s2 =	sadd.s32 s2, s17  }
0x8e: {  	[smem:$0x3FBC] =	sst s2  }
0x8f: {  	_ = 	snop  }
0x90: {  	s2 =	sld [smem:$0x3FD0];
	(tm) =	ssettm $0x1  }
0x91: {  	s18 =	sld [smem:$0x3FFB];
	_ =	sdelay $0x3  }
0x92: {  	_ =	strace s18  }
0x93: {  	s3 =	sld [smem:$0x3FFC];
	_ =	sdelay $0x3  }
0x94: {  	_ =	strace s3  }
0x95: {  	s3 =	sld [smem:$0x3FFD];
	_ =	sdelay $0x3  }
0x96: {  	_ =	strace s3  }
0x97: {  	_ =	strace $0x8FFFFFFF  }
0x98: {  	s19 =	sld [smem:$0x3FDB];
	_ =	sdelay $0x1  }
0x99: {  	s4 =	simm.s32 $_scs_section_size  }
0x9a: {  	s5 =	simm.s32 $_size__tile_overlayer_lowered;
	s6 =	simm.s32 $_tile_overlayer_lowered  }
0x9b: {  	s22 =	simm.s32 $0x1BFF;
	s21 =	sshll.u32 s6, $0x1;
	s3 =	sadd.s32 s4, s19  }
0x9c: {  	s7 =	simm.s32 $0x0;
	s20 =	sshll.u32 s5, $0x1;
	s5 =	sadd.s32 s21, s3  }
0x9d: {  	[timem:s7], [sflag:s22] =	dma.local [hbm:s5], s20  }
0x9e: {  	_ =	swait.ge [sflag:s22], s20  }
0x9f: {  	s4 =	ssub.s32 $0x0, s20;
	[sflag:s22] =	ssyncset.done $0x0  }
0xa0: {  	[sflag:s22] =	ssyncadd.s32 s4;
	_ =	sdelay $0x1  }
0xa1: {  	s23 =	simm.s32 $0x1B8B  }
0xa2: {  	_ =	swait.ge [sflag:s23], $0x1  }
0xa3: {  	[sflag:s23] =	ssyncset.done $0x0  }
0xa4: {  	s25 =	simm.s32 $0x1B8E;
	s24 =	sld [smem:$0x3FFE];
	[sflag:s23] =	ssyncadd.s32 $0xFFFFFFFF  }
0xa5: {  	s26 =	simm.s32 $execute0_lowered;
	[smem:$0x3FD2] =	sst s25  }
0xa6: {  	s5 =	sshll.u32 s26, $0x1;
	_ =	strace $0x80000046;
	[dreg:$0x1] =	wrdreg $0xFFFFFFFF  }
0xa7: {  	s28 =	simm.s32 $_size_execute0_lowered;
	s3 =	sadd.s32 s3, s5;
	[dreg:$0x0] =	wrdreg $0x0  }
0xa8: {  	s5 =	sshll.u32 s28, $0x1;
	[dreg:$0x2] =	wrdreg s3  }
0xa9: {  	[dreg:$0x3] =	wrdreg s5  }
0xaa: {  	[dreg:$0x4] =	wrdreg $0xC0  }
0xab: {  	_ =	task [dreg:s7], $0x5FFFF  }
0xac: {  	[dreg:$0x1] =	wrdreg $0xFFFFFFFF  }
0xad: {  	[dreg:$0x0] =	wrdreg $0x60  }
0xae: {  	[dreg:$0x2] =	wrdreg s2  }
0xaf: {  	[dreg:$0x3] =	wrdreg s24  }
0xb0: {  	[dreg:$0x4] =	wrdreg $0x14800  }
0xb1: {  	[dreg:$0x5] =	wrdreg $0x9  }
0xb2: {  	_ =	task.clear_ibuf [dreg:s7], $0x6FFFF;
	_ =	strace $0x90000046  }
0xb3: {  	s29 =	simm.s32 $0x9;
	_ =	strace $0x80000048  }
0xb4: {  	_ =	swait.ge [sflag:s29], $0x1  }
0xb5: {  	[sflag:s29] =	ssyncadd.s32 $0xFFFFFFFF  }
0xb6: {  	_ =	strace $0x90000048  }
0xb7: {  	_ =	sfence  }
0xb8: {  	s30 =	sld [smem:$0x0];
	_ =	sdelay $0x2  }
0xb9: {  	s31 =	sshll.u32 s1, $0xD;
	s1 =	sshrl.u32 s1, $0x2  }
0xba: {  	s3 =	sand.u32 $0x4000, s31;
	s1 =	sadd.s32 s1, s30  }
0xbb: {  	s0 =	sor.u32 s3, s0;
	s1 =	sshll.u32 s1, $0x11  }
0xbc: {  	s0 =	sor.u32 s1, s0  }
0xbd: {  	s0 =	sadd.s32 $0x8F2B, s0  }
0xbe: {  	[sflag:s0] =	ssyncadd.remote.s32 $0x1  }
0xbf: {  	_ =	sfence.sel $0xFFFF  }
0xc0: {  	[dreg:$0x0] =	wrdreg $0xFFFFFFFF;
	(pc) =	sbr.abs _section_cstart, $3  }
0xc1: {  	[dreg:$0x1] =	wrdreg $0xFFFFFFFF  }
0xc2: {  	_ =	task.clear_ibuf [dreg:s7], $0x2FFFF;
	_ =	strace $0x9FFFFFFF  }
0xc3: {  	(tm) =	ssettm $0x7FFFFFFF  }
tec
execute0_lowered:
.L_overlay_start_1:
0x0: {  	(tag) =	ssettag $0x1  }
0x1: {  	s6 =	rddreg [dreg:$0x0]  }
0x2: {  	s5 =	rddreg [dreg:$0x1]  }
0x3: {  	s2 =	rddreg [dreg:$0x2]  }
0x4: {  	s0 =	rddreg [dreg:$0x3]  }
0x5: {  	s4 =	srdreg.scid;
	s1 =	stileid.u32;
	s3 =	simm.s32 $0x0  }
0x6: {  	s12 =	simm.s32 $0x1400;
	s13 =	simm.s32 $0x20;
	s14 =	simm.s32 $0x10  }
0x7: {  	s15 =	simm.s32 $0x0;
	s7 =	sand.u32 $0x1, s4;
	s28 =	smul.u32 $0x500, s1  }
0x8: {  	[smem:$0x7FF] =	sst s3;
	s4 =	sadd.s32 $0x2000, s5;
	s10 =	smul.u32 $0xA00, s1  }
0x9: {  	s31 =	sshll.u32 s1, $0x6;
	s8 =	sshll.u32 s7, $0x7;
	_ =	strace $0x80000047  }
0xa: {  	s9 =	sshll.u32 s7, $0x4;
	s7 =	ssub.s32 $0x2, s7;
	s8 =	sor.u32 s8, s28  }
0xb: {  	s9 =	sor.u32 s1, s9;
	s29 =	sshrl.u32 s7, $0x1;
	s30 =	sshrl.u32 s10, $0x2  }
0xc: {  	s8 =	sshrl.u32 s8, $0x3;
	s9 =	smul.u32 $0x280, s9;
	s11 =	ssub.s32 s7, s29  }
0xd: {  	s10 =	sadd.s32 s30, s2;
	s8 =	sadd.s32 s8, s5;
	s5 =	sor.u32 $0x1C01, s31  }
0xe: {  	s6 =	sadd.s32 s6, s9;
	s7 =	sadd.s32 $0x2200, s8;
	s8 =	smax.u32 s11, $0x1  }
0xf: {  	v0 =	vimm.f32 $1.000000000e+00;
	s9 =	sshrl.u32 s10, $0x3;
	s10 =	simm.s32 $0x1;
	s11 =	simm.s32 $0x80  }
.LBB2_1:
0x10: {  	[spmem:s9], [sflag:s5] =	dma.local [hbm:s4], $0x50  }
0x11: {  	_ =	swait.ge [sflag:s10], $0x50  }
0x12: {  	[sflag:s10] =	ssyncset.done $0x0  }
0x13: {  	[sflag:s10] =	ssyncadd.s32 $0xFFFFFFB0  }
0x14: {  	[tilespmem:s3], [sflag:$0x1] =	stream.linear.gather [hbm4b:s6+s3], $0x1400, $0x38;
	[tilespmem:$0x1700] =	vst v63  }
0x15: {  	_ =	swait.ge [sflag:s10], $0x1400  }
0x16: {  	[sflag:s10] =	ssyncset.done $0x0  }
0x17: {  	[sflag:s10] =	ssyncadd.s32 $0xFFFFEC00  }
0x18: {  	[tilespmem:$0x1400] =	vst v0  }
0x19: {  	[tilespmem:$0x1410] =	vst v0  }
0x1a: {  	[tilespmem:$0x1420] =	vst v0  }
0x1b: {  	[tilespmem:$0x1430] =	vst v0  }
0x1c: {  	[tilespmem:$0x1440] =	vst v0  }
0x1d: {  	[tilespmem:$0x1450] =	vst v0  }
0x1e: {  	[tilespmem:$0x1460] =	vst v0  }
0x1f: {  	[tilespmem:$0x1470] =	vst v0  }
0x20: {  	s16 =	simm.s32 $0x0;
	[bflag:$0x0] =	sbarrier.arrive $0xFFFF  }
0x21: {  	[spmem:s2] =	stream.indirect.scatter.add.f32 [tilespmem:s12], [sflag:$0x1], $0x1, s16, s11, $0xb8;
	[tilespmem:$0x1700] =	vst v63  }
0x22: {  	_ =	swait.ge [sflag:s10], $0x80  }
0x23: {  	s16 =	simm.s32 $0x200;
	[sflag:s10] =	ssyncset.done $0x0  }
.LBB2_2:
0x24: {  	s17 =	sshra.s32 s16, $0x2;
	[sflag:s10] =	ssyncadd.s32 $0xFFFFFF80;
	p0 =	sne.s32 s16, $0x4E00  }
0x25: {  	[spmem:s2] =	stream.indirect.scatter.add.f32 [tilespmem:s12], [sflag:$0x1], $0x1, s17, s11, $0xb8;
	[tilespmem:$0x1700] =	vst v63  }
.Ltmp0:
0x26: {  	_ = 	snop;
	(pc) =	sbr.rel @p0 .LBB2_2-.Ltmp0, $4  }
0x27: {  	_ = 	snop  }
0x28: {  	s16 =	sadd.s32 $0x200, s16  }
0x29: {  	_ =	swait.ge [sflag:s10], $0x80  }
0x2a: {  	[sflag:s10] =	ssyncset.done $0x0  }
0x2b: {  	s15 =	sadd.s32 $0x1, s15  }
0x2c: {  	[sflag:s10] =	ssyncadd.s32 $0xFFFFFF80;
	p0 =	sne.s32 s15, s8  }
.Ltmp1:
0x2d: {  	[bflag:$0x0] =	sbarrier.arrive $0xFFFF;
	(pc) =	sbr.rel @p0 .LBB2_1-.Ltmp1, $4  }
0x2e: {  	[hbm:s7@s13], [sflag:s5] =	dma.strided [spmem:s9@s14], $0x50, s10, $0x10   }
0x2f: {  	_ =	swait.ge [sflag:s10], $0x50  }
0x30: {  	[sflag:s10] =	ssyncset.done $0x0  }
0x31: {  	[sflag:s10] =	ssyncadd.s32 $0xFFFFFFB0  }
0x32: {  	_ =	sfence.sel $0x180000  }
0x33: {  	[bflag:$0x0] =	sbarrier.arrive $0xFFFF  }
0x34: {  	p0 =	sne.s32 s1, $0x0;
	_ =	strace $0x90000047  }
0x35: {  	s0 =	sadd.s32 @!p0 $0x100000, s0;
	[bflag:$0x2] =	sbarrier.arrive $0xFFFF  }
0x36: {  	[sflag:s0] =	ssyncadd.tile.s32 @!p0 $0x1;
	_ =	shalt  }
.Lfunc_end2:
_tile_overlayer_lowered:
.L_overlay_start_2:
0x37: {  	(tag) =	ssettag $0x2  }
0x38: {  	s0 =	rddreg [dreg:$0x0];
	s2 =	stileid.u32  }
0x39: {  	s1 =	rddreg [dreg:$0x1];
	p0 =	sne.s32 s2, $0x0  }
0x3a: {  	s3 =	rddreg [dreg:$0x2];
	[bflag:$0x3] =	sbarrier.arrive $0xFFFF;
	s2 =	simm.s32 @!p0 $0x1C01  }
0x3b: {  	[timem:s3], [sflag:s2] =	dma.local @!p0 [hbm:s0], s1  }
0x3c: {  	s0 =	simm.s32 @!p0 $0x1  }
0x3d: {  	_ =	swait.ge @!p0 [sflag:s0], s1  }
0x3e: {  	s1 =	ssub.s32 @!p0 $0x0, s1;
	[sflag:s0] =	ssyncset.done @!p0 $0x0  }
0x3f: {  	[sflag:s0] =	ssyncadd.s32 @!p0 s1  }
0x40: {  	[bflag:$0x3] =	sbarrier.arrive $0xFFFF  }
0x41: {  	_ =	shalt  }

</sc_bundles>
